<compile_context>
chip_gen: v7x
topology: tpu7x:2x2x1
jax: 0.10.2.dev20260603
libtpu: 0.0.44.dev20260713+nightly
codegen_flags: <defaults>
</compile_context>

<pallas_src>
import jax
import jax.numpy as jnp
from jax import lax
from jax.experimental import pallas as pl
from jax.experimental.pallas import tpu as pltpu
from jax.experimental.pallas import tpu_sc as plsc

_N = 50000
_G = 64
_E = 800000
_E2 = _E // 2

_EPT = _E // 16
_K = 80
_KH = _K // 2
_HALF = 25088
_NP2 = 2 * _HALF
_NR2 = _NP2 // 128
_ACC = _HALF
_ZCH = _ACC // 64
_OCH = _HALF // 128
_NCH = _EPT // _K
_PB = _N
_RCH = 3136


def _valu_idx(didx, lidx, lo, i, s):
    hi = lo + _HALF
    lane = lax.iota(jnp.int32, 16)
    for j in range(_K // 16):
        d = didx[pl.ds(j * 16, 16)]
        inh = (d >= lo) & (d < hi)
        poff = (((i + j + s * 4) * 16) & 112) + lane
        didx[pl.ds(j * 16, 16)] = jnp.where(inh, d, _PB + poff)
        lidx[pl.ds(j * 16, 16)] = jnp.where(d >= _HALF, d - _HALF, d)


def _relu_rows(bA, bB, bC):
    def body(rp, _):
        for half in range(2):
            r = rp * 2 + half
            for q in range(4):
                col = q * 16
                m = jnp.maximum(
                    bA[r, pl.ds(col, 16)] + bB[r, pl.ds(col, 16)]
                    + bC[rp, pl.ds(half * 64 + col, 16)], 0.0)
                bA[r, pl.ds(col, 16)] = m
        return 0
    lax.fori_loop(0, _KH, body, 0, unroll=2)


def _edge_body(a_h, b_h, c_h, src_h, dst_h, out_h,
               sidx0, didx0, lidx0, bA0, bB0,
               sidx1, didx1, lidx1, bA1, bB1,
               bC, acc, sI0, sI1, sG0, sG1, sS0, sS1, sC):
    c = lax.axis_index("c")
    s = lax.axis_index("s")
    lo = c * _HALF
    sidx = (sidx0, sidx1)
    didx = (didx0, didx1)
    lidx = (lidx0, lidx1)
    bA = (bA0, bA1)
    bB = (bB0, bB1)
    sI = (sI0, sI1)
    sG = (sG0, sG1)
    sS = (sS0, sS1)

    def zrow(r, _):
        for q in range(4):
            bA0[r, pl.ds(q * 16, 16)] = jnp.zeros((16,), jnp.float32)
        return 0
    lax.fori_loop(0, 64, zrow, 0, unroll=4)

    def zchunk(i, _):
        j = s + i * 16
        pltpu.sync_copy(bA0.at[pl.ds(0, 64)], acc.at[pl.ds(j * 64, 64)])
        return 0
    lax.fori_loop(0, (_ZCH - s + 15) // 16, zchunk, 0)
    plsc.subcore_barrier()

    ebase = s * _EPT
    cbase = s * (_EPT // 2)

    def issue_idx(i, b):
        pltpu.async_copy(src_h.at[pl.ds(ebase + i * _K, _K)], sidx[b], sI[b])
        pltpu.async_copy(dst_h.at[pl.ds(ebase + i * _K, _K)], didx[b], sI[b])

    def wait_idx(b):
        pltpu.make_async_copy(src_h.at[pl.ds(0, _K)], sidx[b], sI[b]).wait()
        pltpu.make_async_copy(dst_h.at[pl.ds(0, _K)], didx[b], sI[b]).wait()

    def issue_gathers(b):
        pltpu.async_copy(a_h.at[sidx[b]], bA[b], sG[b])
        pltpu.async_copy(b_h.at[didx[b]], bB[b], sG[b])

    def wait_gathers(b):
        pltpu.make_async_copy(a_h.at[sidx[b]], bA[b], sG[b]).wait()
        pltpu.make_async_copy(b_h.at[didx[b]], bB[b], sG[b]).wait()

    def issue_scatter(b):
        pltpu.async_copy(bA[b], acc.at[lidx[b]], sS[b], add=True)

    def wait_scatter(b):
        pltpu.make_async_copy(bA[b], acc.at[lidx[b]], sS[b]).wait()

    issue_idx(0, 0)
    wait_idx(0)
    _valu_idx(didx[0], lidx[0], lo, 0, s)
    issue_gathers(0)
    issue_idx(1, 1)

    def body(i, _):
        b = lax.rem(i, 2)
        pltpu.async_copy(c_h.at[pl.ds(cbase + i * _KH, _KH)], bC, sC)
        for bb in range(2):

            @pl.when(b == bb)
            def _():
                bo = 1 - bb

                @pl.when(i >= 1)
                def _():
                    wait_scatter(bo)

                @pl.when(i + 1 < _NCH)
                def _():
                    wait_idx(bo)
                    _valu_idx(didx[bo], lidx[bo], lo, i + 1, s)
                    issue_gathers(bo)
                pltpu.make_async_copy(c_h.at[pl.ds(0, _KH)], bC, sC).wait()
                wait_gathers(bb)

                @pl.when(i + 2 < _NCH)
                def _():
                    issue_idx(i + 2, bb)
                _relu_rows(bA[bb], bB[bb], bC)
                issue_scatter(bb)
        return 0
    lax.fori_loop(0, _NCH, body, 0)
    wait_scatter((_NCH - 1) % 2)
    plsc.subcore_barrier()

    def ochunk(i, _):
        j = s + i * 16
        pltpu.sync_copy(acc.at[pl.ds(j * 128, 128)],
                        out_h.at[pl.ds(lo + j * 128, 128)])
        return 0
    lax.fori_loop(0, (_OCH - s + 15) // 16, ochunk, 0)


@jax.jit
def _edge_call(A, B, C, src, dst):
    mesh = plsc.VectorSubcoreMesh(core_axis_name="c", subcore_axis_name="s")
    f = pl.kernel(
        _edge_body,
        out_type=jax.ShapeDtypeStruct((_NP2, 64), jnp.float32),
        mesh=mesh,
        scratch_types=(
            [pltpu.VMEM((_K,), jnp.int32)] * 3
            + [pltpu.VMEM((_K, 64), jnp.float32)] * 2
            + [pltpu.VMEM((_K,), jnp.int32)] * 3
            + [pltpu.VMEM((_K, 64), jnp.float32)] * 2
            + [pltpu.VMEM((_KH, 128), jnp.float32)]
            + [pltpu.VMEM_SHARED((_ACC, 64), jnp.float32)]
            + [pltpu.SemaphoreType.DMA] * 7
        ),
        compiler_params=pltpu.CompilerParams(use_tc_tiling_on_sc=False),
    )
    return f(A, B, C, src, dst)


def _row_poison(vals, i):
    nid = (jax.lax.broadcasted_iota(jnp.int32, (_RCH, 64), 0)
           + i * _RCH)
    return jnp.where(nid < _N, vals, -1e30)


def _prep_body(xu_ref, win_ref, bin_ref, wab_ref, x_ref, a_ref, b_ref):
    i = pl.program_id(0)
    x = jnp.maximum(
        jnp.dot(xu_ref[...], win_ref[...], preferred_element_type=jnp.float32)
        + bin_ref[0, :], 0.0)
    x_ref[...] = x
    a_ref[...] = jnp.dot(x, wab_ref[...][:64], preferred_element_type=jnp.float32)
    b_ref[...] = _row_poison(
        jnp.dot(x, wab_ref[...][64:], preferred_element_type=jnp.float32), i)


def _upd_body(x_ref, agg_ref, oh_ref, zc_ref, wu_ref, bu_ref, wab_ref,
              xn_ref, an_ref, bn_ref):
    i = pl.program_id(0)
    wu = wu_ref[...]
    gu = jnp.dot(zc_ref[...], wu[128:], preferred_element_type=jnp.float32)
    gn = jnp.dot(oh_ref[...], gu, preferred_element_type=jnp.float32)
    x = x_ref[...]
    xn = jnp.maximum(
        x + jnp.dot(x, wu[:64], preferred_element_type=jnp.float32)
        + jnp.dot(agg_ref[...], wu[64:128], preferred_element_type=jnp.float32)
        + gn + bu_ref[0, :], 0.0)
    xn_ref[...] = xn
    an_ref[...] = jnp.dot(xn, wab_ref[...][:64], preferred_element_type=jnp.float32)
    bn_ref[...] = _row_poison(
        jnp.dot(xn, wab_ref[...][64:], preferred_element_type=jnp.float32), i)


def _cmat_body(attr2_ref, w_ref, b_ref, c0_ref, c1_ref):
    y = (jnp.dot(attr2_ref[...], w_ref[...], preferred_element_type=jnp.float32)
         + b_ref[0, :])
    c0_ref[...] = y[:, :128]
    c1_ref[...] = y[:, 128:]


def _tail_body(x_ref, w1_ref, b1_ref, w2_ref, b2_ref, ng_ref, p_ref):
    x = x_ref[...]
    h = jnp.maximum(
        jnp.dot(x, w1_ref[...], preferred_element_type=jnp.float32) + b1_ref[0, :], 0.0)
    logit = jnp.dot(h, w2_ref[...], preferred_element_type=jnp.float32) + b2_ref[0, 0]
    lg = jnp.reshape(logit, (_NR2, 128))
    nid = (jax.lax.broadcasted_iota(jnp.int32, (_NR2, 128), 0) * 128
           + jax.lax.broadcasted_iota(jnp.int32, (_NR2, 128), 1))
    lg = jnp.where(nid < _N, lg, -1e30)
    ng = ng_ref[...]
    mxn = jnp.full((_NR2, 128), -1e30, dtype=jnp.float32)
    for g in range(_G):
        mask = ng == g
        mx_g = jnp.max(jnp.where(mask, lg, -1e30))
        mxn = jnp.where(mask, mx_g, mxn)
    z = jnp.exp(lg - mxn)
    sn = jnp.ones((_NR2, 128), dtype=jnp.float32)
    for g in range(_G):
        mask = ng == g
        s_g = jnp.sum(jnp.where(mask, z, 0.0))
        sn = jnp.where(mask, s_g, sn)
    p_ref[...] = z / sn


_ROWSPEC = pl.BlockSpec((_RCH, 64), lambda i: (i, 0))
_NGSPEC = _ROWSPEC


def _full(shape):
    return pl.BlockSpec(shape, lambda i: tuple(0 for _ in shape))


def kernel(x_upd_core, edge_index_core, edge_attr_core, Z_core, Z_block,
           node2graph_core, W_in, b_in, Wm0, bm0, Wu0, bu0, Wm1, bm1,
           Wu1, bu1, W1, b1, W2, b2):
    H = 64
    f32 = jnp.float32
    Z_cat = jnp.concatenate([Z_core, Z_block], axis=-1)
    src = edge_index_core[0]
    dst = edge_index_core[1]
    ng2 = jnp.pad(node2graph_core, (0, _NP2 - _N)).reshape(_NR2, 128)
    oh = (jnp.pad(node2graph_core, (0, _NP2 - _N))[:, None]
          == jnp.arange(_G, dtype=jnp.int32)[None, :]).astype(f32)
    xu_p = jnp.pad(x_upd_core, ((0, _NP2 - _N), (0, 0)))
    attr2 = edge_attr_core.reshape(_E2, 32)

    Wc = jnp.zeros((32, 256), f32)
    Wc = Wc.at[:16, 0:64].set(Wm0[2 * H:])
    Wc = Wc.at[16:, 64:128].set(Wm0[2 * H:])
    Wc = Wc.at[:16, 128:192].set(Wm1[2 * H:])
    Wc = Wc.at[16:, 192:256].set(Wm1[2 * H:])
    bc = jnp.concatenate([bm0, bm0, bm1, bm1]).reshape(1, 256)

    C0, C1 = pl.pallas_call(
        _cmat_body,
        grid=(100,),
        in_specs=[pl.BlockSpec((4000, 32), lambda i: (i, 0)),
                  _full((32, 256)), _full((1, 256))],
        out_specs=[pl.BlockSpec((4000, 128), lambda i: (i, 0)),
                   pl.BlockSpec((4000, 128), lambda i: (i, 0))],
        out_shape=[jax.ShapeDtypeStruct((_E2, 128), f32),
                   jax.ShapeDtypeStruct((_E2, 128), f32)],
    )(attr2, Wc, bc)

    x0, A0, B0 = pl.pallas_call(
        _prep_body,
        grid=(16,),
        in_specs=[_ROWSPEC, _full((64, 64)), _full((1, 64)),
                  _full((128, 64))],
        out_specs=[_ROWSPEC, _ROWSPEC, _ROWSPEC],
        out_shape=[jax.ShapeDtypeStruct((_NP2, 64), f32)] * 3,
    )(xu_p, W_in, b_in.reshape(1, -1), Wm0[:2 * H])

    def upd(x, agg, Wu, bu, Wm_next):
        return pl.pallas_call(
            _upd_body,
            grid=(16,),
            in_specs=[_ROWSPEC, _ROWSPEC, _NGSPEC, _full((64, 128)),
                      _full((256, 64)), _full((1, 64)), _full((128, 64))],
            out_specs=[_ROWSPEC, _ROWSPEC, _ROWSPEC],
            out_shape=[jax.ShapeDtypeStruct((_NP2, 64), f32)] * 3,
        )(x, agg, oh, Z_cat, Wu, bu.reshape(1, -1), Wm_next)

    agg0 = _edge_call(A0, B0, C0, src, dst)
    x1, A1, B1 = upd(x0, agg0, Wu0, bu0, Wm1[:2 * H])
    agg1 = _edge_call(A1, B1, C1, src, dst)
    x2, _, _ = upd(x1, agg1, Wu1, bu1, Wm1[:2 * H])

    p = pl.pallas_call(
        _tail_body,
        out_shape=jax.ShapeDtypeStruct((_NR2, 128), f32),
    )(x2, W1, b1.reshape(1, -1), W2, b2.reshape(1, 1), ng2)
    return p.reshape(_NP2)[:_N]

# --- scband reference (transcript-rebuilt; emitter-appended) ---
"""Pipeline reference for scband-atom-selection-model-3667902070806 (READ-ONLY COPY).

The authoritative reference and input builder live on the scoring server;
editing this copy changes nothing except your own understanding.
"""

import jax, jax.numpy as jnp
import numpy as np

N = 50000
E = 800000
H = 64
ED = 16
G = 64
GD = 128  # core_graph_vector_dim + block_graph_vector_dim


def setup_inputs(seed: int = 0) -> dict:
    key = jax.random.key(seed)
    ks = jax.random.split(key, 24)
    inp = {}
    inp["x_upd_core"] = jax.random.normal(ks[0], (N, H), dtype=jnp.float32)
    inp["edge_index_core"] = jax.random.randint(ks[1], (2, E), 0, N, dtype=jnp.int32)
    inp["edge_attr_core"] = jax.random.normal(ks[2], (E, ED), dtype=jnp.float32)
    inp["Z_core"] = jax.random.normal(ks[3], (G, 64), dtype=jnp.float32)
    inp["Z_block"] = jax.random.normal(ks[4], (G, 64), dtype=jnp.float32)
    inp["node2graph_core"] = jnp.sort(jax.random.randint(ks[5], (N,), 0, G, dtype=jnp.int32))
    # Learned parameters (GraphEmbeddingModel: input proj + 2 message-passing blocks; final MLP)
    s = 0.05
    inp["W_in"] = jax.random.normal(ks[6], (H, H), dtype=jnp.float32) * s
    inp["b_in"] = jnp.zeros((H,), dtype=jnp.float32)
    inp["Wm0"] = jax.random.normal(ks[7], (2 * H + ED, H), dtype=jnp.float32) * s
    inp["bm0"] = jnp.zeros((H,), dtype=jnp.float32)
    inp["Wu0"] = jax.random.normal(ks[8], (2 * H + GD, H), dtype=jnp.float32) * s
    inp["bu0"] = jnp.zeros((H,), dtype=jnp.float32)
    inp["Wm1"] = jax.random.normal(ks[9], (2 * H + ED, H), dtype=jnp.float32) * s
    inp["bm1"] = jnp.zeros((H,), dtype=jnp.float32)
    inp["Wu1"] = jax.random.normal(ks[10], (2 * H + GD, H), dtype=jnp.float32) * s
    inp["bu1"] = jnp.zeros((H,), dtype=jnp.float32)
    inp["W1"] = jax.random.normal(ks[11], (H, H), dtype=jnp.float32) * s
    inp["b1"] = jnp.zeros((H,), dtype=jnp.float32)
    inp["W2"] = jax.random.normal(ks[12], (H, 1), dtype=jnp.float32) * s
    inp["b2"] = jnp.zeros((1,), dtype=jnp.float32)
    return inp


def reference(x_upd_core, edge_index_core, edge_attr_core, Z_core, Z_block,
              node2graph_core, W_in, b_in, Wm0, bm0, Wu0, bu0, Wm1, bm1,
              Wu1, bu1, W1, b1, W2, b2):
    # Z_cat = torch.cat([Z_core, Z_block], dim=-1)
    Z_cat = jnp.concatenate([Z_core, Z_block], axis=-1)  # [G, GD]
    g_node = jnp.take(Z_cat, node2graph_core, axis=0)    # broadcast global vector to nodes [N, GD]

    # GraphEmbeddingModel: node input projection
    x = jax.nn.relu(x_upd_core @ W_in + b_in)
    src = edge_index_core[0]
    dst = edge_index_core[1]

    # n_block = 2 message-passing blocks (message MLP over [x_src, x_dst, edge_attr],
    # sum-aggregate to dst, node update conditioned on global vector, residual)
    for (Wm, bm, Wu, bu) in ((Wm0, bm0, Wu0, bu0), (Wm1, bm1, Wu1, bu1)):
        x_src = jnp.take(x, src, axis=0)
        x_dst = jnp.take(x, dst, axis=0)
        m = jax.nn.relu(jnp.concatenate([x_src, x_dst, edge_attr_core], axis=-1) @ Wm + bm)
        agg = jax.ops.segment_sum(m, dst, num_segments=x.shape[0])
        x = jax.nn.relu(x + jnp.concatenate([x, agg, g_node], axis=-1) @ Wu + bu)

    # self.mlp: Linear(relu) -> Linear(None), squeeze(-1)
    h = jax.nn.relu(x @ W1 + b1)
    logit = (h @ W2 + b2).squeeze(-1)  # [N]

    # scatter_softmax(logit, node2graph_core)
    ng = Z_core.shape[0]
    mx = jax.ops.segment_max(logit, node2graph_core, num_segments=ng)
    z = jnp.exp(logit - jnp.take(mx, node2graph_core, axis=0))
    s = jax.ops.segment_sum(z, node2graph_core, num_segments=ng)
    p = z / jnp.take(s, node2graph_core, axis=0)
    return p

if __name__ == "__main__":
    import jax
    _d = setup_inputs()
    print(jax.jit(kernel)(*tuple(_d.values())))

</pallas_src>

<mosaic_0001>
#map = affine_map<(d0, d1) -> (0, 0)>
#map1 = affine_map<(d0, d1) -> (0)>
module attributes {stable_mosaic.version = 14 : i64} {
  func.func @_edge_body(%arg0: i32, %arg1: i32, %arg2: memref<50176x64xf32, #tpu.memory_space<hbm>>, %arg3: memref<50176x64xf32, #tpu.memory_space<hbm>>, %arg4: memref<400000x128xf32, #tpu.memory_space<hbm>>, %arg5: memref<800000xi32, #tpu.memory_space<hbm>>, %arg6: memref<800000xi32, #tpu.memory_space<hbm>>, %arg7: memref<50176x64xf32, #tpu.memory_space<hbm>>, %arg8: memref<80xi32, #tpu.memory_space<vmem>>, %arg9: memref<80xi32, #tpu.memory_space<vmem>>, %arg10: memref<80xi32, #tpu.memory_space<vmem>>, %arg11: memref<80x64xf32, #tpu.memory_space<vmem>>, %arg12: memref<80x64xf32, #tpu.memory_space<vmem>>, %arg13: memref<80xi32, #tpu.memory_space<vmem>>, %arg14: memref<80xi32, #tpu.memory_space<vmem>>, %arg15: memref<80xi32, #tpu.memory_space<vmem>>, %arg16: memref<80x64xf32, #tpu.memory_space<vmem>>, %arg17: memref<80x64xf32, #tpu.memory_space<vmem>>, %arg18: memref<40x128xf32, #tpu.memory_space<vmem>>, %arg19: memref<25088x64xf32, #tpu.memory_space<vmem_shared>>, %arg20: memref<!tpu.dma_semaphore, #tpu.memory_space<semaphore_mem>>, %arg21: memref<!tpu.dma_semaphore, #tpu.memory_space<semaphore_mem>>, %arg22: memref<!tpu.dma_semaphore, #tpu.memory_space<semaphore_mem>>, %arg23: memref<!tpu.dma_semaphore, #tpu.memory_space<semaphore_mem>>, %arg24: memref<!tpu.dma_semaphore, #tpu.memory_space<semaphore_mem>>, %arg25: memref<!tpu.dma_semaphore, #tpu.memory_space<semaphore_mem>>, %arg26: memref<!tpu.dma_semaphore, #tpu.memory_space<semaphore_mem>>) attributes {dimension_semantics = [#tpu.dimension_semantics<core_parallel>, #tpu.dimension_semantics<subcore_parallel>], iteration_bounds = array<i64: 2, 16>, scalar_prefetch = 0 : i64, scratch_operands = 19 : i64, tpu.core_type = #tpu.core_type<sc_vector_subcore>, window_params = [{transform_indices = #map}, {transform_indices = #map}, {transform_indices = #map}, {transform_indices = #map1}, {transform_indices = #map1}, {transform_indices = #map}]} {
    %mul3A = arith.constant 25088 : i32
    %mul3A_0 = arith.muli %arg0, %mul3A : i32
    %scan3A = arith.constant 0 : i32
    %scan3A_1 = arith.constant 0 : i32
    %scan3A_2 = arith.constant 64 : i32
    %scan3A_3 = arith.addi %scan3A_1, %scan3A_2 : i32
    %scan3A_4 = arith.constant 4 : i32
    %scan3A_5 = scf.for %scan3A_303 = %scan3A_1 to %scan3A_3 step %scan3A_4 iter_args(%scan3A_304 = %scan3A) -> (i32)  : i32 {
      %broadcast_in_dim3A = arith.constant 0.000000e+00 : f32
      %broadcast_in_dim3A_305 = vector.broadcast %broadcast_in_dim3A : f32 to vector<16xf32>
      %swap3A_306 = arith.index_cast %scan3A_303 : i32 to index
      %swap3A_307 = arith.constant 0 : index
      %swap3A_308 = tpu.vector_load %arg11[%swap3A_306, %swap3A_307] {strides = array<i32>} : memref<80x64xf32, #tpu.memory_space<vmem>>, vector<1x16xf32>,
      %swap3A_309 = vector.shape_cast %swap3A_308 : vector<1x16xf32> to vector<16xf32>
      %swap3A_310 = vector.shape_cast %broadcast_in_dim3A_305 : vector<16xf32> to vector<1x16xf32>
      tpu.vector_store %arg11[%swap3A_306, %swap3A_307], %swap3A_310 {strides = array<i32>} : memref<80x64xf32, #tpu.memory_space<vmem>>, vector<1x16xf32>,
      %broadcast_in_dim3A_311 = arith.constant 0.000000e+00 : f32
      %broadcast_in_dim3A_312 = vector.broadcast %broadcast_in_dim3A_311 : f32 to vector<16xf32>
      %swap3A_313 = arith.index_cast %scan3A_303 : i32 to index
      %swap3A_314 = arith.constant 16 : index
      %swap3A_315 = tpu.vector_load %arg11[%swap3A_313, %swap3A_314] {strides = array<i32>} : memref<80x64xf32, #tpu.memory_space<vmem>>, vector<1x16xf32>,
      %swap3A_316 = vector.shape_cast %swap3A_315 : vector<1x16xf32> to vector<16xf32>
      %swap3A_317 = vector.shape_cast %broadcast_in_dim3A_312 : vector<16xf32> to vector<1x16xf32>
      tpu.vector_store %arg11[%swap3A_313, %swap3A_314], %swap3A_317 {strides = array<i32>} : memref<80x64xf32, #tpu.memory_space<vmem>>, vector<1x16xf32>,
      %broadcast_in_dim3A_318 = arith.constant 0.000000e+00 : f32
      %broadcast_in_dim3A_319 = vector.broadcast %broadcast_in_dim3A_318 : f32 to vector<16xf32>
      %swap3A_320 = arith.index_cast %scan3A_303 : i32 to index
      %swap3A_321 = arith.constant 32 : index
      %swap3A_322 = tpu.vector_load %arg11[%swap3A_320, %swap3A_321] {strides = array<i32>} : memref<80x64xf32, #tpu.memory_space<vmem>>, vector<1x16xf32>,
      %swap3A_323 = vector.shape_cast %swap3A_322 : vector<1x16xf32> to vector<16xf32>
      %swap3A_324 = vector.shape_cast %broadcast_in_dim3A_319 : vector<16xf32> to vector<1x16xf32>
      tpu.vector_store %arg11[%swap3A_320, %swap3A_321], %swap3A_324 {strides = array<i32>} : memref<80x64xf32, #tpu.memory_space<vmem>>, vector<1x16xf32>,
      %broadcast_in_dim3A_325 = arith.constant 0.000000e+00 : f32
      %broadcast_in_dim3A_326 = vector.broadcast %broadcast_in_dim3A_325 : f32 to vector<16xf32>
      %swap3A_327 = arith.index_cast %scan3A_303 : i32 to index
      %swap3A_328 = arith.constant 48 : index
      %swap3A_329 = tpu.vector_load %arg11[%swap3A_327, %swap3A_328] {strides = array<i32>} : memref<80x64xf32, #tpu.memory_space<vmem>>, vector<1x16xf32>,
      %swap3A_330 = vector.shape_cast %swap3A_329 : vector<1x16xf32> to vector<16xf32>
      %swap3A_331 = vector.shape_cast %broadcast_in_dim3A_326 : vector<16xf32> to vector<1x16xf32>
      tpu.vector_store %arg11[%swap3A_327, %swap3A_328], %swap3A_331 {strides = array<i32>} : memref<80x64xf32, #tpu.memory_space<vmem>>, vector<1x16xf32>,
      %scan3A_332 = arith.constant 0 : i32
      %scan3A_333 = arith.constant 1 : i32
      %scan3A_334 = arith.addi %scan3A_303, %scan3A_333 : i32
      %broadcast_in_dim3A_335 = arith.constant 0.000000e+00 : f32
      %broadcast_in_dim3A_336 = vector.broadcast %broadcast_in_dim3A_335 : f32 to vector<16xf32>
      %swap3A_337 = arith.index_cast %scan3A_334 : i32 to index
      %swap3A_338 = arith.constant 0 : index
      %swap3A_339 = tpu.vector_load %arg11[%swap3A_337, %swap3A_338] {strides = array<i32>} : memref<80x64xf32, #tpu.memory_space<vmem>>, vector<1x16xf32>,
      %swap3A_340 = vector.shape_cast %swap3A_339 : vector<1x16xf32> to vector<16xf32>
      %swap3A_341 = vector.shape_cast %broadcast_in_dim3A_336 : vector<16xf32> to vector<1x16xf32>
      tpu.vector_store %arg11[%swap3A_337, %swap3A_338], %swap3A_341 {strides = array<i32>} : memref<80x64xf32, #tpu.memory_space<vmem>>, vector<1x16xf32>,
      %broadcast_in_dim3A_342 = arith.constant 0.000000e+00 : f32
      %broadcast_in_dim3A_343 = vector.broadcast %broadcast_in_dim3A_342 : f32 to vector<16xf32>
      %swap3A_344 = arith.index_cast %scan3A_334 : i32 to index
      %swap3A_345 = arith.constant 16 : index
      %swap3A_346 = tpu.vector_load %arg11[%swap3A_344, %swap3A_345] {strides = array<i32>} : memref<80x64xf32, #tpu.memory_space<vmem>>, vector<1x16xf32>,
      %swap3A_347 = vector.shape_cast %swap3A_346 : vector<1x16xf32> to vector<16xf32>
      %swap3A_348 = vector.shape_cast %broadcast_in_dim3A_343 : vector<16xf32> to vector<1x16xf32>
      tpu.vector_store %arg11[%swap3A_344, %swap3A_345], %swap3A_348 {strides = array<i32>} : memref<80x64xf32, #tpu.memory_space<vmem>>, vector<1x16xf32>,
      %broadcast_in_dim3A_349 = arith.constant 0.000000e+00 : f32
      %broadcast_in_dim3A_350 = vector.broadcast %broadcast_in_dim3A_349 : f32 to vector<16xf32>
      %swap3A_351 = arith.index_cast %scan3A_334 : i32 to index
      %swap3A_352 = arith.constant 32 : index
      %swap3A_353 = tpu.vector_load %arg11[%swap3A_351, %swap3A_352] {strides = array<i32>} : memref<80x64xf32, #tpu.memory_space<vmem>>, vector<1x16xf32>,
      %swap3A_354 = vector.shape_cast %swap3A_353 : vector<1x16xf32> to vector<16xf32>
      %swap3A_355 = vector.shape_cast %broadcast_in_dim3A_350 : vector<16xf32> to vector<1x16xf32>
      tpu.vector_store %arg11[%swap3A_351, %swap3A_352], %swap3A_355 {strides = array<i32>} : memref<80x64xf32, #tpu.memory_space<vmem>>, vector<1x16xf32>,
      %broadcast_in_dim3A_356 = arith.constant 0.000000e+00 : f32
      %broadcast_in_dim3A_357 = vector.broadcast %broadcast_in_dim3A_356 : f32 to vector<16xf32>
      %swap3A_358 = arith.index_cast %scan3A_334 : i32 to index
      %swap3A_359 = arith.constant 48 : index
      %swap3A_360 = tpu.vector_load %arg11[%swap3A_358, %swap3A_359] {strides = array<i32>} : memref<80x64xf32, #tpu.memory_space<vmem>>, vector<1x16xf32>,
      %swap3A_361 = vector.shape_cast %swap3A_360 : vector<1x16xf32> to vector<16xf32>
      %swap3A_362 = vector.shape_cast %broadcast_in_dim3A_357 : vector<16xf32> to vector<1x16xf32>
      tpu.vector_store %arg11[%swap3A_358, %swap3A_359], %swap3A_362 {strides = array<i32>} : memref<80x64xf32, #tpu.memory_space<vmem>>, vector<1x16xf32>,
      %scan3A_363 = arith.constant 0 : i32
      %scan3A_364 = arith.constant 2 : i32
      %scan3A_365 = arith.addi %scan3A_303, %scan3A_364 : i32
      %broadcast_in_dim3A_366 = arith.constant 0.000000e+00 : f32
      %broadcast_in_dim3A_367 = vector.broadcast %broadcast_in_dim3A_366 : f32 to vector<16xf32>
      %swap3A_368 = arith.index_cast %scan3A_365 : i32 to index
      %swap3A_369 = arith.constant 0 : index
      %swap3A_370 = tpu.vector_load %arg11[%swap3A_368, %swap3A_369] {strides = array<i32>} : memref<80x64xf32, #tpu.memory_space<vmem>>, vector<1x16xf32>,
      %swap3A_371 = vector.shape_cast %swap3A_370 : vector<1x16xf32> to vector<16xf32>
      %swap3A_372 = vector.shape_cast %broadcast_in_dim3A_367 : vector<16xf32> to vector<1x16xf32>
      tpu.vector_store %arg11[%swap3A_368, %swap3A_369], %swap3A_372 {strides = array<i32>} : memref<80x64xf32, #tpu.memory_space<vmem>>, vector<1x16xf32>,
      %broadcast_in_dim3A_373 = arith.constant 0.000000e+00 : f32
      %broadcast_in_dim3A_374 = vector.broadcast %broadcast_in_dim3A_373 : f32 to vector<16xf32>
      %swap3A_375 = arith.index_cast %scan3A_365 : i32 to index
      %swap3A_376 = arith.constant 16 : index
      %swap3A_377 = tpu.vector_load %arg11[%swap3A_375, %swap3A_376] {strides = array<i32>} : memref<80x64xf32, #tpu.memory_space<vmem>>, vector<1x16xf32>,
      %swap3A_378 = vector.shape_cast %swap3A_377 : vector<1x16xf32> to vector<16xf32>
      %swap3A_379 = vector.shape_cast %broadcast_in_dim3A_374 : vector<16xf32> to vector<1x16xf32>
      tpu.vector_store %arg11[%swap3A_375, %swap3A_376], %swap3A_379 {strides = array<i32>} : memref<80x64xf32, #tpu.memory_space<vmem>>, vector<1x16xf32>,
      %broadcast_in_dim3A_380 = arith.constant 0.000000e+00 : f32
      %broadcast_in_dim3A_381 = vector.broadcast %broadcast_in_dim3A_380 : f32 to vector<16xf32>
      %swap3A_382 = arith.index_cast %scan3A_365 : i32 to index
      %swap3A_383 = arith.constant 32 : index
      %swap3A_384 = tpu.vector_load %arg11[%swap3A_382, %swap3A_383] {strides = array<i32>} : memref<80x64xf32, #tpu.memory_space<vmem>>, vector<1x16xf32>,
      %swap3A_385 = vector.shape_cast %swap3A_384 : vector<1x16xf32> to vector<16xf32>
      %swap3A_386 = vector.shape_cast %broadcast_in_dim3A_381 : vector<16xf32> to vector<1x16xf32>
      tpu.vector_store %arg11[%swap3A_382, %swap3A_383], %swap3A_386 {strides = array<i32>} : memref<80x64xf32, #tpu.memory_space<vmem>>, vector<1x16xf32>,
      %broadcast_in_dim3A_387 = arith.constant 0.000000e+00 : f32
      %broadcast_in_dim3A_388 = vector.broadcast %broadcast_in_dim3A_387 : f32 to vector<16xf32>
      %swap3A_389 = arith.index_cast %scan3A_365 : i32 to index
      %swap3A_390 = arith.constant 48 : index
      %swap3A_391 = tpu.vector_load %arg11[%swap3A_389, %swap3A_390] {strides = array<i32>} : memref<80x64xf32, #tpu.memory_space<vmem>>, vector<1x16xf32>,
      %swap3A_392 = vector.shape_cast %swap3A_391 : vector<1x16xf32> to vector<16xf32>
      %swap3A_393 = vector.shape_cast %broadcast_in_dim3A_388 : vector<16xf32> to vector<1x16xf32>
      tpu.vector_store %arg11[%swap3A_389, %swap3A_390], %swap3A_393 {strides = array<i32>} : memref<80x64xf32, #tpu.memory_space<vmem>>, vector<1x16xf32>,
      %scan3A_394 = arith.constant 0 : i32
      %scan3A_395 = arith.constant 3 : i32
      %scan3A_396 = arith.addi %scan3A_303, %scan3A_395 : i32
      %broadcast_in_dim3A_397 = arith.constant 0.000000e+00 : f32
      %broadcast_in_dim3A_398 = vector.broadcast %broadcast_in_dim3A_397 : f32 to vector<16xf32>
      %swap3A_399 = arith.index_cast %scan3A_396 : i32 to index
      %swap3A_400 = arith.constant 0 : index
      %swap3A_401 = tpu.vector_load %arg11[%swap3A_399, %swap3A_400] {strides = array<i32>} : memref<80x64xf32, #tpu.memory_space<vmem>>, vector<1x16xf32>,
      %swap3A_402 = vector.shape_cast %swap3A_401 : vector<1x16xf32> to vector<16xf32>
      %swap3A_403 = vector.shape_cast %broadcast_in_dim3A_398 : vector<16xf32> to vector<1x16xf32>
      tpu.vector_store %arg11[%swap3A_399, %swap3A_400], %swap3A_403 {strides = array<i32>} : memref<80x64xf32, #tpu.memory_space<vmem>>, vector<1x16xf32>,
      %broadcast_in_dim3A_404 = arith.constant 0.000000e+00 : f32
      %broadcast_in_dim3A_405 = vector.broadcast %broadcast_in_dim3A_404 : f32 to vector<16xf32>
      %swap3A_406 = arith.index_cast %scan3A_396 : i32 to index
      %swap3A_407 = arith.constant 16 : index
      %swap3A_408 = tpu.vector_load %arg11[%swap3A_406, %swap3A_407] {strides = array<i32>} : memref<80x64xf32, #tpu.memory_space<vmem>>, vector<1x16xf32>,
      %swap3A_409 = vector.shape_cast %swap3A_408 : vector<1x16xf32> to vector<16xf32>
      %swap3A_410 = vector.shape_cast %broadcast_in_dim3A_405 : vector<16xf32> to vector<1x16xf32>
      tpu.vector_store %arg11[%swap3A_406, %swap3A_407], %swap3A_410 {strides = array<i32>} : memref<80x64xf32, #tpu.memory_space<vmem>>, vector<1x16xf32>,
      %broadcast_in_dim3A_411 = arith.constant 0.000000e+00 : f32
      %broadcast_in_dim3A_412 = vector.broadcast %broadcast_in_dim3A_411 : f32 to vector<16xf32>
      %swap3A_413 = arith.index_cast %scan3A_396 : i32 to index
      %swap3A_414 = arith.constant 32 : index
      %swap3A_415 = tpu.vector_load %arg11[%swap3A_413, %swap3A_414] {strides = array<i32>} : memref<80x64xf32, #tpu.memory_space<vmem>>, vector<1x16xf32>,
      %swap3A_416 = vector.shape_cast %swap3A_415 : vector<1x16xf32> to vector<16xf32>
      %swap3A_417 = vector.shape_cast %broadcast_in_dim3A_412 : vector<16xf32> to vector<1x16xf32>
      tpu.vector_store %arg11[%swap3A_413, %swap3A_414], %swap3A_417 {strides = array<i32>} : memref<80x64xf32, #tpu.memory_space<vmem>>, vector<1x16xf32>,
      %broadcast_in_dim3A_418 = arith.constant 0.000000e+00 : f32
      %broadcast_in_dim3A_419 = vector.broadcast %broadcast_in_dim3A_418 : f32 to vector<16xf32>
      %swap3A_420 = arith.index_cast %scan3A_396 : i32 to index
      %swap3A_421 = arith.constant 48 : index
      %swap3A_422 = tpu.vector_load %arg11[%swap3A_420, %swap3A_421] {strides = array<i32>} : memref<80x64xf32, #tpu.memory_space<vmem>>, vector<1x16xf32>,
      %swap3A_423 = vector.shape_cast %swap3A_422 : vector<1x16xf32> to vector<16xf32>
      %swap3A_424 = vector.shape_cast %broadcast_in_dim3A_419 : vector<16xf32> to vector<1x16xf32>
      tpu.vector_store %arg11[%swap3A_420, %swap3A_421], %swap3A_424 {strides = array<i32>} : memref<80x64xf32, #tpu.memory_space<vmem>>, vector<1x16xf32>,
      %scan3A_425 = arith.constant 0 : i32
      scf.yield %scan3A_425 : i32
    }
    %scan3A_6 = arith.constant 64 : i32
    %sub3A = arith.constant 392 : i32
    %sub3A_7 = arith.subi %sub3A, %arg1 : i32
    %add3A = arith.constant 15 : i32
    %add3A_8 = arith.addi %sub3A_7, %add3A : i32
    %jit3A = arith.constant 16 : i32
    %div3A = arith.divsi %add3A_8, %jit3A : i32
    %sign3A = arith.constant 0 : i32
    %sign3A_9 = arith.cmpi sgt, %add3A_8, %sign3A : i32
    %sign3A_10 = arith.extui %sign3A_9 : i1 to i32
    %sign3A_11 = arith.constant 0 : i32
    %sign3A_12 = arith.cmpi slt, %add3A_8, %sign3A_11 : i32
    %sign3A_13 = arith.extui %sign3A_12 : i1 to i32
    %sign3A_14 = arith.subi %sign3A_10, %sign3A_13 : i32
    %sign3A_15 = arith.constant 0 : i32
    %sign3A_16 = arith.cmpi sgt, %jit3A, %sign3A_15 : i32
    %sign3A_17 = arith.extui %sign3A_16 : i1 to i32
    %sign3A_18 = arith.constant 0 : i32
    %sign3A_19 = arith.cmpi slt, %jit3A, %sign3A_18 : i32
    %sign3A_20 = arith.extui %sign3A_19 : i1 to i32
    %sign3A_21 = arith.subi %sign3A_17, %sign3A_20 : i32
    %ne3A = arith.cmpi ne, %sign3A_14, %sign3A_21 : i32
    %rem3A = arith.remsi %add3A_8, %jit3A : i32
    %ne3A_22 = arith.constant 0 : i32
    %ne3A_23 = arith.cmpi ne, %rem3A, %ne3A_22 : i32
    %and3A = arith.andi %ne3A, %ne3A_23 : i1
    %sub3A_24 = arith.constant 1 : i32
    %sub3A_25 = arith.subi %div3A, %sub3A_24 : i32
    %select_n3A = arith.select %and3A, %sub3A_25, %div3A : i32
    %while3A = arith.constant 0 : i32
    %while3A_26 = arith.constant 0 : i32
    %while3A_27 = arith.subi %select_n3A, %while3A : i32
    %while3A_28 = arith.addi %while3A, %while3A_27 : i32
    %while3A_29 = arith.constant 1 : i32
    %while3A_30 = arith.divsi %while3A_27, %while3A_29 : i32
    %while3A_31 = arith.muli %while3A_30, %while3A_29 : i32
    %while3A_32 = arith.addi %while3A, %while3A_31 : i32
    %while3A_33 = arith.constant 1 : i32
    %while3A_34 = scf.for %while3A_303 = %while3A to %while3A_32 step %while3A_33 iter_args(%while3A_304 = %while3A_26) -> (i32)  : i32 {
      %mul3A_305 = arith.constant 16 : i32
      %mul3A_306 = arith.muli %while3A_303, %mul3A_305 : i32
      %add3A_307 = arith.addi %arg1, %mul3A_306 : i32
      %mul3A_308 = arith.constant 64 : i32
      %mul3A_309 = arith.muli %add3A_307, %mul3A_308 : i32
      "tpu.region"() ({
        %run_scoped3A = tpu.sem_alloc : memref<!tpu.dma_semaphore, #tpu.memory_space<semaphore_mem>>
        %dma_start3A_311 = arith.constant 0 : i32
        %dma_start3A_312 = arith.constant 0 : i32
        %dma_start3A_313 = tpu.memref_slice %arg11[%dma_start3A_311, %dma_start3A_312] : memref<80x64xf32, #tpu.memory_space<vmem>> -> memref<64x64xf32, #tpu.memory_space<vmem>>
        %dma_start3A_314 = arith.constant 0 : i32
        %dma_start3A_315 = tpu.memref_slice %arg19[%mul3A_309, %dma_start3A_314] : memref<25088x64xf32, #tpu.memory_space<vmem_shared>> -> memref<64x64xf32, #tpu.memory_space<vmem_shared>>
        %dma_start3A_316 = arith.constant 0 : i32
        %dma_start3A_317 = tpu.memref_slice %arg19[%mul3A_309, %dma_start3A_316] : memref<25088x64xf32, #tpu.memory_space<vmem_shared>> -> memref<64x64xf32, #tpu.memory_space<vmem_shared>>
        %dma_start3A_318 = arith.constant 0 : i32
        %dma_start3A_319 = arith.constant 0 : i32
        %dma_start3A_320 = tpu.memref_slice %arg11[%dma_start3A_318, %dma_start3A_319] : memref<80x64xf32, #tpu.memory_space<vmem>> -> memref<64x64xf32, #tpu.memory_space<vmem>>
        tpu.enqueue_dma source(%dma_start3A_320 : memref<64x64xf32, #tpu.memory_space<vmem>>) target(%dma_start3A_317 : memref<64x64xf32, #tpu.memory_space<vmem_shared>>) target_semaphore(%run_scoped3A : memref<!tpu.dma_semaphore, #tpu.memory_space<semaphore_mem>>)
        %dma_wait3A_321 = arith.constant 0 : i32
        %dma_wait3A_322 = arith.constant 0 : i32
        %dma_wait3A_323 = tpu.memref_slice %arg11[%dma_wait3A_321, %dma_wait3A_322] : memref<80x64xf32, #tpu.memory_space<vmem>> -> memref<64x64xf32, #tpu.memory_space<vmem>>
        %dma_wait3A_324 = arith.constant 0 : i32
        %dma_wait3A_325 = tpu.memref_slice %arg19[%mul3A_309, %dma_wait3A_324] : memref<25088x64xf32, #tpu.memory_space<vmem_shared>> -> memref<64x64xf32, #tpu.memory_space<vmem_shared>>
        %dma_wait3A_326 = arith.constant 0 : i32
        %dma_wait3A_327 = tpu.memref_slice %arg19[%mul3A_309, %dma_wait3A_326] : memref<25088x64xf32, #tpu.memory_space<vmem_shared>> -> memref<64x64xf32, #tpu.memory_space<vmem_shared>>
        %dma_wait3A_328 = arith.constant 0 : i32
        %dma_wait3A_329 = arith.constant 0 : i32
        %dma_wait3A_330 = tpu.memref_slice %arg11[%dma_wait3A_328, %dma_wait3A_329] : memref<80x64xf32, #tpu.memory_space<vmem>> -> memref<64x64xf32, #tpu.memory_space<vmem>>
        tpu.wait_dma2 semaphore(%run_scoped3A : memref<!tpu.dma_semaphore, #tpu.memory_space<semaphore_mem>>) src(%dma_wait3A_330 : memref<64x64xf32, #tpu.memory_space<vmem>>) dst(%dma_wait3A_327 : memref<64x64xf32, #tpu.memory_space<vmem_shared>>)
        tpu.yield
      }) : () -> ()
      %while3A_310 = arith.constant 0 : i32
      scf.yield %while3A_310 : i32
    }
    %while3A_35 = arith.constant 1 : i32
    %while3A_36 = scf.for %while3A_303 = %while3A_32 to %while3A_28 step %while3A_35 iter_args(%while3A_304 = %while3A_34) -> (i32)  : i32 {
      %mul3A_305 = arith.constant 16 : i32
      %mul3A_306 = arith.muli %while3A_303, %mul3A_305 : i32
      %add3A_307 = arith.addi %arg1, %mul3A_306 : i32
      %mul3A_308 = arith.constant 64 : i32
      %mul3A_309 = arith.muli %add3A_307, %mul3A_308 : i32
      "tpu.region"() ({
        %run_scoped3A = tpu.sem_alloc : memref<!tpu.dma_semaphore, #tpu.memory_space<semaphore_mem>>
        %dma_start3A_311 = arith.constant 0 : i32
        %dma_start3A_312 = arith.constant 0 : i32
        %dma_start3A_313 = tpu.memref_slice %arg11[%dma_start3A_311, %dma_start3A_312] : memref<80x64xf32, #tpu.memory_space<vmem>> -> memref<64x64xf32, #tpu.memory_space<vmem>>
        %dma_start3A_314 = arith.constant 0 : i32
        %dma_start3A_315 = tpu.memref_slice %arg19[%mul3A_309, %dma_start3A_314] : memref<25088x64xf32, #tpu.memory_space<vmem_shared>> -> memref<64x64xf32, #tpu.memory_space<vmem_shared>>
        %dma_start3A_316 = arith.constant 0 : i32
        %dma_start3A_317 = tpu.memref_slice %arg19[%mul3A_309, %dma_start3A_316] : memref<25088x64xf32, #tpu.memory_space<vmem_shared>> -> memref<64x64xf32, #tpu.memory_space<vmem_shared>>
        %dma_start3A_318 = arith.constant 0 : i32
        %dma_start3A_319 = arith.constant 0 : i32
        %dma_start3A_320 = tpu.memref_slice %arg11[%dma_start3A_318, %dma_start3A_319] : memref<80x64xf32, #tpu.memory_space<vmem>> -> memref<64x64xf32, #tpu.memory_space<vmem>>
        tpu.enqueue_dma source(%dma_start3A_320 : memref<64x64xf32, #tpu.memory_space<vmem>>) target(%dma_start3A_317 : memref<64x64xf32, #tpu.memory_space<vmem_shared>>) target_semaphore(%run_scoped3A : memref<!tpu.dma_semaphore, #tpu.memory_space<semaphore_mem>>)
        %dma_wait3A_321 = arith.constant 0 : i32
        %dma_wait3A_322 = arith.constant 0 : i32
        %dma_wait3A_323 = tpu.memref_slice %arg11[%dma_wait3A_321, %dma_wait3A_322] : memref<80x64xf32, #tpu.memory_space<vmem>> -> memref<64x64xf32, #tpu.memory_space<vmem>>
        %dma_wait3A_324 = arith.constant 0 : i32
        %dma_wait3A_325 = tpu.memref_slice %arg19[%mul3A_309, %dma_wait3A_324] : memref<25088x64xf32, #tpu.memory_space<vmem_shared>> -> memref<64x64xf32, #tpu.memory_space<vmem_shared>>
        %dma_wait3A_326 = arith.constant 0 : i32
        %dma_wait3A_327 = tpu.memref_slice %arg19[%mul3A_309, %dma_wait3A_326] : memref<25088x64xf32, #tpu.memory_space<vmem_shared>> -> memref<64x64xf32, #tpu.memory_space<vmem_shared>>
        %dma_wait3A_328 = arith.constant 0 : i32
        %dma_wait3A_329 = arith.constant 0 : i32
        %dma_wait3A_330 = tpu.memref_slice %arg11[%dma_wait3A_328, %dma_wait3A_329] : memref<80x64xf32, #tpu.memory_space<vmem>> -> memref<64x64xf32, #tpu.memory_space<vmem>>
        tpu.wait_dma2 semaphore(%run_scoped3A : memref<!tpu.dma_semaphore, #tpu.memory_space<semaphore_mem>>) src(%dma_wait3A_330 : memref<64x64xf32, #tpu.memory_space<vmem>>) dst(%dma_wait3A_327 : memref<64x64xf32, #tpu.memory_space<vmem_shared>>)
        tpu.yield
      }) : () -> ()
      %while3A_310 = arith.constant 0 : i32
      scf.yield %while3A_310 : i32
    }
    %barrier3A = arith.constant 0 : index
    tpu.barrier barrier_id(%barrier3A)
    %mul3A_37 = arith.constant 50000 : i32
    %mul3A_38 = arith.muli %arg1, %mul3A_37 : i32
    %mul3A_39 = arith.constant 25000 : i32
    %mul3A_40 = arith.muli %arg1, %mul3A_39 : i32
    %add3A_41 = arith.constant 0 : i32
    %add3A_42 = arith.addi %mul3A_38, %add3A_41 : i32
    %dma_start3A = tpu.memref_slice %arg5[%add3A_42] : memref<800000xi32, #tpu.memory_space<hbm>> -> memref<80xi32, #tpu.memory_space<hbm>>
    %dma_start3A_43 = tpu.memref_slice %arg5[%add3A_42] : memref<800000xi32, #tpu.memory_space<hbm>> -> memref<80xi32, #tpu.memory_space<hbm>>
    tpu.enqueue_dma source(%dma_start3A_43 : memref<80xi32, #tpu.memory_space<hbm>>) target(%arg8 : memref<80xi32, #tpu.memory_space<vmem>>) target_semaphore(%arg20 : memref<!tpu.dma_semaphore, #tpu.memory_space<semaphore_mem>>)
    %add3A_44 = arith.constant 0 : i32
    %add3A_45 = arith.addi %mul3A_38, %add3A_44 : i32
    %dma_start3A_46 = tpu.memref_slice %arg6[%add3A_45] : memref<800000xi32, #tpu.memory_space<hbm>> -> memref<80xi32, #tpu.memory_space<hbm>>
    %dma_start3A_47 = tpu.memref_slice %arg6[%add3A_45] : memref<800000xi32, #tpu.memory_space<hbm>> -> memref<80xi32, #tpu.memory_space<hbm>>
    tpu.enqueue_dma source(%dma_start3A_47 : memref<80xi32, #tpu.memory_space<hbm>>) target(%arg9 : memref<80xi32, #tpu.memory_space<vmem>>) target_semaphore(%arg20 : memref<!tpu.dma_semaphore, #tpu.memory_space<semaphore_mem>>)
    %dma_wait3A = arith.constant 0 : i32
    %dma_wait3A_48 = tpu.memref_slice %arg5[%dma_wait3A] : memref<800000xi32, #tpu.memory_space<hbm>> -> memref<80xi32, #tpu.memory_space<hbm>>
    %dma_wait3A_49 = arith.constant 0 : i32
    %dma_wait3A_50 = tpu.memref_slice %arg5[%dma_wait3A_49] : memref<800000xi32, #tpu.memory_space<hbm>> -> memref<80xi32, #tpu.memory_space<hbm>>
    tpu.wait_dma2 semaphore(%arg20 : memref<!tpu.dma_semaphore, #tpu.memory_space<semaphore_mem>>) src(%dma_wait3A_50 : memref<80xi32, #tpu.memory_space<hbm>>) dst(%arg8 : memref<80xi32, #tpu.memory_space<vmem>>)
    %dma_wait3A_51 = arith.constant 0 : i32
    %dma_wait3A_52 = tpu.memref_slice %arg6[%dma_wait3A_51] : memref<800000xi32, #tpu.memory_space<hbm>> -> memref<80xi32, #tpu.memory_space<hbm>>
    %dma_wait3A_53 = arith.constant 0 : i32
    %dma_wait3A_54 = tpu.memref_slice %arg6[%dma_wait3A_53] : memref<800000xi32, #tpu.memory_space<hbm>> -> memref<80xi32, #tpu.memory_space<hbm>>
    tpu.wait_dma2 semaphore(%arg20 : memref<!tpu.dma_semaphore, #tpu.memory_space<semaphore_mem>>) src(%dma_wait3A_54 : memref<80xi32, #tpu.memory_space<hbm>>) dst(%arg9 : memref<80xi32, #tpu.memory_space<vmem>>)
    %add3A_55 = arith.constant 25088 : i32
    %add3A_56 = arith.addi %mul3A_0, %add3A_55 : i32
    %iota3A = tpu.iota {dimensions = array<i32: 0>} : vector<16xi32>
    %get3A = arith.constant 0 : index
    %get3A_57 = tpu.vector_load %arg9[%get3A] {strides = array<i32>} : memref<80xi32, #tpu.memory_space<vmem>>, vector<16xi32>,
    %get3A_58 = vector.shape_cast %get3A_57 : vector<16xi32> to vector<16xi32>
    %ge3A = vector.broadcast %mul3A_0 : i32 to vector<16xi32>
    %ge3A_59 = arith.cmpi sge, %get3A_58, %ge3A : vector<16xi32>
    %lt3A = vector.broadcast %add3A_56 : i32 to vector<16xi32>
    %lt3A_60 = arith.cmpi slt, %get3A_58, %lt3A : vector<16xi32>
    %and3A_61 = arith.andi %ge3A_59, %lt3A_60 : vector<16xi1>
    %mul3A_62 = arith.constant 4 : i32
    %mul3A_63 = arith.muli %arg1, %mul3A_62 : i32
    %add3A_64 = arith.constant 0 : i32
    %add3A_65 = arith.addi %add3A_64, %mul3A_63 : i32
    %mul3A_66 = arith.constant 16 : i32
    %mul3A_67 = arith.muli %add3A_65, %mul3A_66 : i32
    %and3A_68 = arith.constant 112 : i32
    %and3A_69 = arith.andi %mul3A_67, %and3A_68 : i32
    %add3A_70 = vector.broadcast %and3A_69 : i32 to vector<16xi32>
    %add3A_71 = arith.addi %add3A_70, %iota3A : vector<16xi32>
    %add3A_72 = arith.constant 50000 : i32
    %add3A_73 = vector.broadcast %add3A_72 : i32 to vector<16xi32>
    %add3A_74 = arith.addi %add3A_73, %add3A_71 : vector<16xi32>
    %select_n3A_75 = arith.select %and3A_61, %get3A_58, %add3A_74 : vector<16xi1>, vector<16xi32>
    %swap3A = arith.constant 0 : index
    %swap3A_76 = tpu.vector_load %arg9[%swap3A] {strides = array<i32>} : memref<80xi32, #tpu.memory_space<vmem>>, vector<16xi32>,
    %swap3A_77 = vector.shape_cast %swap3A_76 : vector<16xi32> to vector<16xi32>
    %swap3A_78 = vector.shape_cast %select_n3A_75 : vector<16xi32> to vector<16xi32>
    tpu.vector_store %arg9[%swap3A], %swap3A_78 {strides = array<i32>} : memref<80xi32, #tpu.memory_space<vmem>>, vector<16xi32>,
    %ge3A_79 = arith.constant 25088 : i32
    %ge3A_80 = vector.broadcast %ge3A_79 : i32 to vector<16xi32>
    %ge3A_81 = arith.cmpi sge, %get3A_58, %ge3A_80 : vector<16xi32>
    %sub3A_82 = arith.constant 25088 : i32
    %sub3A_83 = vector.broadcast %sub3A_82 : i32 to vector<16xi32>
    %sub3A_84 = arith.subi %get3A_58, %sub3A_83 : vector<16xi32>
    %select_n3A_85 = arith.select %ge3A_81, %sub3A_84, %get3A_58 : vector<16xi1>, vector<16xi32>
    %swap3A_86 = arith.constant 0 : index
    %swap3A_87 = tpu.vector_load %arg10[%swap3A_86] {strides = array<i32>} : memref<80xi32, #tpu.memory_space<vmem>>, vector<16xi32>,
    %swap3A_88 = vector.shape_cast %swap3A_87 : vector<16xi32> to vector<16xi32>
    %swap3A_89 = vector.shape_cast %select_n3A_85 : vector<16xi32> to vector<16xi32>
    tpu.vector_store %arg10[%swap3A_86], %swap3A_89 {strides = array<i32>} : memref<80xi32, #tpu.memory_space<vmem>>, vector<16xi32>,
    %get3A_90 = arith.constant 16 : index
    %get3A_91 = tpu.vector_load %arg9[%get3A_90] {strides = array<i32>} : memref<80xi32, #tpu.memory_space<vmem>>, vector<16xi32>,
    %get3A_92 = vector.shape_cast %get3A_91 : vector<16xi32> to vector<16xi32>
    %ge3A_93 = vector.broadcast %mul3A_0 : i32 to vector<16xi32>
    %ge3A_94 = arith.cmpi sge, %get3A_92, %ge3A_93 : vector<16xi32>
    %lt3A_95 = vector.broadcast %add3A_56 : i32 to vector<16xi32>
    %lt3A_96 = arith.cmpi slt, %get3A_92, %lt3A_95 : vector<16xi32>
    %and3A_97 = arith.andi %ge3A_94, %lt3A_96 : vector<16xi1>
    %mul3A_98 = arith.constant 4 : i32
    %mul3A_99 = arith.muli %arg1, %mul3A_98 : i32
    %add3A_100 = arith.constant 1 : i32
    %add3A_101 = arith.addi %add3A_100, %mul3A_99 : i32
    %mul3A_102 = arith.constant 16 : i32
    %mul3A_103 = arith.muli %add3A_101, %mul3A_102 : i32
    %and3A_104 = arith.constant 112 : i32
    %and3A_105 = arith.andi %mul3A_103, %and3A_104 : i32
    %add3A_106 = vector.broadcast %and3A_105 : i32 to vector<16xi32>
    %add3A_107 = arith.addi %add3A_106, %iota3A : vector<16xi32>
    %add3A_108 = arith.constant 50000 : i32
    %add3A_109 = vector.broadcast %add3A_108 : i32 to vector<16xi32>
    %add3A_110 = arith.addi %add3A_109, %add3A_107 : vector<16xi32>
    %select_n3A_111 = arith.select %and3A_97, %get3A_92, %add3A_110 : vector<16xi1>, vector<16xi32>
    %swap3A_112 = arith.constant 16 : index
    %swap3A_113 = tpu.vector_load %arg9[%swap3A_112] {strides = array<i32>} : memref<80xi32, #tpu.memory_space<vmem>>, vector<16xi32>,
    %swap3A_114 = vector.shape_cast %swap3A_113 : vector<16xi32> to vector<16xi32>
    %swap3A_115 = vector.shape_cast %select_n3A_111 : vector<16xi32> to vector<16xi32>
    tpu.vector_store %arg9[%swap3A_112], %swap3A_115 {strides = array<i32>} : memref<80xi32, #tpu.memory_space<vmem>>, vector<16xi32>,
    %ge3A_116 = arith.constant 25088 : i32
    %ge3A_117 = vector.broadcast %ge3A_116 : i32 to vector<16xi32>
    %ge3A_118 = arith.cmpi sge, %get3A_92, %ge3A_117 : vector<16xi32>
    %sub3A_119 = arith.constant 25088 : i32
    %sub3A_120 = vector.broadcast %sub3A_119 : i32 to vector<16xi32>
    %sub3A_121 = arith.subi %get3A_92, %sub3A_120 : vector<16xi32>
    %select_n3A_122 = arith.select %ge3A_118, %sub3A_121, %get3A_92 : vector<16xi1>, vector<16xi32>
    %swap3A_123 = arith.constant 16 : index
    %swap3A_124 = tpu.vector_load %arg10[%swap3A_123] {strides = array<i32>} : memref<80xi32, #tpu.memory_space<vmem>>, vector<16xi32>,
    %swap3A_125 = vector.shape_cast %swap3A_124 : vector<16xi32> to vector<16xi32>
    %swap3A_126 = vector.shape_cast %select_n3A_122 : vector<16xi32> to vector<16xi32>
    tpu.vector_store %arg10[%swap3A_123], %swap3A_126 {strides = array<i32>} : memref<80xi32, #tpu.memory_space<vmem>>, vector<16xi32>,
    %get3A_127 = arith.constant 32 : index
    %get3A_128 = tpu.vector_load %arg9[%get3A_127] {strides = array<i32>} : memref<80xi32, #tpu.memory_space<vmem>>, vector<16xi32>,
    %get3A_129 = vector.shape_cast %get3A_128 : vector<16xi32> to vector<16xi32>
    %ge3A_130 = vector.broadcast %mul3A_0 : i32 to vector<16xi32>
    %ge3A_131 = arith.cmpi sge, %get3A_129, %ge3A_130 : vector<16xi32>
    %lt3A_132 = vector.broadcast %add3A_56 : i32 to vector<16xi32>
    %lt3A_133 = arith.cmpi slt, %get3A_129, %lt3A_132 : vector<16xi32>
    %and3A_134 = arith.andi %ge3A_131, %lt3A_133 : vector<16xi1>
    %mul3A_135 = arith.constant 4 : i32
    %mul3A_136 = arith.muli %arg1, %mul3A_135 : i32
    %add3A_137 = arith.constant 2 : i32
    %add3A_138 = arith.addi %add3A_137, %mul3A_136 : i32
    %mul3A_139 = arith.constant 16 : i32
    %mul3A_140 = arith.muli %add3A_138, %mul3A_139 : i32
    %and3A_141 = arith.constant 112 : i32
    %and3A_142 = arith.andi %mul3A_140, %and3A_141 : i32
    %add3A_143 = vector.broadcast %and3A_142 : i32 to vector<16xi32>
    %add3A_144 = arith.addi %add3A_143, %iota3A : vector<16xi32>
    %add3A_145 = arith.constant 50000 : i32
    %add3A_146 = vector.broadcast %add3A_145 : i32 to vector<16xi32>
    %add3A_147 = arith.addi %add3A_146, %add3A_144 : vector<16xi32>
    %select_n3A_148 = arith.select %and3A_134, %get3A_129, %add3A_147 : vector<16xi1>, vector<16xi32>
    %swap3A_149 = arith.constant 32 : index
    %swap3A_150 = tpu.vector_load %arg9[%swap3A_149] {strides = array<i32>} : memref<80xi32, #tpu.memory_space<vmem>>, vector<16xi32>,
    %swap3A_151 = vector.shape_cast %swap3A_150 : vector<16xi32> to vector<16xi32>
    %swap3A_152 = vector.shape_cast %select_n3A_148 : vector<16xi32> to vector<16xi32>
    tpu.vector_store %arg9[%swap3A_149], %swap3A_152 {strides = array<i32>} : memref<80xi32, #tpu.memory_space<vmem>>, vector<16xi32>,
    %ge3A_153 = arith.constant 25088 : i32
    %ge3A_154 = vector.broadcast %ge3A_153 : i32 to vector<16xi32>
    %ge3A_155 = arith.cmpi sge, %get3A_129, %ge3A_154 : vector<16xi32>
    %sub3A_156 = arith.constant 25088 : i32
    %sub3A_157 = vector.broadcast %sub3A_156 : i32 to vector<16xi32>
    %sub3A_158 = arith.subi %get3A_129, %sub3A_157 : vector<16xi32>
    %select_n3A_159 = arith.select %ge3A_155, %sub3A_158, %get3A_129 : vector<16xi1>, vector<16xi32>
    %swap3A_160 = arith.constant 32 : index
    %swap3A_161 = tpu.vector_load %arg10[%swap3A_160] {strides = array<i32>} : memref<80xi32, #tpu.memory_space<vmem>>, vector<16xi32>,
    %swap3A_162 = vector.shape_cast %swap3A_161 : vector<16xi32> to vector<16xi32>
    %swap3A_163 = vector.shape_cast %select_n3A_159 : vector<16xi32> to vector<16xi32>
    tpu.vector_store %arg10[%swap3A_160], %swap3A_163 {strides = array<i32>} : memref<80xi32, #tpu.memory_space<vmem>>, vector<16xi32>,
    %get3A_164 = arith.constant 48 : index
    %get3A_165 = tpu.vector_load %arg9[%get3A_164] {strides = array<i32>} : memref<80xi32, #tpu.memory_space<vmem>>, vector<16xi32>,
    %get3A_166 = vector.shape_cast %get3A_165 : vector<16xi32> to vector<16xi32>
    %ge3A_167 = vector.broadcast %mul3A_0 : i32 to vector<16xi32>
    %ge3A_168 = arith.cmpi sge, %get3A_166, %ge3A_167 : vector<16xi32>
    %lt3A_169 = vector.broadcast %add3A_56 : i32 to vector<16xi32>
    %lt3A_170 = arith.cmpi slt, %get3A_166, %lt3A_169 : vector<16xi32>
    %and3A_171 = arith.andi %ge3A_168, %lt3A_170 : vector<16xi1>
    %mul3A_172 = arith.constant 4 : i32
    %mul3A_173 = arith.muli %arg1, %mul3A_172 : i32
    %add3A_174 = arith.constant 3 : i32
    %add3A_175 = arith.addi %add3A_174, %mul3A_173 : i32
    %mul3A_176 = arith.constant 16 : i32
    %mul3A_177 = arith.muli %add3A_175, %mul3A_176 : i32
    %and3A_178 = arith.constant 112 : i32
    %and3A_179 = arith.andi %mul3A_177, %and3A_178 : i32
    %add3A_180 = vector.broadcast %and3A_179 : i32 to vector<16xi32>
    %add3A_181 = arith.addi %add3A_180, %iota3A : vector<16xi32>
    %add3A_182 = arith.constant 50000 : i32
    %add3A_183 = vector.broadcast %add3A_182 : i32 to vector<16xi32>
    %add3A_184 = arith.addi %add3A_183, %add3A_181 : vector<16xi32>
    %select_n3A_185 = arith.select %and3A_171, %get3A_166, %add3A_184 : vector<16xi1>, vector<16xi32>
    %swap3A_186 = arith.constant 48 : index
    %swap3A_187 = tpu.vector_load %arg9[%swap3A_186] {strides = array<i32>} : memref<80xi32, #tpu.memory_space<vmem>>, vector<16xi32>,
    %swap3A_188 = vector.shape_cast %swap3A_187 : vector<16xi32> to vector<16xi32>
    %swap3A_189 = vector.shape_cast %select_n3A_185 : vector<16xi32> to vector<16xi32>
    tpu.vector_store %arg9[%swap3A_186], %swap3A_189 {strides = array<i32>} : memref<80xi32, #tpu.memory_space<vmem>>, vector<16xi32>,
    %ge3A_190 = arith.constant 25088 : i32
    %ge3A_191 = vector.broadcast %ge3A_190 : i32 to vector<16xi32>
    %ge3A_192 = arith.cmpi sge, %get3A_166, %ge3A_191 : vector<16xi32>
    %sub3A_193 = arith.constant 25088 : i32
    %sub3A_194 = vector.broadcast %sub3A_193 : i32 to vector<16xi32>
    %sub3A_195 = arith.subi %get3A_166, %sub3A_194 : vector<16xi32>
    %select_n3A_196 = arith.select %ge3A_192, %sub3A_195, %get3A_166 : vector<16xi1>, vector<16xi32>
    %swap3A_197 = arith.constant 48 : index
    %swap3A_198 = tpu.vector_load %arg10[%swap3A_197] {strides = array<i32>} : memref<80xi32, #tpu.memory_space<vmem>>, vector<16xi32>,
    %swap3A_199 = vector.shape_cast %swap3A_198 : vector<16xi32> to vector<16xi32>
    %swap3A_200 = vector.shape_cast %select_n3A_196 : vector<16xi32> to vector<16xi32>
    tpu.vector_store %arg10[%swap3A_197], %swap3A_200 {strides = array<i32>} : memref<80xi32, #tpu.memory_space<vmem>>, vector<16xi32>,
    %get3A_201 = arith.constant 64 : index
    %get3A_202 = tpu.vector_load %arg9[%get3A_201] {strides = array<i32>} : memref<80xi32, #tpu.memory_space<vmem>>, vector<16xi32>,
    %get3A_203 = vector.shape_cast %get3A_202 : vector<16xi32> to vector<16xi32>
    %ge3A_204 = vector.broadcast %mul3A_0 : i32 to vector<16xi32>
    %ge3A_205 = arith.cmpi sge, %get3A_203, %ge3A_204 : vector<16xi32>
    %lt3A_206 = vector.broadcast %add3A_56 : i32 to vector<16xi32>
    %lt3A_207 = arith.cmpi slt, %get3A_203, %lt3A_206 : vector<16xi32>
    %and3A_208 = arith.andi %ge3A_205, %lt3A_207 : vector<16xi1>
    %mul3A_209 = arith.constant 4 : i32
    %mul3A_210 = arith.muli %arg1, %mul3A_209 : i32
    %add3A_211 = arith.constant 4 : i32
    %add3A_212 = arith.addi %add3A_211, %mul3A_210 : i32
    %mul3A_213 = arith.constant 16 : i32
    %mul3A_214 = arith.muli %add3A_212, %mul3A_213 : i32
    %and3A_215 = arith.constant 112 : i32
    %and3A_216 = arith.andi %mul3A_214, %and3A_215 : i32
    %add3A_217 = vector.broadcast %and3A_216 : i32 to vector<16xi32>
    %add3A_218 = arith.addi %add3A_217, %iota3A : vector<16xi32>
    %add3A_219 = arith.constant 50000 : i32
    %add3A_220 = vector.broadcast %add3A_219 : i32 to vector<16xi32>
    %add3A_221 = arith.addi %add3A_220, %add3A_218 : vector<16xi32>
    %select_n3A_222 = arith.select %and3A_208, %get3A_203, %add3A_221 : vector<16xi1>, vector<16xi32>
    %swap3A_223 = arith.constant 64 : index
    %swap3A_224 = tpu.vector_load %arg9[%swap3A_223] {strides = array<i32>} : memref<80xi32, #tpu.memory_space<vmem>>, vector<16xi32>,
    %swap3A_225 = vector.shape_cast %swap3A_224 : vector<16xi32> to vector<16xi32>
    %swap3A_226 = vector.shape_cast %select_n3A_222 : vector<16xi32> to vector<16xi32>
    tpu.vector_store %arg9[%swap3A_223], %swap3A_226 {strides = array<i32>} : memref<80xi32, #tpu.memory_space<vmem>>, vector<16xi32>,
    %ge3A_227 = arith.constant 25088 : i32
    %ge3A_228 = vector.broadcast %ge3A_227 : i32 to vector<16xi32>
    %ge3A_229 = arith.cmpi sge, %get3A_203, %ge3A_228 : vector<16xi32>
    %sub3A_230 = arith.constant 25088 : i32
    %sub3A_231 = vector.broadcast %sub3A_230 : i32 to vector<16xi32>
    %sub3A_232 = arith.subi %get3A_203, %sub3A_231 : vector<16xi32>
    %select_n3A_233 = arith.select %ge3A_229, %sub3A_232, %get3A_203 : vector<16xi1>, vector<16xi32>
    %swap3A_234 = arith.constant 64 : index
    %swap3A_235 = tpu.vector_load %arg10[%swap3A_234] {strides = array<i32>} : memref<80xi32, #tpu.memory_space<vmem>>, vector<16xi32>,
    %swap3A_236 = vector.shape_cast %swap3A_235 : vector<16xi32> to vector<16xi32>
    %swap3A_237 = vector.shape_cast %select_n3A_233 : vector<16xi32> to vector<16xi32>
    tpu.vector_store %arg10[%swap3A_234], %swap3A_237 {strides = array<i32>} : memref<80xi32, #tpu.memory_space<vmem>>, vector<16xi32>,
    %dma_start3A_238 = arith.constant 0 : i32
    %dma_start3A_239 = arith.constant 0 : i32
    %dma_start3A_240 = tpu.memref_slice %arg2[%dma_start3A_238, %dma_start3A_239] : memref<50176x64xf32, #tpu.memory_space<hbm>> -> memref<50176x64xf32, #tpu.memory_space<hbm>>
    tpu.enqueue_indirect_dma source(%dma_start3A_240 : memref<50176x64xf32, #tpu.memory_space<hbm>>) target(%arg11 : memref<80x64xf32, #tpu.memory_space<vmem>>) offsets(%arg8 : memref<80xi32, #tpu.memory_space<vmem>>) semaphore(%arg22 : memref<!tpu.dma_semaphore, #tpu.memory_space<semaphore_mem>>)
    %dma_start3A_241 = arith.constant 0 : i32
    %dma_start3A_242 = arith.constant 0 : i32
    %dma_start3A_243 = tpu.memref_slice %arg3[%dma_start3A_241, %dma_start3A_242] : memref<50176x64xf32, #tpu.memory_space<hbm>> -> memref<50176x64xf32, #tpu.memory_space<hbm>>
    tpu.enqueue_indirect_dma source(%dma_start3A_243 : memref<50176x64xf32, #tpu.memory_space<hbm>>) target(%arg12 : memref<80x64xf32, #tpu.memory_space<vmem>>) offsets(%arg9 : memref<80xi32, #tpu.memory_space<vmem>>) semaphore(%arg22 : memref<!tpu.dma_semaphore, #tpu.memory_space<semaphore_mem>>)
    %add3A_244 = arith.constant 80 : i32
    %add3A_245 = arith.addi %mul3A_38, %add3A_244 : i32
    %dma_start3A_246 = tpu.memref_slice %arg5[%add3A_245] : memref<800000xi32, #tpu.memory_space<hbm>> -> memref<80xi32, #tpu.memory_space<hbm>>
    %dma_start3A_247 = tpu.memref_slice %arg5[%add3A_245] : memref<800000xi32, #tpu.memory_space<hbm>> -> memref<80xi32, #tpu.memory_space<hbm>>
    tpu.enqueue_dma source(%dma_start3A_247 : memref<80xi32, #tpu.memory_space<hbm>>) target(%arg13 : memref<80xi32, #tpu.memory_space<vmem>>) target_semaphore(%arg21 : memref<!tpu.dma_semaphore, #tpu.memory_space<semaphore_mem>>)
    %add3A_248 = arith.constant 80 : i32
    %add3A_249 = arith.addi %mul3A_38, %add3A_248 : i32
    %dma_start3A_250 = tpu.memref_slice %arg6[%add3A_249] : memref<800000xi32, #tpu.memory_space<hbm>> -> memref<80xi32, #tpu.memory_space<hbm>>
    %dma_start3A_251 = tpu.memref_slice %arg6[%add3A_249] : memref<800000xi32, #tpu.memory_space<hbm>> -> memref<80xi32, #tpu.memory_space<hbm>>
    tpu.enqueue_dma source(%dma_start3A_251 : memref<80xi32, #tpu.memory_space<hbm>>) target(%arg14 : memref<80xi32, #tpu.memory_space<vmem>>) target_semaphore(%arg21 : memref<!tpu.dma_semaphore, #tpu.memory_space<semaphore_mem>>)
    %scan3A_252 = arith.constant 0 : i32
    %scan3A_253 = arith.constant 0 : i32
    %scan3A_254 = arith.constant 625 : i32
    %scan3A_255 = arith.addi %scan3A_253, %scan3A_254 : i32
    %scan3A_256 = arith.constant 1 : i32
    %scan3A_257 = scf.for %scan3A_303 = %scan3A_253 to %scan3A_255 step %scan3A_256 iter_args(%scan3A_304 = %scan3A_252) -> (i32)  : i32 {
      %rem3A_305 = arith.constant 2 : i32
      %rem3A_306 = arith.remsi %scan3A_303, %rem3A_305 : i32
      %mul3A_307 = arith.constant 40 : i32
      %mul3A_308 = arith.muli %scan3A_303, %mul3A_307 : i32
      %add3A_309 = arith.addi %mul3A_40, %mul3A_308 : i32
      %dma_start3A_310 = arith.constant 0 : i32
      %dma_start3A_311 = tpu.memref_slice %arg4[%add3A_309, %dma_start3A_310] : memref<400000x128xf32, #tpu.memory_space<hbm>> -> memref<40x128xf32, #tpu.memory_space<hbm>>
      %dma_start3A_312 = arith.constant 0 : i32
      %dma_start3A_313 = tpu.memref_slice %arg4[%add3A_309, %dma_start3A_312] : memref<400000x128xf32, #tpu.memory_space<hbm>> -> memref<40x128xf32, #tpu.memory_space<hbm>>
      tpu.enqueue_dma source(%dma_start3A_313 : memref<40x128xf32, #tpu.memory_space<hbm>>) target(%arg18 : memref<40x128xf32, #tpu.memory_space<vmem>>) target_semaphore(%arg26 : memref<!tpu.dma_semaphore, #tpu.memory_space<semaphore_mem>>)
      %eq3A = arith.constant 0 : i32
      %eq3A_314 = arith.cmpi eq, %rem3A_306, %eq3A : i32
      %convert_element_type3A = arith.extui %eq3A_314 : i1 to i32
      %cond3A = arith.constant 0 : i32
      %cond3A_315 = arith.cmpi ne, %convert_element_type3A, %cond3A : i32
      scf.if %cond3A_315 {
        %ge3A_322 = arith.constant 1 : i32
        %ge3A_323 = arith.cmpi sge, %scan3A_303, %ge3A_322 : i32
        %convert_element_type3A_324 = arith.extui %ge3A_323 : i1 to i32
        %cond3A_325 = arith.constant 0 : i32
        %cond3A_326 = arith.cmpi ne, %convert_element_type3A_324, %cond3A_325 : i32
        scf.if %cond3A_326 {
          %dma_wait3A_363 = arith.constant 0 : i32
          %dma_wait3A_364 = arith.constant 0 : i32
          %dma_wait3A_365 = tpu.memref_slice %arg19[%dma_wait3A_363, %dma_wait3A_364] : memref<25088x64xf32, #tpu.memory_space<vmem_shared>> -> memref<25088x64xf32, #tpu.memory_space<vmem_shared>>
          tpu.wait_indirect_dma semaphore(%arg25 : memref<!tpu.dma_semaphore, #tpu.memory_space<semaphore_mem>>) src(%arg16 : memref<80x64xf32, #tpu.memory_space<vmem>>) dst(%dma_wait3A_365 : memref<25088x64xf32, #tpu.memory_space<vmem_shared>>)
        } else {
        }
        %add3A_327 = arith.constant 1 : i32
        %add3A_328 = arith.addi %scan3A_303, %add3A_327 : i32
        %lt3A_329 = arith.constant 625 : i32
        %lt3A_330 = arith.cmpi slt, %add3A_328, %lt3A_329 : i32
        %convert_element_type3A_331 = arith.extui %lt3A_330 : i1 to i32
        %cond3A_332 = arith.constant 0 : i32
        %cond3A_333 = arith.cmpi ne, %convert_element_type3A_331, %cond3A_332 : i32
        scf.if %cond3A_333 {
          %dma_wait3A_363 = arith.constant 0 : i32
          %dma_wait3A_364 = tpu.memref_slice %arg5[%dma_wait3A_363] : memref<800000xi32, #tpu.memory_space<hbm>> -> memref<80xi32, #tpu.memory_space<hbm>>
          %dma_wait3A_365 = arith.constant 0 : i32
          %dma_wait3A_366 = tpu.memref_slice %arg5[%dma_wait3A_365] : memref<800000xi32, #tpu.memory_space<hbm>> -> memref<80xi32, #tpu.memory_space<hbm>>
          tpu.wait_dma2 semaphore(%arg21 : memref<!tpu.dma_semaphore, #tpu.memory_space<semaphore_mem>>) src(%dma_wait3A_366 : memref<80xi32, #tpu.memory_space<hbm>>) dst(%arg13 : memref<80xi32, #tpu.memory_space<vmem>>)
          %dma_wait3A_367 = arith.constant 0 : i32
          %dma_wait3A_368 = tpu.memref_slice %arg6[%dma_wait3A_367] : memref<800000xi32, #tpu.memory_space<hbm>> -> memref<80xi32, #tpu.memory_space<hbm>>
          %dma_wait3A_369 = arith.constant 0 : i32
          %dma_wait3A_370 = tpu.memref_slice %arg6[%dma_wait3A_369] : memref<800000xi32, #tpu.memory_space<hbm>> -> memref<80xi32, #tpu.memory_space<hbm>>
          tpu.wait_dma2 semaphore(%arg21 : memref<!tpu.dma_semaphore, #tpu.memory_space<semaphore_mem>>) src(%dma_wait3A_370 : memref<80xi32, #tpu.memory_space<hbm>>) dst(%arg14 : memref<80xi32, #tpu.memory_space<vmem>>)
          %add3A_371 = arith.constant 1 : i32
          %add3A_372 = arith.addi %scan3A_303, %add3A_371 : i32
          %add3A_373 = arith.constant 25088 : i32
          %add3A_374 = arith.addi %mul3A_0, %add3A_373 : i32
          %iota3A_375 = tpu.iota {dimensions = array<i32: 0>} : vector<16xi32>
          %get3A_376 = arith.constant 0 : index
          %get3A_377 = tpu.vector_load %arg14[%get3A_376] {strides = array<i32>} : memref<80xi32, #tpu.memory_space<vmem>>, vector<16xi32>,
          %get3A_378 = vector.shape_cast %get3A_377 : vector<16xi32> to vector<16xi32>
          %ge3A_379 = vector.broadcast %mul3A_0 : i32 to vector<16xi32>
          %ge3A_380 = arith.cmpi sge, %get3A_378, %ge3A_379 : vector<16xi32>
          %lt3A_381 = vector.broadcast %add3A_374 : i32 to vector<16xi32>
          %lt3A_382 = arith.cmpi slt, %get3A_378, %lt3A_381 : vector<16xi32>
          %and3A_383 = arith.andi %ge3A_380, %lt3A_382 : vector<16xi1>
          %add3A_384 = arith.constant 0 : i32
          %add3A_385 = arith.addi %add3A_372, %add3A_384 : i32
          %mul3A_386 = arith.constant 4 : i32
          %mul3A_387 = arith.muli %arg1, %mul3A_386 : i32
          %add3A_388 = arith.addi %add3A_385, %mul3A_387 : i32
          %mul3A_389 = arith.constant 16 : i32
          %mul3A_390 = arith.muli %add3A_388, %mul3A_389 : i32
          %and3A_391 = arith.constant 112 : i32
          %and3A_392 = arith.andi %mul3A_390, %and3A_391 : i32
          %add3A_393 = vector.broadcast %and3A_392 : i32 to vector<16xi32>
          %add3A_394 = arith.addi %add3A_393, %iota3A_375 : vector<16xi32>
          %add3A_395 = arith.constant 50000 : i32
          %add3A_396 = vector.broadcast %add3A_395 : i32 to vector<16xi32>
          %add3A_397 = arith.addi %add3A_396, %add3A_394 : vector<16xi32>
          %select_n3A_398 = arith.select %and3A_383, %get3A_378, %add3A_397 : vector<16xi1>, vector<16xi32>
          %swap3A_399 = arith.constant 0 : index
          %swap3A_400 = tpu.vector_load %arg14[%swap3A_399] {strides = array<i32>} : memref<80xi32, #tpu.memory_space<vmem>>, vector<16xi32>,
          %swap3A_401 = vector.shape_cast %swap3A_400 : vector<16xi32> to vector<16xi32>
          %swap3A_402 = vector.shape_cast %select_n3A_398 : vector<16xi32> to vector<16xi32>
          tpu.vector_store %arg14[%swap3A_399], %swap3A_402 {strides = array<i32>} : memref<80xi32, #tpu.memory_space<vmem>>, vector<16xi32>,
          %ge3A_403 = arith.constant 25088 : i32
          %ge3A_404 = vector.broadcast %ge3A_403 : i32 to vector<16xi32>
          %ge3A_405 = arith.cmpi sge, %get3A_378, %ge3A_404 : vector<16xi32>
          %sub3A_406 = arith.constant 25088 : i32
          %sub3A_407 = vector.broadcast %sub3A_406 : i32 to vector<16xi32>
          %sub3A_408 = arith.subi %get3A_378, %sub3A_407 : vector<16xi32>
          %select_n3A_409 = arith.select %ge3A_405, %sub3A_408, %get3A_378 : vector<16xi1>, vector<16xi32>
          %swap3A_410 = arith.constant 0 : index
          %swap3A_411 = tpu.vector_load %arg15[%swap3A_410] {strides = array<i32>} : memref<80xi32, #tpu.memory_space<vmem>>, vector<16xi32>,
          %swap3A_412 = vector.shape_cast %swap3A_411 : vector<16xi32> to vector<16xi32>
          %swap3A_413 = vector.shape_cast %select_n3A_409 : vector<16xi32> to vector<16xi32>
          tpu.vector_store %arg15[%swap3A_410], %swap3A_413 {strides = array<i32>} : memref<80xi32, #tpu.memory_space<vmem>>, vector<16xi32>,
          %get3A_414 = arith.constant 16 : index
          %get3A_415 = tpu.vector_load %arg14[%get3A_414] {strides = array<i32>} : memref<80xi32, #tpu.memory_space<vmem>>, vector<16xi32>,
          %get3A_416 = vector.shape_cast %get3A_415 : vector<16xi32> to vector<16xi32>
          %ge3A_417 = vector.broadcast %mul3A_0 : i32 to vector<16xi32>
          %ge3A_418 = arith.cmpi sge, %get3A_416, %ge3A_417 : vector<16xi32>
          %lt3A_419 = vector.broadcast %add3A_374 : i32 to vector<16xi32>
          %lt3A_420 = arith.cmpi slt, %get3A_416, %lt3A_419 : vector<16xi32>
          %and3A_421 = arith.andi %ge3A_418, %lt3A_420 : vector<16xi1>
          %add3A_422 = arith.constant 1 : i32
          %add3A_423 = arith.addi %add3A_372, %add3A_422 : i32
          %mul3A_424 = arith.constant 4 : i32
          %mul3A_425 = arith.muli %arg1, %mul3A_424 : i32
          %add3A_426 = arith.addi %add3A_423, %mul3A_425 : i32
          %mul3A_427 = arith.constant 16 : i32
          %mul3A_428 = arith.muli %add3A_426, %mul3A_427 : i32
          %and3A_429 = arith.constant 112 : i32
          %and3A_430 = arith.andi %mul3A_428, %and3A_429 : i32
          %add3A_431 = vector.broadcast %and3A_430 : i32 to vector<16xi32>
          %add3A_432 = arith.addi %add3A_431, %iota3A_375 : vector<16xi32>
          %add3A_433 = arith.constant 50000 : i32
          %add3A_434 = vector.broadcast %add3A_433 : i32 to vector<16xi32>
          %add3A_435 = arith.addi %add3A_434, %add3A_432 : vector<16xi32>
          %select_n3A_436 = arith.select %and3A_421, %get3A_416, %add3A_435 : vector<16xi1>, vector<16xi32>
          %swap3A_437 = arith.constant 16 : index
          %swap3A_438 = tpu.vector_load %arg14[%swap3A_437] {strides = array<i32>} : memref<80xi32, #tpu.memory_space<vmem>>, vector<16xi32>,
          %swap3A_439 = vector.shape_cast %swap3A_438 : vector<16xi32> to vector<16xi32>
          %swap3A_440 = vector.shape_cast %select_n3A_436 : vector<16xi32> to vector<16xi32>
          tpu.vector_store %arg14[%swap3A_437], %swap3A_440 {strides = array<i32>} : memref<80xi32, #tpu.memory_space<vmem>>, vector<16xi32>,
          %ge3A_441 = arith.constant 25088 : i32
          %ge3A_442 = vector.broadcast %ge3A_441 : i32 to vector<16xi32>
          %ge3A_443 = arith.cmpi sge, %get3A_416, %ge3A_442 : vector<16xi32>
          %sub3A_444 = arith.constant 25088 : i32
          %sub3A_445 = vector.broadcast %sub3A_444 : i32 to vector<16xi32>
          %sub3A_446 = arith.subi %get3A_416, %sub3A_445 : vector<16xi32>
          %select_n3A_447 = arith.select %ge3A_443, %sub3A_446, %get3A_416 : vector<16xi1>, vector<16xi32>
          %swap3A_448 = arith.constant 16 : index
          %swap3A_449 = tpu.vector_load %arg15[%swap3A_448] {strides = array<i32>} : memref<80xi32, #tpu.memory_space<vmem>>, vector<16xi32>,
          %swap3A_450 = vector.shape_cast %swap3A_449 : vector<16xi32> to vector<16xi32>
          %swap3A_451 = vector.shape_cast %select_n3A_447 : vector<16xi32> to vector<16xi32>
          tpu.vector_store %arg15[%swap3A_448], %swap3A_451 {strides = array<i32>} : memref<80xi32, #tpu.memory_space<vmem>>, vector<16xi32>,
          %get3A_452 = arith.constant 32 : index
          %get3A_453 = tpu.vector_load %arg14[%get3A_452] {strides = array<i32>} : memref<80xi32, #tpu.memory_space<vmem>>, vector<16xi32>,
          %get3A_454 = vector.shape_cast %get3A_453 : vector<16xi32> to vector<16xi32>
          %ge3A_455 = vector.broadcast %mul3A_0 : i32 to vector<16xi32>
          %ge3A_456 = arith.cmpi sge, %get3A_454, %ge3A_455 : vector<16xi32>
          %lt3A_457 = vector.broadcast %add3A_374 : i32 to vector<16xi32>
          %lt3A_458 = arith.cmpi slt, %get3A_454, %lt3A_457 : vector<16xi32>
          %and3A_459 = arith.andi %ge3A_456, %lt3A_458 : vector<16xi1>
          %add3A_460 = arith.constant 2 : i32
          %add3A_461 = arith.addi %add3A_372, %add3A_460 : i32
          %mul3A_462 = arith.constant 4 : i32
          %mul3A_463 = arith.muli %arg1, %mul3A_462 : i32
          %add3A_464 = arith.addi %add3A_461, %mul3A_463 : i32
          %mul3A_465 = arith.constant 16 : i32
          %mul3A_466 = arith.muli %add3A_464, %mul3A_465 : i32
          %and3A_467 = arith.constant 112 : i32
          %and3A_468 = arith.andi %mul3A_466, %and3A_467 : i32
          %add3A_469 = vector.broadcast %and3A_468 : i32 to vector<16xi32>
          %add3A_470 = arith.addi %add3A_469, %iota3A_375 : vector<16xi32>
          %add3A_471 = arith.constant 50000 : i32
          %add3A_472 = vector.broadcast %add3A_471 : i32 to vector<16xi32>
          %add3A_473 = arith.addi %add3A_472, %add3A_470 : vector<16xi32>
          %select_n3A_474 = arith.select %and3A_459, %get3A_454, %add3A_473 : vector<16xi1>, vector<16xi32>
          %swap3A_475 = arith.constant 32 : index
          %swap3A_476 = tpu.vector_load %arg14[%swap3A_475] {strides = array<i32>} : memref<80xi32, #tpu.memory_space<vmem>>, vector<16xi32>,
          %swap3A_477 = vector.shape_cast %swap3A_476 : vector<16xi32> to vector<16xi32>
          %swap3A_478 = vector.shape_cast %select_n3A_474 : vector<16xi32> to vector<16xi32>
          tpu.vector_store %arg14[%swap3A_475], %swap3A_478 {strides = array<i32>} : memref<80xi32, #tpu.memory_space<vmem>>, vector<16xi32>,
          %ge3A_479 = arith.constant 25088 : i32
          %ge3A_480 = vector.broadcast %ge3A_479 : i32 to vector<16xi32>
          %ge3A_481 = arith.cmpi sge, %get3A_454, %ge3A_480 : vector<16xi32>
          %sub3A_482 = arith.constant 25088 : i32
          %sub3A_483 = vector.broadcast %sub3A_482 : i32 to vector<16xi32>
          %sub3A_484 = arith.subi %get3A_454, %sub3A_483 : vector<16xi32>
          %select_n3A_485 = arith.select %ge3A_481, %sub3A_484, %get3A_454 : vector<16xi1>, vector<16xi32>
          %swap3A_486 = arith.constant 32 : index
          %swap3A_487 = tpu.vector_load %arg15[%swap3A_486] {strides = array<i32>} : memref<80xi32, #tpu.memory_space<vmem>>, vector<16xi32>,
          %swap3A_488 = vector.shape_cast %swap3A_487 : vector<16xi32> to vector<16xi32>
          %swap3A_489 = vector.shape_cast %select_n3A_485 : vector<16xi32> to vector<16xi32>
          tpu.vector_store %arg15[%swap3A_486], %swap3A_489 {strides = array<i32>} : memref<80xi32, #tpu.memory_space<vmem>>, vector<16xi32>,
          %get3A_490 = arith.constant 48 : index
          %get3A_491 = tpu.vector_load %arg14[%get3A_490] {strides = array<i32>} : memref<80xi32, #tpu.memory_space<vmem>>, vector<16xi32>,
          %get3A_492 = vector.shape_cast %get3A_491 : vector<16xi32> to vector<16xi32>
          %ge3A_493 = vector.broadcast %mul3A_0 : i32 to vector<16xi32>
          %ge3A_494 = arith.cmpi sge, %get3A_492, %ge3A_493 : vector<16xi32>
          %lt3A_495 = vector.broadcast %add3A_374 : i32 to vector<16xi32>
          %lt3A_496 = arith.cmpi slt, %get3A_492, %lt3A_495 : vector<16xi32>
          %and3A_497 = arith.andi %ge3A_494, %lt3A_496 : vector<16xi1>
          %add3A_498 = arith.constant 3 : i32
          %add3A_499 = arith.addi %add3A_372, %add3A_498 : i32
          %mul3A_500 = arith.constant 4 : i32
          %mul3A_501 = arith.muli %arg1, %mul3A_500 : i32
          %add3A_502 = arith.addi %add3A_499, %mul3A_501 : i32
          %mul3A_503 = arith.constant 16 : i32
          %mul3A_504 = arith.muli %add3A_502, %mul3A_503 : i32
          %and3A_505 = arith.constant 112 : i32
          %and3A_506 = arith.andi %mul3A_504, %and3A_505 : i32
          %add3A_507 = vector.broadcast %and3A_506 : i32 to vector<16xi32>
          %add3A_508 = arith.addi %add3A_507, %iota3A_375 : vector<16xi32>
          %add3A_509 = arith.constant 50000 : i32
          %add3A_510 = vector.broadcast %add3A_509 : i32 to vector<16xi32>
          %add3A_511 = arith.addi %add3A_510, %add3A_508 : vector<16xi32>
          %select_n3A_512 = arith.select %and3A_497, %get3A_492, %add3A_511 : vector<16xi1>, vector<16xi32>
          %swap3A_513 = arith.constant 48 : index
          %swap3A_514 = tpu.vector_load %arg14[%swap3A_513] {strides = array<i32>} : memref<80xi32, #tpu.memory_space<vmem>>, vector<16xi32>,
          %swap3A_515 = vector.shape_cast %swap3A_514 : vector<16xi32> to vector<16xi32>
          %swap3A_516 = vector.shape_cast %select_n3A_512 : vector<16xi32> to vector<16xi32>
          tpu.vector_store %arg14[%swap3A_513], %swap3A_516 {strides = array<i32>} : memref<80xi32, #tpu.memory_space<vmem>>, vector<16xi32>,
          %ge3A_517 = arith.constant 25088 : i32
          %ge3A_518 = vector.broadcast %ge3A_517 : i32 to vector<16xi32>
          %ge3A_519 = arith.cmpi sge, %get3A_492, %ge3A_518 : vector<16xi32>
          %sub3A_520 = arith.constant 25088 : i32
          %sub3A_521 = vector.broadcast %sub3A_520 : i32 to vector<16xi32>
          %sub3A_522 = arith.subi %get3A_492, %sub3A_521 : vector<16xi32>
          %select_n3A_523 = arith.select %ge3A_519, %sub3A_522, %get3A_492 : vector<16xi1>, vector<16xi32>
          %swap3A_524 = arith.constant 48 : index
          %swap3A_525 = tpu.vector_load %arg15[%swap3A_524] {strides = array<i32>} : memref<80xi32, #tpu.memory_space<vmem>>, vector<16xi32>,
          %swap3A_526 = vector.shape_cast %swap3A_525 : vector<16xi32> to vector<16xi32>
          %swap3A_527 = vector.shape_cast %select_n3A_523 : vector<16xi32> to vector<16xi32>
          tpu.vector_store %arg15[%swap3A_524], %swap3A_527 {strides = array<i32>} : memref<80xi32, #tpu.memory_space<vmem>>, vector<16xi32>,
          %get3A_528 = arith.constant 64 : index
          %get3A_529 = tpu.vector_load %arg14[%get3A_528] {strides = array<i32>} : memref<80xi32, #tpu.memory_space<vmem>>, vector<16xi32>,
          %get3A_530 = vector.shape_cast %get3A_529 : vector<16xi32> to vector<16xi32>
          %ge3A_531 = vector.broadcast %mul3A_0 : i32 to vector<16xi32>
          %ge3A_532 = arith.cmpi sge, %get3A_530, %ge3A_531 : vector<16xi32>
          %lt3A_533 = vector.broadcast %add3A_374 : i32 to vector<16xi32>
          %lt3A_534 = arith.cmpi slt, %get3A_530, %lt3A_533 : vector<16xi32>
          %and3A_535 = arith.andi %ge3A_532, %lt3A_534 : vector<16xi1>
          %add3A_536 = arith.constant 4 : i32
          %add3A_537 = arith.addi %add3A_372, %add3A_536 : i32
          %mul3A_538 = arith.constant 4 : i32
          %mul3A_539 = arith.muli %arg1, %mul3A_538 : i32
          %add3A_540 = arith.addi %add3A_537, %mul3A_539 : i32
          %mul3A_541 = arith.constant 16 : i32
          %mul3A_542 = arith.muli %add3A_540, %mul3A_541 : i32
          %and3A_543 = arith.constant 112 : i32
          %and3A_544 = arith.andi %mul3A_542, %and3A_543 : i32
          %add3A_545 = vector.broadcast %and3A_544 : i32 to vector<16xi32>
          %add3A_546 = arith.addi %add3A_545, %iota3A_375 : vector<16xi32>
          %add3A_547 = arith.constant 50000 : i32
          %add3A_548 = vector.broadcast %add3A_547 : i32 to vector<16xi32>
          %add3A_549 = arith.addi %add3A_548, %add3A_546 : vector<16xi32>
          %select_n3A_550 = arith.select %and3A_535, %get3A_530, %add3A_549 : vector<16xi1>, vector<16xi32>
          %swap3A_551 = arith.constant 64 : index
          %swap3A_552 = tpu.vector_load %arg14[%swap3A_551] {strides = array<i32>} : memref<80xi32, #tpu.memory_space<vmem>>, vector<16xi32>,
          %swap3A_553 = vector.shape_cast %swap3A_552 : vector<16xi32> to vector<16xi32>
          %swap3A_554 = vector.shape_cast %select_n3A_550 : vector<16xi32> to vector<16xi32>
          tpu.vector_store %arg14[%swap3A_551], %swap3A_554 {strides = array<i32>} : memref<80xi32, #tpu.memory_space<vmem>>, vector<16xi32>,
          %ge3A_555 = arith.constant 25088 : i32
          %ge3A_556 = vector.broadcast %ge3A_555 : i32 to vector<16xi32>
          %ge3A_557 = arith.cmpi sge, %get3A_530, %ge3A_556 : vector<16xi32>
          %sub3A_558 = arith.constant 25088 : i32
          %sub3A_559 = vector.broadcast %sub3A_558 : i32 to vector<16xi32>
          %sub3A_560 = arith.subi %get3A_530, %sub3A_559 : vector<16xi32>
          %select_n3A_561 = arith.select %ge3A_557, %sub3A_560, %get3A_530 : vector<16xi1>, vector<16xi32>
          %swap3A_562 = arith.constant 64 : index
          %swap3A_563 = tpu.vector_load %arg15[%swap3A_562] {strides = array<i32>} : memref<80xi32, #tpu.memory_space<vmem>>, vector<16xi32>,
          %swap3A_564 = vector.shape_cast %swap3A_563 : vector<16xi32> to vector<16xi32>
          %swap3A_565 = vector.shape_cast %select_n3A_561 : vector<16xi32> to vector<16xi32>
          tpu.vector_store %arg15[%swap3A_562], %swap3A_565 {strides = array<i32>} : memref<80xi32, #tpu.memory_space<vmem>>, vector<16xi32>,
          %dma_start3A_566 = arith.constant 0 : i32
          %dma_start3A_567 = arith.constant 0 : i32
          %dma_start3A_568 = tpu.memref_slice %arg2[%dma_start3A_566, %dma_start3A_567] : memref<50176x64xf32, #tpu.memory_space<hbm>> -> memref<50176x64xf32, #tpu.memory_space<hbm>>
          tpu.enqueue_indirect_dma source(%dma_start3A_568 : memref<50176x64xf32, #tpu.memory_space<hbm>>) target(%arg16 : memref<80x64xf32, #tpu.memory_space<vmem>>) offsets(%arg13 : memref<80xi32, #tpu.memory_space<vmem>>) semaphore(%arg23 : memref<!tpu.dma_semaphore, #tpu.memory_space<semaphore_mem>>)
          %dma_start3A_569 = arith.constant 0 : i32
          %dma_start3A_570 = arith.constant 0 : i32
          %dma_start3A_571 = tpu.memref_slice %arg3[%dma_start3A_569, %dma_start3A_570] : memref<50176x64xf32, #tpu.memory_space<hbm>> -> memref<50176x64xf32, #tpu.memory_space<hbm>>
          tpu.enqueue_indirect_dma source(%dma_start3A_571 : memref<50176x64xf32, #tpu.memory_space<hbm>>) target(%arg17 : memref<80x64xf32, #tpu.memory_space<vmem>>) offsets(%arg14 : memref<80xi32, #tpu.memory_space<vmem>>) semaphore(%arg23 : memref<!tpu.dma_semaphore, #tpu.memory_space<semaphore_mem>>)
        } else {
        }
        %dma_wait3A_334 = arith.constant 0 : i32
        %dma_wait3A_335 = arith.constant 0 : i32
        %dma_wait3A_336 = tpu.memref_slice %arg4[%dma_wait3A_334, %dma_wait3A_335] : memref<400000x128xf32, #tpu.memory_space<hbm>> -> memref<40x128xf32, #tpu.memory_space<hbm>>
        %dma_wait3A_337 = arith.constant 0 : i32
        %dma_wait3A_338 = arith.constant 0 : i32
        %dma_wait3A_339 = tpu.memref_slice %arg4[%dma_wait3A_337, %dma_wait3A_338] : memref<400000x128xf32, #tpu.memory_space<hbm>> -> memref<40x128xf32, #tpu.memory_space<hbm>>
        tpu.wait_dma2 semaphore(%arg26 : memref<!tpu.dma_semaphore, #tpu.memory_space<semaphore_mem>>) src(%dma_wait3A_339 : memref<40x128xf32, #tpu.memory_space<hbm>>) dst(%arg18 : memref<40x128xf32, #tpu.memory_space<vmem>>)
        %dma_wait3A_340 = arith.constant 0 : i32
        %dma_wait3A_341 = arith.constant 0 : i32
        %dma_wait3A_342 = tpu.memref_slice %arg2[%dma_wait3A_340, %dma_wait3A_341] : memref<50176x64xf32, #tpu.memory_space<hbm>> -> memref<50176x64xf32, #tpu.memory_space<hbm>>
        tpu.wait_indirect_dma semaphore(%arg22 : memref<!tpu.dma_semaphore, #tpu.memory_space<semaphore_mem>>) src(%dma_wait3A_342 : memref<50176x64xf32, #tpu.memory_space<hbm>>) dst(%arg11 : memref<80x64xf32, #tpu.memory_space<vmem>>)
        %dma_wait3A_343 = arith.constant 0 : i32
        %dma_wait3A_344 = arith.constant 0 : i32
        %dma_wait3A_345 = tpu.memref_slice %arg3[%dma_wait3A_343, %dma_wait3A_344] : memref<50176x64xf32, #tpu.memory_space<hbm>> -> memref<50176x64xf32, #tpu.memory_space<hbm>>
        tpu.wait_indirect_dma semaphore(%arg22 : memref<!tpu.dma_semaphore, #tpu.memory_space<semaphore_mem>>) src(%dma_wait3A_345 : memref<50176x64xf32, #tpu.memory_space<hbm>>) dst(%arg12 : memref<80x64xf32, #tpu.memory_space<vmem>>)
        %add3A_346 = arith.constant 2 : i32
        %add3A_347 = arith.addi %scan3A_303, %add3A_346 : i32
        %lt3A_348 = arith.constant 625 : i32
        %lt3A_349 = arith.cmpi slt, %add3A_347, %lt3A_348 : i32
        %convert_element_type3A_350 = arith.extui %lt3A_349 : i1 to i32
        %cond3A_351 = arith.constant 0 : i32
        %cond3A_352 = arith.cmpi ne, %convert_element_type3A_350, %cond3A_351 : i32
        scf.if %cond3A_352 {
          %add3A_363 = arith.constant 2 : i32
          %add3A_364 = arith.addi %scan3A_303, %add3A_363 : i32
          %mul3A_365 = arith.constant 80 : i32
          %mul3A_366 = arith.muli %add3A_364, %mul3A_365 : i32
          %add3A_367 = arith.addi %mul3A_38, %mul3A_366 : i32
          %dma_start3A_368 = tpu.memref_slice %arg5[%add3A_367] : memref<800000xi32, #tpu.memory_space<hbm>> -> memref<80xi32, #tpu.memory_space<hbm>>
          %dma_start3A_369 = tpu.memref_slice %arg5[%add3A_367] : memref<800000xi32, #tpu.memory_space<hbm>> -> memref<80xi32, #tpu.memory_space<hbm>>
          tpu.enqueue_dma source(%dma_start3A_369 : memref<80xi32, #tpu.memory_space<hbm>>) target(%arg8 : memref<80xi32, #tpu.memory_space<vmem>>) target_semaphore(%arg20 : memref<!tpu.dma_semaphore, #tpu.memory_space<semaphore_mem>>)
          %mul3A_370 = arith.constant 80 : i32
          %mul3A_371 = arith.muli %add3A_364, %mul3A_370 : i32
          %add3A_372 = arith.addi %mul3A_38, %mul3A_371 : i32
          %dma_start3A_373 = tpu.memref_slice %arg6[%add3A_372] : memref<800000xi32, #tpu.memory_space<hbm>> -> memref<80xi32, #tpu.memory_space<hbm>>
          %dma_start3A_374 = tpu.memref_slice %arg6[%add3A_372] : memref<800000xi32, #tpu.memory_space<hbm>> -> memref<80xi32, #tpu.memory_space<hbm>>
          tpu.enqueue_dma source(%dma_start3A_374 : memref<80xi32, #tpu.memory_space<hbm>>) target(%arg9 : memref<80xi32, #tpu.memory_space<vmem>>) target_semaphore(%arg20 : memref<!tpu.dma_semaphore, #tpu.memory_space<semaphore_mem>>)
        } else {
        }
        %scan3A_353 = arith.constant 0 : i32
        %scan3A_354 = arith.constant 0 : i32
        %scan3A_355 = arith.constant 40 : i32
        %scan3A_356 = arith.addi %scan3A_354, %scan3A_355 : i32
        %scan3A_357 = arith.constant 2 : i32
        %scan3A_358 = scf.for %scan3A_363 = %scan3A_354 to %scan3A_356 step %scan3A_357 iter_args(%scan3A_364 = %scan3A_353) -> (i32)  : i32 {
          %mul3A_365 = arith.constant 2 : i32
          %mul3A_366 = arith.muli %scan3A_363, %mul3A_365 : i32
          %add3A_367 = arith.constant 0 : i32
          %add3A_368 = arith.addi %mul3A_366, %add3A_367 : i32
          %get3A_369 = arith.index_cast %add3A_368 : i32 to index
          %get3A_370 = arith.constant 0 : index
          %get3A_371 = tpu.vector_load %arg11[%get3A_369, %get3A_370] {strides = array<i32>} : memref<80x64xf32, #tpu.memory_space<vmem>>, vector<1x16xf32>,
          %get3A_372 = vector.shape_cast %get3A_371 : vector<1x16xf32> to vector<16xf32>
          %get3A_373 = arith.index_cast %add3A_368 : i32 to index
          %get3A_374 = arith.constant 0 : index
          %get3A_375 = tpu.vector_load %arg12[%get3A_373, %get3A_374] {strides = array<i32>} : memref<80x64xf32, #tpu.memory_space<vmem>>, vector<1x16xf32>,
          %get3A_376 = vector.shape_cast %get3A_375 : vector<1x16xf32> to vector<16xf32>
          %add3A_377 = arith.addf %get3A_372, %get3A_376 : vector<16xf32>
          %get3A_378 = arith.index_cast %scan3A_363 : i32 to index
          %get3A_379 = arith.constant 0 : index
          %get3A_380 = tpu.vector_load %arg18[%get3A_378, %get3A_379] {strides = array<i32>} : memref<40x128xf32, #tpu.memory_space<vmem>>, vector<1x16xf32>,
          %get3A_381 = vector.shape_cast %get3A_380 : vector<1x16xf32> to vector<16xf32>
          %add3A_382 = arith.addf %add3A_377, %get3A_381 : vector<16xf32>
          %max3A = arith.constant 0.000000e+00 : f32
          %max3A_383 = vector.broadcast %max3A : f32 to vector<16xf32>
          %max3A_384 = arith.maximumf %add3A_382, %max3A_383 : vector<16xf32>
          %swap3A_385 = arith.index_cast %add3A_368 : i32 to index
          %swap3A_386 = arith.constant 0 : index
          %swap3A_387 = tpu.vector_load %arg11[%swap3A_385, %swap3A_386] {strides = array<i32>} : memref<80x64xf32, #tpu.memory_space<vmem>>, vector<1x16xf32>,
          %swap3A_388 = vector.shape_cast %swap3A_387 : vector<1x16xf32> to vector<16xf32>
          %swap3A_389 = vector.shape_cast %max3A_384 : vector<16xf32> to vector<1x16xf32>
          tpu.vector_store %arg11[%swap3A_385, %swap3A_386], %swap3A_389 {strides = array<i32>} : memref<80x64xf32, #tpu.memory_space<vmem>>, vector<1x16xf32>,
          %get3A_390 = arith.index_cast %add3A_368 : i32 to index
          %get3A_391 = arith.constant 16 : index
          %get3A_392 = tpu.vector_load %arg11[%get3A_390, %get3A_391] {strides = array<i32>} : memref<80x64xf32, #tpu.memory_space<vmem>>, vector<1x16xf32>,
          %get3A_393 = vector.shape_cast %get3A_392 : vector<1x16xf32> to vector<16xf32>
          %get3A_394 = arith.index_cast %add3A_368 : i32 to index
          %get3A_395 = arith.constant 16 : index
          %get3A_396 = tpu.vector_load %arg12[%get3A_394, %get3A_395] {strides = array<i32>} : memref<80x64xf32, #tpu.memory_space<vmem>>, vector<1x16xf32>,
          %get3A_397 = vector.shape_cast %get3A_396 : vector<1x16xf32> to vector<16xf32>
          %add3A_398 = arith.addf %get3A_393, %get3A_397 : vector<16xf32>
          %get3A_399 = arith.index_cast %scan3A_363 : i32 to index
          %get3A_400 = arith.constant 16 : index
          %get3A_401 = tpu.vector_load %arg18[%get3A_399, %get3A_400] {strides = array<i32>} : memref<40x128xf32, #tpu.memory_space<vmem>>, vector<1x16xf32>,
          %get3A_402 = vector.shape_cast %get3A_401 : vector<1x16xf32> to vector<16xf32>
          %add3A_403 = arith.addf %add3A_398, %get3A_402 : vector<16xf32>
          %max3A_404 = arith.constant 0.000000e+00 : f32
          %max3A_405 = vector.broadcast %max3A_404 : f32 to vector<16xf32>
          %max3A_406 = arith.maximumf %add3A_403, %max3A_405 : vector<16xf32>
          %swap3A_407 = arith.index_cast %add3A_368 : i32 to index
          %swap3A_408 = arith.constant 16 : index
          %swap3A_409 = tpu.vector_load %arg11[%swap3A_407, %swap3A_408] {strides = array<i32>} : memref<80x64xf32, #tpu.memory_space<vmem>>, vector<1x16xf32>,
          %swap3A_410 = vector.shape_cast %swap3A_409 : vector<1x16xf32> to vector<16xf32>
          %swap3A_411 = vector.shape_cast %max3A_406 : vector<16xf32> to vector<1x16xf32>
          tpu.vector_store %arg11[%swap3A_407, %swap3A_408], %swap3A_411 {strides = array<i32>} : memref<80x64xf32, #tpu.memory_space<vmem>>, vector<1x16xf32>,
          %get3A_412 = arith.index_cast %add3A_368 : i32 to index
          %get3A_413 = arith.constant 32 : index
          %get3A_414 = tpu.vector_load %arg11[%get3A_412, %get3A_413] {strides = array<i32>} : memref<80x64xf32, #tpu.memory_space<vmem>>, vector<1x16xf32>,
          %get3A_415 = vector.shape_cast %get3A_414 : vector<1x16xf32> to vector<16xf32>
          %get3A_416 = arith.index_cast %add3A_368 : i32 to index
          %get3A_417 = arith.constant 32 : index
          %get3A_418 = tpu.vector_load %arg12[%get3A_416, %get3A_417] {strides = array<i32>} : memref<80x64xf32, #tpu.memory_space<vmem>>, vector<1x16xf32>,
          %get3A_419 = vector.shape_cast %get3A_418 : vector<1x16xf32> to vector<16xf32>
          %add3A_420 = arith.addf %get3A_415, %get3A_419 : vector<16xf32>
          %get3A_421 = arith.index_cast %scan3A_363 : i32 to index
          %get3A_422 = arith.constant 32 : index
          %get3A_423 = tpu.vector_load %arg18[%get3A_421, %get3A_422] {strides = array<i32>} : memref<40x128xf32, #tpu.memory_space<vmem>>, vector<1x16xf32>,
          %get3A_424 = vector.shape_cast %get3A_423 : vector<1x16xf32> to vector<16xf32>
          %add3A_425 = arith.addf %add3A_420, %get3A_424 : vector<16xf32>
          %max3A_426 = arith.constant 0.000000e+00 : f32
          %max3A_427 = vector.broadcast %max3A_426 : f32 to vector<16xf32>
          %max3A_428 = arith.maximumf %add3A_425, %max3A_427 : vector<16xf32>
          %swap3A_429 = arith.index_cast %add3A_368 : i32 to index
          %swap3A_430 = arith.constant 32 : index
          %swap3A_431 = tpu.vector_load %arg11[%swap3A_429, %swap3A_430] {strides = array<i32>} : memref<80x64xf32, #tpu.memory_space<vmem>>, vector<1x16xf32>,
          %swap3A_432 = vector.shape_cast %swap3A_431 : vector<1x16xf32> to vector<16xf32>
          %swap3A_433 = vector.shape_cast %max3A_428 : vector<16xf32> to vector<1x16xf32>
          tpu.vector_store %arg11[%swap3A_429, %swap3A_430], %swap3A_433 {strides = array<i32>} : memref<80x64xf32, #tpu.memory_space<vmem>>, vector<1x16xf32>,
          %get3A_434 = arith.index_cast %add3A_368 : i32 to index
          %get3A_435 = arith.constant 48 : index
          %get3A_436 = tpu.vector_load %arg11[%get3A_434, %get3A_435] {strides = array<i32>} : memref<80x64xf32, #tpu.memory_space<vmem>>, vector<1x16xf32>,
          %get3A_437 = vector.shape_cast %get3A_436 : vector<1x16xf32> to vector<16xf32>
          %get3A_438 = arith.index_cast %add3A_368 : i32 to index
          %get3A_439 = arith.constant 48 : index
          %get3A_440 = tpu.vector_load %arg12[%get3A_438, %get3A_439] {strides = array<i32>} : memref<80x64xf32, #tpu.memory_space<vmem>>, vector<1x16xf32>,
          %get3A_441 = vector.shape_cast %get3A_440 : vector<1x16xf32> to vector<16xf32>
          %add3A_442 = arith.addf %get3A_437, %get3A_441 : vector<16xf32>
          %get3A_443 = arith.index_cast %scan3A_363 : i32 to index
          %get3A_444 = arith.constant 48 : index
          %get3A_445 = tpu.vector_load %arg18[%get3A_443, %get3A_444] {strides = array<i32>} : memref<40x128xf32, #tpu.memory_space<vmem>>, vector<1x16xf32>,
          %get3A_446 = vector.shape_cast %get3A_445 : vector<1x16xf32> to vector<16xf32>
          %add3A_447 = arith.addf %add3A_442, %get3A_446 : vector<16xf32>
          %max3A_448 = arith.constant 0.000000e+00 : f32
          %max3A_449 = vector.broadcast %max3A_448 : f32 to vector<16xf32>
          %max3A_450 = arith.maximumf %add3A_447, %max3A_449 : vector<16xf32>
          %swap3A_451 = arith.index_cast %add3A_368 : i32 to index
          %swap3A_452 = arith.constant 48 : index
          %swap3A_453 = tpu.vector_load %arg11[%swap3A_451, %swap3A_452] {strides = array<i32>} : memref<80x64xf32, #tpu.memory_space<vmem>>, vector<1x16xf32>,
          %swap3A_454 = vector.shape_cast %swap3A_453 : vector<1x16xf32> to vector<16xf32>
          %swap3A_455 = vector.shape_cast %max3A_450 : vector<16xf32> to vector<1x16xf32>
          tpu.vector_store %arg11[%swap3A_451, %swap3A_452], %swap3A_455 {strides = array<i32>} : memref<80x64xf32, #tpu.memory_space<vmem>>, vector<1x16xf32>,
          %mul3A_456 = arith.constant 2 : i32
          %mul3A_457 = arith.muli %scan3A_363, %mul3A_456 : i32
          %add3A_458 = arith.constant 1 : i32
          %add3A_459 = arith.addi %mul3A_457, %add3A_458 : i32
          %get3A_460 = arith.index_cast %add3A_459 : i32 to index
          %get3A_461 = arith.constant 0 : index
          %get3A_462 = tpu.vector_load %arg11[%get3A_460, %get3A_461] {strides = array<i32>} : memref<80x64xf32, #tpu.memory_space<vmem>>, vector<1x16xf32>,
          %get3A_463 = vector.shape_cast %get3A_462 : vector<1x16xf32> to vector<16xf32>
          %get3A_464 = arith.index_cast %add3A_459 : i32 to index
          %get3A_465 = arith.constant 0 : index
          %get3A_466 = tpu.vector_load %arg12[%get3A_464, %get3A_465] {strides = array<i32>} : memref<80x64xf32, #tpu.memory_space<vmem>>, vector<1x16xf32>,
          %get3A_467 = vector.shape_cast %get3A_466 : vector<1x16xf32> to vector<16xf32>
          %add3A_468 = arith.addf %get3A_463, %get3A_467 : vector<16xf32>
          %get3A_469 = arith.index_cast %scan3A_363 : i32 to index
          %get3A_470 = arith.constant 64 : index
          %get3A_471 = tpu.vector_load %arg18[%get3A_469, %get3A_470] {strides = array<i32>} : memref<40x128xf32, #tpu.memory_space<vmem>>, vector<1x16xf32>,
          %get3A_472 = vector.shape_cast %get3A_471 : vector<1x16xf32> to vector<16xf32>
          %add3A_473 = arith.addf %add3A_468, %get3A_472 : vector<16xf32>
          %max3A_474 = arith.constant 0.000000e+00 : f32
          %max3A_475 = vector.broadcast %max3A_474 : f32 to vector<16xf32>
          %max3A_476 = arith.maximumf %add3A_473, %max3A_475 : vector<16xf32>
          %swap3A_477 = arith.index_cast %add3A_459 : i32 to index
          %swap3A_478 = arith.constant 0 : index
          %swap3A_479 = tpu.vector_load %arg11[%swap3A_477, %swap3A_478] {strides = array<i32>} : memref<80x64xf32, #tpu.memory_space<vmem>>, vector<1x16xf32>,
          %swap3A_480 = vector.shape_cast %swap3A_479 : vector<1x16xf32> to vector<16xf32>
          %swap3A_481 = vector.shape_cast %max3A_476 : vector<16xf32> to vector<1x16xf32>
          tpu.vector_store %arg11[%swap3A_477, %swap3A_478], %swap3A_481 {strides = array<i32>} : memref<80x64xf32, #tpu.memory_space<vmem>>, vector<1x16xf32>,
          %get3A_482 = arith.index_cast %add3A_459 : i32 to index
          %get3A_483 = arith.constant 16 : index
          %get3A_484 = tpu.vector_load %arg11[%get3A_482, %get3A_483] {strides = array<i32>} : memref<80x64xf32, #tpu.memory_space<vmem>>, vector<1x16xf32>,
          %get3A_485 = vector.shape_cast %get3A_484 : vector<1x16xf32> to vector<16xf32>
          %get3A_486 = arith.index_cast %add3A_459 : i32 to index
          %get3A_487 = arith.constant 16 : index
          %get3A_488 = tpu.vector_load %arg12[%get3A_486, %get3A_487] {strides = array<i32>} : memref<80x64xf32, #tpu.memory_space<vmem>>, vector<1x16xf32>,
          %get3A_489 = vector.shape_cast %get3A_488 : vector<1x16xf32> to vector<16xf32>
          %add3A_490 = arith.addf %get3A_485, %get3A_489 : vector<16xf32>
          %get3A_491 = arith.index_cast %scan3A_363 : i32 to index
          %get3A_492 = arith.constant 80 : index
          %get3A_493 = tpu.vector_load %arg18[%get3A_491, %get3A_492] {strides = array<i32>} : memref<40x128xf32, #tpu.memory_space<vmem>>, vector<1x16xf32>,
          %get3A_494 = vector.shape_cast %get3A_493 : vector<1x16xf32> to vector<16xf32>
          %add3A_495 = arith.addf %add3A_490, %get3A_494 : vector<16xf32>
          %max3A_496 = arith.constant 0.000000e+00 : f32
          %max3A_497 = vector.broadcast %max3A_496 : f32 to vector<16xf32>
          %max3A_498 = arith.maximumf %add3A_495, %max3A_497 : vector<16xf32>
          %swap3A_499 = arith.index_cast %add3A_459 : i32 to index
          %swap3A_500 = arith.constant 16 : index
          %swap3A_501 = tpu.vector_load %arg11[%swap3A_499, %swap3A_500] {strides = array<i32>} : memref<80x64xf32, #tpu.memory_space<vmem>>, vector<1x16xf32>,
          %swap3A_502 = vector.shape_cast %swap3A_501 : vector<1x16xf32> to vector<16xf32>
          %swap3A_503 = vector.shape_cast %max3A_498 : vector<16xf32> to vector<1x16xf32>
          tpu.vector_store %arg11[%swap3A_499, %swap3A_500], %swap3A_503 {strides = array<i32>} : memref<80x64xf32, #tpu.memory_space<vmem>>, vector<1x16xf32>,
          %get3A_504 = arith.index_cast %add3A_459 : i32 to index
          %get3A_505 = arith.constant 32 : index
          %get3A_506 = tpu.vector_load %arg11[%get3A_504, %get3A_505] {strides = array<i32>} : memref<80x64xf32, #tpu.memory_space<vmem>>, vector<1x16xf32>,
          %get3A_507 = vector.shape_cast %get3A_506 : vector<1x16xf32> to vector<16xf32>
          %get3A_508 = arith.index_cast %add3A_459 : i32 to index
          %get3A_509 = arith.constant 32 : index
          %get3A_510 = tpu.vector_load %arg12[%get3A_508, %get3A_509] {strides = array<i32>} : memref<80x64xf32, #tpu.memory_space<vmem>>, vector<1x16xf32>,
          %get3A_511 = vector.shape_cast %get3A_510 : vector<1x16xf32> to vector<16xf32>
          %add3A_512 = arith.addf %get3A_507, %get3A_511 : vector<16xf32>
          %get3A_513 = arith.index_cast %scan3A_363 : i32 to index
          %get3A_514 = arith.constant 96 : index
          %get3A_515 = tpu.vector_load %arg18[%get3A_513, %get3A_514] {strides = array<i32>} : memref<40x128xf32, #tpu.memory_space<vmem>>, vector<1x16xf32>,
          %get3A_516 = vector.shape_cast %get3A_515 : vector<1x16xf32> to vector<16xf32>
          %add3A_517 = arith.addf %add3A_512, %get3A_516 : vector<16xf32>
          %max3A_518 = arith.constant 0.000000e+00 : f32
          %max3A_519 = vector.broadcast %max3A_518 : f32 to vector<16xf32>
          %max3A_520 = arith.maximumf %add3A_517, %max3A_519 : vector<16xf32>
          %swap3A_521 = arith.index_cast %add3A_459 : i32 to index
          %swap3A_522 = arith.constant 32 : index
          %swap3A_523 = tpu.vector_load %arg11[%swap3A_521, %swap3A_522] {strides = array<i32>} : memref<80x64xf32, #tpu.memory_space<vmem>>, vector<1x16xf32>,
          %swap3A_524 = vector.shape_cast %swap3A_523 : vector<1x16xf32> to vector<16xf32>
          %swap3A_525 = vector.shape_cast %max3A_520 : vector<16xf32> to vector<1x16xf32>
          tpu.vector_store %arg11[%swap3A_521, %swap3A_522], %swap3A_525 {strides = array<i32>} : memref<80x64xf32, #tpu.memory_space<vmem>>, vector<1x16xf32>,
          %get3A_526 = arith.index_cast %add3A_459 : i32 to index
          %get3A_527 = arith.constant 48 : index
          %get3A_528 = tpu.vector_load %arg11[%get3A_526, %get3A_527] {strides = array<i32>} : memref<80x64xf32, #tpu.memory_space<vmem>>, vector<1x16xf32>,
          %get3A_529 = vector.shape_cast %get3A_528 : vector<1x16xf32> to vector<16xf32>
          %get3A_530 = arith.index_cast %add3A_459 : i32 to index
          %get3A_531 = arith.constant 48 : index
          %get3A_532 = tpu.vector_load %arg12[%get3A_530, %get3A_531] {strides = array<i32>} : memref<80x64xf32, #tpu.memory_space<vmem>>, vector<1x16xf32>,
          %get3A_533 = vector.shape_cast %get3A_532 : vector<1x16xf32> to vector<16xf32>
          %add3A_534 = arith.addf %get3A_529, %get3A_533 : vector<16xf32>
          %get3A_535 = arith.index_cast %scan3A_363 : i32 to index
          %get3A_536 = arith.constant 112 : index
          %get3A_537 = tpu.vector_load %arg18[%get3A_535, %get3A_536] {strides = array<i32>} : memref<40x128xf32, #tpu.memory_space<vmem>>, vector<1x16xf32>,
          %get3A_538 = vector.shape_cast %get3A_537 : vector<1x16xf32> to vector<16xf32>
          %add3A_539 = arith.addf %add3A_534, %get3A_538 : vector<16xf32>
          %max3A_540 = arith.constant 0.000000e+00 : f32
          %max3A_541 = vector.broadcast %max3A_540 : f32 to vector<16xf32>
          %max3A_542 = arith.maximumf %add3A_539, %max3A_541 : vector<16xf32>
          %swap3A_543 = arith.index_cast %add3A_459 : i32 to index
          %swap3A_544 = arith.constant 48 : index
          %swap3A_545 = tpu.vector_load %arg11[%swap3A_543, %swap3A_544] {strides = array<i32>} : memref<80x64xf32, #tpu.memory_space<vmem>>, vector<1x16xf32>,
          %swap3A_546 = vector.shape_cast %swap3A_545 : vector<1x16xf32> to vector<16xf32>
          %swap3A_547 = vector.shape_cast %max3A_542 : vector<16xf32> to vector<1x16xf32>
          tpu.vector_store %arg11[%swap3A_543, %swap3A_544], %swap3A_547 {strides = array<i32>} : memref<80x64xf32, #tpu.memory_space<vmem>>, vector<1x16xf32>,
          %scan3A_548 = arith.constant 0 : i32
          %scan3A_549 = arith.constant 1 : i32
          %scan3A_550 = arith.addi %scan3A_363, %scan3A_549 : i32
          %mul3A_551 = arith.constant 2 : i32
          %mul3A_552 = arith.muli %scan3A_550, %mul3A_551 : i32
          %add3A_553 = arith.constant 0 : i32
          %add3A_554 = arith.addi %mul3A_552, %add3A_553 : i32
          %get3A_555 = arith.index_cast %add3A_554 : i32 to index
          %get3A_556 = arith.constant 0 : index
          %get3A_557 = tpu.vector_load %arg11[%get3A_555, %get3A_556] {strides = array<i32>} : memref<80x64xf32, #tpu.memory_space<vmem>>, vector<1x16xf32>,
          %get3A_558 = vector.shape_cast %get3A_557 : vector<1x16xf32> to vector<16xf32>
          %get3A_559 = arith.index_cast %add3A_554 : i32 to index
          %get3A_560 = arith.constant 0 : index
          %get3A_561 = tpu.vector_load %arg12[%get3A_559, %get3A_560] {strides = array<i32>} : memref<80x64xf32, #tpu.memory_space<vmem>>, vector<1x16xf32>,
          %get3A_562 = vector.shape_cast %get3A_561 : vector<1x16xf32> to vector<16xf32>
          %add3A_563 = arith.addf %get3A_558, %get3A_562 : vector<16xf32>
          %get3A_564 = arith.index_cast %scan3A_550 : i32 to index
          %get3A_565 = arith.constant 0 : index
          %get3A_566 = tpu.vector_load %arg18[%get3A_564, %get3A_565] {strides = array<i32>} : memref<40x128xf32, #tpu.memory_space<vmem>>, vector<1x16xf32>,
          %get3A_567 = vector.shape_cast %get3A_566 : vector<1x16xf32> to vector<16xf32>
          %add3A_568 = arith.addf %add3A_563, %get3A_567 : vector<16xf32>
          %max3A_569 = arith.constant 0.000000e+00 : f32
          %max3A_570 = vector.broadcast %max3A_569 : f32 to vector<16xf32>
          %max3A_571 = arith.maximumf %add3A_568, %max3A_570 : vector<16xf32>
          %swap3A_572 = arith.index_cast %add3A_554 : i32 to index
          %swap3A_573 = arith.constant 0 : index
          %swap3A_574 = tpu.vector_load %arg11[%swap3A_572, %swap3A_573] {strides = array<i32>} : memref<80x64xf32, #tpu.memory_space<vmem>>, vector<1x16xf32>,
          %swap3A_575 = vector.shape_cast %swap3A_574 : vector<1x16xf32> to vector<16xf32>
          %swap3A_576 = vector.shape_cast %max3A_571 : vector<16xf32> to vector<1x16xf32>
          tpu.vector_store %arg11[%swap3A_572, %swap3A_573], %swap3A_576 {strides = array<i32>} : memref<80x64xf32, #tpu.memory_space<vmem>>, vector<1x16xf32>,
          %get3A_577 = arith.index_cast %add3A_554 : i32 to index
          %get3A_578 = arith.constant 16 : index
          %get3A_579 = tpu.vector_load %arg11[%get3A_577, %get3A_578] {strides = array<i32>} : memref<80x64xf32, #tpu.memory_space<vmem>>, vector<1x16xf32>,
          %get3A_580 = vector.shape_cast %get3A_579 : vector<1x16xf32> to vector<16xf32>
          %get3A_581 = arith.index_cast %add3A_554 : i32 to index
          %get3A_582 = arith.constant 16 : index
          %get3A_583 = tpu.vector_load %arg12[%get3A_581, %get3A_582] {strides = array<i32>} : memref<80x64xf32, #tpu.memory_space<vmem>>, vector<1x16xf32>,
          %get3A_584 = vector.shape_cast %get3A_583 : vector<1x16xf32> to vector<16xf32>
          %add3A_585 = arith.addf %get3A_580, %get3A_584 : vector<16xf32>
          %get3A_586 = arith.index_cast %scan3A_550 : i32 to index
          %get3A_587 = arith.constant 16 : index
          %get3A_588 = tpu.vector_load %arg18[%get3A_586, %get3A_587] {strides = array<i32>} : memref<40x128xf32, #tpu.memory_space<vmem>>, vector<1x16xf32>,
          %get3A_589 = vector.shape_cast %get3A_588 : vector<1x16xf32> to vector<16xf32>
          %add3A_590 = arith.addf %add3A_585, %get3A_589 : vector<16xf32>
          %max3A_591 = arith.constant 0.000000e+00 : f32
          %max3A_592 = vector.broadcast %max3A_591 : f32 to vector<16xf32>
          %max3A_593 = arith.maximumf %add3A_590, %max3A_592 : vector<16xf32>
          %swap3A_594 = arith.index_cast %add3A_554 : i32 to index
          %swap3A_595 = arith.constant 16 : index
          %swap3A_596 = tpu.vector_load %arg11[%swap3A_594, %swap3A_595] {strides = array<i32>} : memref<80x64xf32, #tpu.memory_space<vmem>>, vector<1x16xf32>,
          %swap3A_597 = vector.shape_cast %swap3A_596 : vector<1x16xf32> to vector<16xf32>
          %swap3A_598 = vector.shape_cast %max3A_593 : vector<16xf32> to vector<1x16xf32>
          tpu.vector_store %arg11[%swap3A_594, %swap3A_595], %swap3A_598 {strides = array<i32>} : memref<80x64xf32, #tpu.memory_space<vmem>>, vector<1x16xf32>,
          %get3A_599 = arith.index_cast %add3A_554 : i32 to index
          %get3A_600 = arith.constant 32 : index
          %get3A_601 = tpu.vector_load %arg11[%get3A_599, %get3A_600] {strides = array<i32>} : memref<80x64xf32, #tpu.memory_space<vmem>>, vector<1x16xf32>,
          %get3A_602 = vector.shape_cast %get3A_601 : vector<1x16xf32> to vector<16xf32>
          %get3A_603 = arith.index_cast %add3A_554 : i32 to index
          %get3A_604 = arith.constant 32 : index
          %get3A_605 = tpu.vector_load %arg12[%get3A_603, %get3A_604] {strides = array<i32>} : memref<80x64xf32, #tpu.memory_space<vmem>>, vector<1x16xf32>,
          %get3A_606 = vector.shape_cast %get3A_605 : vector<1x16xf32> to vector<16xf32>
          %add3A_607 = arith.addf %get3A_602, %get3A_606 : vector<16xf32>
          %get3A_608 = arith.index_cast %scan3A_550 : i32 to index
          %get3A_609 = arith.constant 32 : index
          %get3A_610 = tpu.vector_load %arg18[%get3A_608, %get3A_609] {strides = array<i32>} : memref<40x128xf32, #tpu.memory_space<vmem>>, vector<1x16xf32>,
          %get3A_611 = vector.shape_cast %get3A_610 : vector<1x16xf32> to vector<16xf32>
          %add3A_612 = arith.addf %add3A_607, %get3A_611 : vector<16xf32>
          %max3A_613 = arith.constant 0.000000e+00 : f32
          %max3A_614 = vector.broadcast %max3A_613 : f32 to vector<16xf32>
          %max3A_615 = arith.maximumf %add3A_612, %max3A_614 : vector<16xf32>
          %swap3A_616 = arith.index_cast %add3A_554 : i32 to index
          %swap3A_617 = arith.constant 32 : index
          %swap3A_618 = tpu.vector_load %arg11[%swap3A_616, %swap3A_617] {strides = array<i32>} : memref<80x64xf32, #tpu.memory_space<vmem>>, vector<1x16xf32>,
          %swap3A_619 = vector.shape_cast %swap3A_618 : vector<1x16xf32> to vector<16xf32>
          %swap3A_620 = vector.shape_cast %max3A_615 : vector<16xf32> to vector<1x16xf32>
          tpu.vector_store %arg11[%swap3A_616, %swap3A_617], %swap3A_620 {strides = array<i32>} : memref<80x64xf32, #tpu.memory_space<vmem>>, vector<1x16xf32>,
          %get3A_621 = arith.index_cast %add3A_554 : i32 to index
          %get3A_622 = arith.constant 48 : index
          %get3A_623 = tpu.vector_load %arg11[%get3A_621, %get3A_622] {strides = array<i32>} : memref<80x64xf32, #tpu.memory_space<vmem>>, vector<1x16xf32>,
          %get3A_624 = vector.shape_cast %get3A_623 : vector<1x16xf32> to vector<16xf32>
          %get3A_625 = arith.index_cast %add3A_554 : i32 to index
          %get3A_626 = arith.constant 48 : index
          %get3A_627 = tpu.vector_load %arg12[%get3A_625, %get3A_626] {strides = array<i32>} : memref<80x64xf32, #tpu.memory_space<vmem>>, vector<1x16xf32>,
          %get3A_628 = vector.shape_cast %get3A_627 : vector<1x16xf32> to vector<16xf32>
          %add3A_629 = arith.addf %get3A_624, %get3A_628 : vector<16xf32>
          %get3A_630 = arith.index_cast %scan3A_550 : i32 to index
          %get3A_631 = arith.constant 48 : index
          %get3A_632 = tpu.vector_load %arg18[%get3A_630, %get3A_631] {strides = array<i32>} : memref<40x128xf32, #tpu.memory_space<vmem>>, vector<1x16xf32>,
          %get3A_633 = vector.shape_cast %get3A_632 : vector<1x16xf32> to vector<16xf32>
          %add3A_634 = arith.addf %add3A_629, %get3A_633 : vector<16xf32>
          %max3A_635 = arith.constant 0.000000e+00 : f32
          %max3A_636 = vector.broadcast %max3A_635 : f32 to vector<16xf32>
          %max3A_637 = arith.maximumf %add3A_634, %max3A_636 : vector<16xf32>
          %swap3A_638 = arith.index_cast %add3A_554 : i32 to index
          %swap3A_639 = arith.constant 48 : index
          %swap3A_640 = tpu.vector_load %arg11[%swap3A_638, %swap3A_639] {strides = array<i32>} : memref<80x64xf32, #tpu.memory_space<vmem>>, vector<1x16xf32>,
          %swap3A_641 = vector.shape_cast %swap3A_640 : vector<1x16xf32> to vector<16xf32>
          %swap3A_642 = vector.shape_cast %max3A_637 : vector<16xf32> to vector<1x16xf32>
          tpu.vector_store %arg11[%swap3A_638, %swap3A_639], %swap3A_642 {strides = array<i32>} : memref<80x64xf32, #tpu.memory_space<vmem>>, vector<1x16xf32>,
          %mul3A_643 = arith.constant 2 : i32
          %mul3A_644 = arith.muli %scan3A_550, %mul3A_643 : i32
          %add3A_645 = arith.constant 1 : i32
          %add3A_646 = arith.addi %mul3A_644, %add3A_645 : i32
          %get3A_647 = arith.index_cast %add3A_646 : i32 to index
          %get3A_648 = arith.constant 0 : index
          %get3A_649 = tpu.vector_load %arg11[%get3A_647, %get3A_648] {strides = array<i32>} : memref<80x64xf32, #tpu.memory_space<vmem>>, vector<1x16xf32>,
          %get3A_650 = vector.shape_cast %get3A_649 : vector<1x16xf32> to vector<16xf32>
          %get3A_651 = arith.index_cast %add3A_646 : i32 to index
          %get3A_652 = arith.constant 0 : index
          %get3A_653 = tpu.vector_load %arg12[%get3A_651, %get3A_652] {strides = array<i32>} : memref<80x64xf32, #tpu.memory_space<vmem>>, vector<1x16xf32>,
          %get3A_654 = vector.shape_cast %get3A_653 : vector<1x16xf32> to vector<16xf32>
          %add3A_655 = arith.addf %get3A_650, %get3A_654 : vector<16xf32>
          %get3A_656 = arith.index_cast %scan3A_550 : i32 to index
          %get3A_657 = arith.constant 64 : index
          %get3A_658 = tpu.vector_load %arg18[%get3A_656, %get3A_657] {strides = array<i32>} : memref<40x128xf32, #tpu.memory_space<vmem>>, vector<1x16xf32>,
          %get3A_659 = vector.shape_cast %get3A_658 : vector<1x16xf32> to vector<16xf32>
          %add3A_660 = arith.addf %add3A_655, %get3A_659 : vector<16xf32>
          %max3A_661 = arith.constant 0.000000e+00 : f32
          %max3A_662 = vector.broadcast %max3A_661 : f32 to vector<16xf32>
          %max3A_663 = arith.maximumf %add3A_660, %max3A_662 : vector<16xf32>
          %swap3A_664 = arith.index_cast %add3A_646 : i32 to index
          %swap3A_665 = arith.constant 0 : index
          %swap3A_666 = tpu.vector_load %arg11[%swap3A_664, %swap3A_665] {strides = array<i32>} : memref<80x64xf32, #tpu.memory_space<vmem>>, vector<1x16xf32>,
          %swap3A_667 = vector.shape_cast %swap3A_666 : vector<1x16xf32> to vector<16xf32>
          %swap3A_668 = vector.shape_cast %max3A_663 : vector<16xf32> to vector<1x16xf32>
          tpu.vector_store %arg11[%swap3A_664, %swap3A_665], %swap3A_668 {strides = array<i32>} : memref<80x64xf32, #tpu.memory_space<vmem>>, vector<1x16xf32>,
          %get3A_669 = arith.index_cast %add3A_646 : i32 to index
          %get3A_670 = arith.constant 16 : index
          %get3A_671 = tpu.vector_load %arg11[%get3A_669, %get3A_670] {strides = array<i32>} : memref<80x64xf32, #tpu.memory_space<vmem>>, vector<1x16xf32>,
          %get3A_672 = vector.shape_cast %get3A_671 : vector<1x16xf32> to vector<16xf32>
          %get3A_673 = arith.index_cast %add3A_646 : i32 to index
          %get3A_674 = arith.constant 16 : index
          %get3A_675 = tpu.vector_load %arg12[%get3A_673, %get3A_674] {strides = array<i32>} : memref<80x64xf32, #tpu.memory_space<vmem>>, vector<1x16xf32>,
          %get3A_676 = vector.shape_cast %get3A_675 : vector<1x16xf32> to vector<16xf32>
          %add3A_677 = arith.addf %get3A_672, %get3A_676 : vector<16xf32>
          %get3A_678 = arith.index_cast %scan3A_550 : i32 to index
          %get3A_679 = arith.constant 80 : index
          %get3A_680 = tpu.vector_load %arg18[%get3A_678, %get3A_679] {strides = array<i32>} : memref<40x128xf32, #tpu.memory_space<vmem>>, vector<1x16xf32>,
          %get3A_681 = vector.shape_cast %get3A_680 : vector<1x16xf32> to vector<16xf32>
          %add3A_682 = arith.addf %add3A_677, %get3A_681 : vector<16xf32>
          %max3A_683 = arith.constant 0.000000e+00 : f32
          %max3A_684 = vector.broadcast %max3A_683 : f32 to vector<16xf32>
          %max3A_685 = arith.maximumf %add3A_682, %max3A_684 : vector<16xf32>
          %swap3A_686 = arith.index_cast %add3A_646 : i32 to index
          %swap3A_687 = arith.constant 16 : index
          %swap3A_688 = tpu.vector_load %arg11[%swap3A_686, %swap3A_687] {strides = array<i32>} : memref<80x64xf32, #tpu.memory_space<vmem>>, vector<1x16xf32>,
          %swap3A_689 = vector.shape_cast %swap3A_688 : vector<1x16xf32> to vector<16xf32>
          %swap3A_690 = vector.shape_cast %max3A_685 : vector<16xf32> to vector<1x16xf32>
          tpu.vector_store %arg11[%swap3A_686, %swap3A_687], %swap3A_690 {strides = array<i32>} : memref<80x64xf32, #tpu.memory_space<vmem>>, vector<1x16xf32>,
          %get3A_691 = arith.index_cast %add3A_646 : i32 to index
          %get3A_692 = arith.constant 32 : index
          %get3A_693 = tpu.vector_load %arg11[%get3A_691, %get3A_692] {strides = array<i32>} : memref<80x64xf32, #tpu.memory_space<vmem>>, vector<1x16xf32>,
          %get3A_694 = vector.shape_cast %get3A_693 : vector<1x16xf32> to vector<16xf32>
          %get3A_695 = arith.index_cast %add3A_646 : i32 to index
          %get3A_696 = arith.constant 32 : index
          %get3A_697 = tpu.vector_load %arg12[%get3A_695, %get3A_696] {strides = array<i32>} : memref<80x64xf32, #tpu.memory_space<vmem>>, vector<1x16xf32>,
          %get3A_698 = vector.shape_cast %get3A_697 : vector<1x16xf32> to vector<16xf32>
          %add3A_699 = arith.addf %get3A_694, %get3A_698 : vector<16xf32>
          %get3A_700 = arith.index_cast %scan3A_550 : i32 to index
          %get3A_701 = arith.constant 96 : index
          %get3A_702 = tpu.vector_load %arg18[%get3A_700, %get3A_701] {strides = array<i32>} : memref<40x128xf32, #tpu.memory_space<vmem>>, vector<1x16xf32>,
          %get3A_703 = vector.shape_cast %get3A_702 : vector<1x16xf32> to vector<16xf32>
          %add3A_704 = arith.addf %add3A_699, %get3A_703 : vector<16xf32>
          %max3A_705 = arith.constant 0.000000e+00 : f32
          %max3A_706 = vector.broadcast %max3A_705 : f32 to vector<16xf32>
          %max3A_707 = arith.maximumf %add3A_704, %max3A_706 : vector<16xf32>
          %swap3A_708 = arith.index_cast %add3A_646 : i32 to index
          %swap3A_709 = arith.constant 32 : index
          %swap3A_710 = tpu.vector_load %arg11[%swap3A_708, %swap3A_709] {strides = array<i32>} : memref<80x64xf32, #tpu.memory_space<vmem>>, vector<1x16xf32>,
          %swap3A_711 = vector.shape_cast %swap3A_710 : vector<1x16xf32> to vector<16xf32>
          %swap3A_712 = vector.shape_cast %max3A_707 : vector<16xf32> to vector<1x16xf32>
          tpu.vector_store %arg11[%swap3A_708, %swap3A_709], %swap3A_712 {strides = array<i32>} : memref<80x64xf32, #tpu.memory_space<vmem>>, vector<1x16xf32>,
          %get3A_713 = arith.index_cast %add3A_646 : i32 to index
          %get3A_714 = arith.constant 48 : index
          %get3A_715 = tpu.vector_load %arg11[%get3A_713, %get3A_714] {strides = array<i32>} : memref<80x64xf32, #tpu.memory_space<vmem>>, vector<1x16xf32>,
          %get3A_716 = vector.shape_cast %get3A_715 : vector<1x16xf32> to vector<16xf32>
          %get3A_717 = arith.index_cast %add3A_646 : i32 to index
          %get3A_718 = arith.constant 48 : index
          %get3A_719 = tpu.vector_load %arg12[%get3A_717, %get3A_718] {strides = array<i32>} : memref<80x64xf32, #tpu.memory_space<vmem>>, vector<1x16xf32>,
          %get3A_720 = vector.shape_cast %get3A_719 : vector<1x16xf32> to vector<16xf32>
          %add3A_721 = arith.addf %get3A_716, %get3A_720 : vector<16xf32>
          %get3A_722 = arith.index_cast %scan3A_550 : i32 to index
          %get3A_723 = arith.constant 112 : index
          %get3A_724 = tpu.vector_load %arg18[%get3A_722, %get3A_723] {strides = array<i32>} : memref<40x128xf32, #tpu.memory_space<vmem>>, vector<1x16xf32>,
          %get3A_725 = vector.shape_cast %get3A_724 : vector<1x16xf32> to vector<16xf32>
          %add3A_726 = arith.addf %add3A_721, %get3A_725 : vector<16xf32>
          %max3A_727 = arith.constant 0.000000e+00 : f32
          %max3A_728 = vector.broadcast %max3A_727 : f32 to vector<16xf32>
          %max3A_729 = arith.maximumf %add3A_726, %max3A_728 : vector<16xf32>
          %swap3A_730 = arith.index_cast %add3A_646 : i32 to index
          %swap3A_731 = arith.constant 48 : index
          %swap3A_732 = tpu.vector_load %arg11[%swap3A_730, %swap3A_731] {strides = array<i32>} : memref<80x64xf32, #tpu.memory_space<vmem>>, vector<1x16xf32>,
          %swap3A_733 = vector.shape_cast %swap3A_732 : vector<1x16xf32> to vector<16xf32>
          %swap3A_734 = vector.shape_cast %max3A_729 : vector<16xf32> to vector<1x16xf32>
          tpu.vector_store %arg11[%swap3A_730, %swap3A_731], %swap3A_734 {strides = array<i32>} : memref<80x64xf32, #tpu.memory_space<vmem>>, vector<1x16xf32>,
          %scan3A_735 = arith.constant 0 : i32
          scf.yield %scan3A_735 : i32
        }
        %scan3A_359 = arith.constant 40 : i32
        %dma_start3A_360 = arith.constant 0 : i32
        %dma_start3A_361 = arith.constant 0 : i32
        %dma_start3A_362 = tpu.memref_slice %arg19[%dma_start3A_360, %dma_start3A_361] : memref<25088x64xf32, #tpu.memory_space<vmem_shared>> -> memref<25088x64xf32, #tpu.memory_space<vmem_shared>>
        tpu.enqueue_indirect_dma source(%arg11 : memref<80x64xf32, #tpu.memory_space<vmem>>) target(%dma_start3A_362 : memref<25088x64xf32, #tpu.memory_space<vmem_shared>>) offsets(%arg10 : memref<80xi32, #tpu.memory_space<vmem>>) semaphore(%arg24 : memref<!tpu.dma_semaphore, #tpu.memory_space<semaphore_mem>>) {add = true}
      } else {
      }
      %eq3A_316 = arith.constant 1 : i32
      %eq3A_317 = arith.cmpi eq, %rem3A_306, %eq3A_316 : i32
      %convert_element_type3A_318 = arith.extui %eq3A_317 : i1 to i32
      %cond3A_319 = arith.constant 0 : i32
      %cond3A_320 = arith.cmpi ne, %convert_element_type3A_318, %cond3A_319 : i32
      scf.if %cond3A_320 {
        %ge3A_322 = arith.constant 1 : i32
        %ge3A_323 = arith.cmpi sge, %scan3A_303, %ge3A_322 : i32
        %convert_element_type3A_324 = arith.extui %ge3A_323 : i1 to i32
        %cond3A_325 = arith.constant 0 : i32
        %cond3A_326 = arith.cmpi ne, %convert_element_type3A_324, %cond3A_325 : i32
        scf.if %cond3A_326 {
          %dma_wait3A_363 = arith.constant 0 : i32
          %dma_wait3A_364 = arith.constant 0 : i32
          %dma_wait3A_365 = tpu.memref_slice %arg19[%dma_wait3A_363, %dma_wait3A_364] : memref<25088x64xf32, #tpu.memory_space<vmem_shared>> -> memref<25088x64xf32, #tpu.memory_space<vmem_shared>>
          tpu.wait_indirect_dma semaphore(%arg24 : memref<!tpu.dma_semaphore, #tpu.memory_space<semaphore_mem>>) src(%arg11 : memref<80x64xf32, #tpu.memory_space<vmem>>) dst(%dma_wait3A_365 : memref<25088x64xf32, #tpu.memory_space<vmem_shared>>)
        } else {
        }
        %add3A_327 = arith.constant 1 : i32
        %add3A_328 = arith.addi %scan3A_303, %add3A_327 : i32
        %lt3A_329 = arith.constant 625 : i32
        %lt3A_330 = arith.cmpi slt, %add3A_328, %lt3A_329 : i32
        %convert_element_type3A_331 = arith.extui %lt3A_330 : i1 to i32
        %cond3A_332 = arith.constant 0 : i32
        %cond3A_333 = arith.cmpi ne, %convert_element_type3A_331, %cond3A_332 : i32
        scf.if %cond3A_333 {
          %dma_wait3A_363 = arith.constant 0 : i32
          %dma_wait3A_364 = tpu.memref_slice %arg5[%dma_wait3A_363] : memref<800000xi32, #tpu.memory_space<hbm>> -> memref<80xi32, #tpu.memory_space<hbm>>
          %dma_wait3A_365 = arith.constant 0 : i32
          %dma_wait3A_366 = tpu.memref_slice %arg5[%dma_wait3A_365] : memref<800000xi32, #tpu.memory_space<hbm>> -> memref<80xi32, #tpu.memory_space<hbm>>
          tpu.wait_dma2 semaphore(%arg20 : memref<!tpu.dma_semaphore, #tpu.memory_space<semaphore_mem>>) src(%dma_wait3A_366 : memref<80xi32, #tpu.memory_space<hbm>>) dst(%arg8 : memref<80xi32, #tpu.memory_space<vmem>>)
          %dma_wait3A_367 = arith.constant 0 : i32
          %dma_wait3A_368 = tpu.memref_slice %arg6[%dma_wait3A_367] : memref<800000xi32, #tpu.memory_space<hbm>> -> memref<80xi32, #tpu.memory_space<hbm>>
          %dma_wait3A_369 = arith.constant 0 : i32
          %dma_wait3A_370 = tpu.memref_slice %arg6[%dma_wait3A_369] : memref<800000xi32, #tpu.memory_space<hbm>> -> memref<80xi32, #tpu.memory_space<hbm>>
          tpu.wait_dma2 semaphore(%arg20 : memref<!tpu.dma_semaphore, #tpu.memory_space<semaphore_mem>>) src(%dma_wait3A_370 : memref<80xi32, #tpu.memory_space<hbm>>) dst(%arg9 : memref<80xi32, #tpu.memory_space<vmem>>)
          %add3A_371 = arith.constant 1 : i32
          %add3A_372 = arith.addi %scan3A_303, %add3A_371 : i32
          %add3A_373 = arith.constant 25088 : i32
          %add3A_374 = arith.addi %mul3A_0, %add3A_373 : i32
          %iota3A_375 = tpu.iota {dimensions = array<i32: 0>} : vector<16xi32>
          %get3A_376 = arith.constant 0 : index
          %get3A_377 = tpu.vector_load %arg9[%get3A_376] {strides = array<i32>} : memref<80xi32, #tpu.memory_space<vmem>>, vector<16xi32>,
          %get3A_378 = vector.shape_cast %get3A_377 : vector<16xi32> to vector<16xi32>
          %ge3A_379 = vector.broadcast %mul3A_0 : i32 to vector<16xi32>
          %ge3A_380 = arith.cmpi sge, %get3A_378, %ge3A_379 : vector<16xi32>
          %lt3A_381 = vector.broadcast %add3A_374 : i32 to vector<16xi32>
          %lt3A_382 = arith.cmpi slt, %get3A_378, %lt3A_381 : vector<16xi32>
          %and3A_383 = arith.andi %ge3A_380, %lt3A_382 : vector<16xi1>
          %add3A_384 = arith.constant 0 : i32
          %add3A_385 = arith.addi %add3A_372, %add3A_384 : i32
          %mul3A_386 = arith.constant 4 : i32
          %mul3A_387 = arith.muli %arg1, %mul3A_386 : i32
          %add3A_388 = arith.addi %add3A_385, %mul3A_387 : i32
          %mul3A_389 = arith.constant 16 : i32
          %mul3A_390 = arith.muli %add3A_388, %mul3A_389 : i32
          %and3A_391 = arith.constant 112 : i32
          %and3A_392 = arith.andi %mul3A_390, %and3A_391 : i32
          %add3A_393 = vector.broadcast %and3A_392 : i32 to vector<16xi32>
          %add3A_394 = arith.addi %add3A_393, %iota3A_375 : vector<16xi32>
          %add3A_395 = arith.constant 50000 : i32
          %add3A_396 = vector.broadcast %add3A_395 : i32 to vector<16xi32>
          %add3A_397 = arith.addi %add3A_396, %add3A_394 : vector<16xi32>
          %select_n3A_398 = arith.select %and3A_383, %get3A_378, %add3A_397 : vector<16xi1>, vector<16xi32>
          %swap3A_399 = arith.constant 0 : index
          %swap3A_400 = tpu.vector_load %arg9[%swap3A_399] {strides = array<i32>} : memref<80xi32, #tpu.memory_space<vmem>>, vector<16xi32>,
          %swap3A_401 = vector.shape_cast %swap3A_400 : vector<16xi32> to vector<16xi32>
          %swap3A_402 = vector.shape_cast %select_n3A_398 : vector<16xi32> to vector<16xi32>
          tpu.vector_store %arg9[%swap3A_399], %swap3A_402 {strides = array<i32>} : memref<80xi32, #tpu.memory_space<vmem>>, vector<16xi32>,
          %ge3A_403 = arith.constant 25088 : i32
          %ge3A_404 = vector.broadcast %ge3A_403 : i32 to vector<16xi32>
          %ge3A_405 = arith.cmpi sge, %get3A_378, %ge3A_404 : vector<16xi32>
          %sub3A_406 = arith.constant 25088 : i32
          %sub3A_407 = vector.broadcast %sub3A_406 : i32 to vector<16xi32>
          %sub3A_408 = arith.subi %get3A_378, %sub3A_407 : vector<16xi32>
          %select_n3A_409 = arith.select %ge3A_405, %sub3A_408, %get3A_378 : vector<16xi1>, vector<16xi32>
          %swap3A_410 = arith.constant 0 : index
          %swap3A_411 = tpu.vector_load %arg10[%swap3A_410] {strides = array<i32>} : memref<80xi32, #tpu.memory_space<vmem>>, vector<16xi32>,
          %swap3A_412 = vector.shape_cast %swap3A_411 : vector<16xi32> to vector<16xi32>
          %swap3A_413 = vector.shape_cast %select_n3A_409 : vector<16xi32> to vector<16xi32>
          tpu.vector_store %arg10[%swap3A_410], %swap3A_413 {strides = array<i32>} : memref<80xi32, #tpu.memory_space<vmem>>, vector<16xi32>,
          %get3A_414 = arith.constant 16 : index
          %get3A_415 = tpu.vector_load %arg9[%get3A_414] {strides = array<i32>} : memref<80xi32, #tpu.memory_space<vmem>>, vector<16xi32>,
          %get3A_416 = vector.shape_cast %get3A_415 : vector<16xi32> to vector<16xi32>
          %ge3A_417 = vector.broadcast %mul3A_0 : i32 to vector<16xi32>
          %ge3A_418 = arith.cmpi sge, %get3A_416, %ge3A_417 : vector<16xi32>
          %lt3A_419 = vector.broadcast %add3A_374 : i32 to vector<16xi32>
          %lt3A_420 = arith.cmpi slt, %get3A_416, %lt3A_419 : vector<16xi32>
          %and3A_421 = arith.andi %ge3A_418, %lt3A_420 : vector<16xi1>
          %add3A_422 = arith.constant 1 : i32
          %add3A_423 = arith.addi %add3A_372, %add3A_422 : i32
          %mul3A_424 = arith.constant 4 : i32
          %mul3A_425 = arith.muli %arg1, %mul3A_424 : i32
          %add3A_426 = arith.addi %add3A_423, %mul3A_425 : i32
          %mul3A_427 = arith.constant 16 : i32
          %mul3A_428 = arith.muli %add3A_426, %mul3A_427 : i32
          %and3A_429 = arith.constant 112 : i32
          %and3A_430 = arith.andi %mul3A_428, %and3A_429 : i32
          %add3A_431 = vector.broadcast %and3A_430 : i32 to vector<16xi32>
          %add3A_432 = arith.addi %add3A_431, %iota3A_375 : vector<16xi32>
          %add3A_433 = arith.constant 50000 : i32
          %add3A_434 = vector.broadcast %add3A_433 : i32 to vector<16xi32>
          %add3A_435 = arith.addi %add3A_434, %add3A_432 : vector<16xi32>
          %select_n3A_436 = arith.select %and3A_421, %get3A_416, %add3A_435 : vector<16xi1>, vector<16xi32>
          %swap3A_437 = arith.constant 16 : index
          %swap3A_438 = tpu.vector_load %arg9[%swap3A_437] {strides = array<i32>} : memref<80xi32, #tpu.memory_space<vmem>>, vector<16xi32>,
          %swap3A_439 = vector.shape_cast %swap3A_438 : vector<16xi32> to vector<16xi32>
          %swap3A_440 = vector.shape_cast %select_n3A_436 : vector<16xi32> to vector<16xi32>
          tpu.vector_store %arg9[%swap3A_437], %swap3A_440 {strides = array<i32>} : memref<80xi32, #tpu.memory_space<vmem>>, vector<16xi32>,
          %ge3A_441 = arith.constant 25088 : i32
          %ge3A_442 = vector.broadcast %ge3A_441 : i32 to vector<16xi32>
          %ge3A_443 = arith.cmpi sge, %get3A_416, %ge3A_442 : vector<16xi32>
          %sub3A_444 = arith.constant 25088 : i32
          %sub3A_445 = vector.broadcast %sub3A_444 : i32 to vector<16xi32>
          %sub3A_446 = arith.subi %get3A_416, %sub3A_445 : vector<16xi32>
          %select_n3A_447 = arith.select %ge3A_443, %sub3A_446, %get3A_416 : vector<16xi1>, vector<16xi32>
          %swap3A_448 = arith.constant 16 : index
          %swap3A_449 = tpu.vector_load %arg10[%swap3A_448] {strides = array<i32>} : memref<80xi32, #tpu.memory_space<vmem>>, vector<16xi32>,
          %swap3A_450 = vector.shape_cast %swap3A_449 : vector<16xi32> to vector<16xi32>
          %swap3A_451 = vector.shape_cast %select_n3A_447 : vector<16xi32> to vector<16xi32>
          tpu.vector_store %arg10[%swap3A_448], %swap3A_451 {strides = array<i32>} : memref<80xi32, #tpu.memory_space<vmem>>, vector<16xi32>,
          %get3A_452 = arith.constant 32 : index
          %get3A_453 = tpu.vector_load %arg9[%get3A_452] {strides = array<i32>} : memref<80xi32, #tpu.memory_space<vmem>>, vector<16xi32>,
          %get3A_454 = vector.shape_cast %get3A_453 : vector<16xi32> to vector<16xi32>
          %ge3A_455 = vector.broadcast %mul3A_0 : i32 to vector<16xi32>
          %ge3A_456 = arith.cmpi sge, %get3A_454, %ge3A_455 : vector<16xi32>
          %lt3A_457 = vector.broadcast %add3A_374 : i32 to vector<16xi32>
          %lt3A_458 = arith.cmpi slt, %get3A_454, %lt3A_457 : vector<16xi32>
          %and3A_459 = arith.andi %ge3A_456, %lt3A_458 : vector<16xi1>
          %add3A_460 = arith.constant 2 : i32
          %add3A_461 = arith.addi %add3A_372, %add3A_460 : i32
          %mul3A_462 = arith.constant 4 : i32
          %mul3A_463 = arith.muli %arg1, %mul3A_462 : i32
          %add3A_464 = arith.addi %add3A_461, %mul3A_463 : i32
          %mul3A_465 = arith.constant 16 : i32
          %mul3A_466 = arith.muli %add3A_464, %mul3A_465 : i32
          %and3A_467 = arith.constant 112 : i32
          %and3A_468 = arith.andi %mul3A_466, %and3A_467 : i32
          %add3A_469 = vector.broadcast %and3A_468 : i32 to vector<16xi32>
          %add3A_470 = arith.addi %add3A_469, %iota3A_375 : vector<16xi32>
          %add3A_471 = arith.constant 50000 : i32
          %add3A_472 = vector.broadcast %add3A_471 : i32 to vector<16xi32>
          %add3A_473 = arith.addi %add3A_472, %add3A_470 : vector<16xi32>
          %select_n3A_474 = arith.select %and3A_459, %get3A_454, %add3A_473 : vector<16xi1>, vector<16xi32>
          %swap3A_475 = arith.constant 32 : index
          %swap3A_476 = tpu.vector_load %arg9[%swap3A_475] {strides = array<i32>} : memref<80xi32, #tpu.memory_space<vmem>>, vector<16xi32>,
          %swap3A_477 = vector.shape_cast %swap3A_476 : vector<16xi32> to vector<16xi32>
          %swap3A_478 = vector.shape_cast %select_n3A_474 : vector<16xi32> to vector<16xi32>
          tpu.vector_store %arg9[%swap3A_475], %swap3A_478 {strides = array<i32>} : memref<80xi32, #tpu.memory_space<vmem>>, vector<16xi32>,
          %ge3A_479 = arith.constant 25088 : i32
          %ge3A_480 = vector.broadcast %ge3A_479 : i32 to vector<16xi32>
          %ge3A_481 = arith.cmpi sge, %get3A_454, %ge3A_480 : vector<16xi32>
          %sub3A_482 = arith.constant 25088 : i32
          %sub3A_483 = vector.broadcast %sub3A_482 : i32 to vector<16xi32>
          %sub3A_484 = arith.subi %get3A_454, %sub3A_483 : vector<16xi32>
          %select_n3A_485 = arith.select %ge3A_481, %sub3A_484, %get3A_454 : vector<16xi1>, vector<16xi32>
          %swap3A_486 = arith.constant 32 : index
          %swap3A_487 = tpu.vector_load %arg10[%swap3A_486] {strides = array<i32>} : memref<80xi32, #tpu.memory_space<vmem>>, vector<16xi32>,
          %swap3A_488 = vector.shape_cast %swap3A_487 : vector<16xi32> to vector<16xi32>
          %swap3A_489 = vector.shape_cast %select_n3A_485 : vector<16xi32> to vector<16xi32>
          tpu.vector_store %arg10[%swap3A_486], %swap3A_489 {strides = array<i32>} : memref<80xi32, #tpu.memory_space<vmem>>, vector<16xi32>,
          %get3A_490 = arith.constant 48 : index
          %get3A_491 = tpu.vector_load %arg9[%get3A_490] {strides = array<i32>} : memref<80xi32, #tpu.memory_space<vmem>>, vector<16xi32>,
          %get3A_492 = vector.shape_cast %get3A_491 : vector<16xi32> to vector<16xi32>
          %ge3A_493 = vector.broadcast %mul3A_0 : i32 to vector<16xi32>
          %ge3A_494 = arith.cmpi sge, %get3A_492, %ge3A_493 : vector<16xi32>
          %lt3A_495 = vector.broadcast %add3A_374 : i32 to vector<16xi32>
          %lt3A_496 = arith.cmpi slt, %get3A_492, %lt3A_495 : vector<16xi32>
          %and3A_497 = arith.andi %ge3A_494, %lt3A_496 : vector<16xi1>
          %add3A_498 = arith.constant 3 : i32
          %add3A_499 = arith.addi %add3A_372, %add3A_498 : i32
          %mul3A_500 = arith.constant 4 : i32
          %mul3A_501 = arith.muli %arg1, %mul3A_500 : i32
          %add3A_502 = arith.addi %add3A_499, %mul3A_501 : i32
          %mul3A_503 = arith.constant 16 : i32
          %mul3A_504 = arith.muli %add3A_502, %mul3A_503 : i32
          %and3A_505 = arith.constant 112 : i32
          %and3A_506 = arith.andi %mul3A_504, %and3A_505 : i32
          %add3A_507 = vector.broadcast %and3A_506 : i32 to vector<16xi32>
          %add3A_508 = arith.addi %add3A_507, %iota3A_375 : vector<16xi32>
          %add3A_509 = arith.constant 50000 : i32
          %add3A_510 = vector.broadcast %add3A_509 : i32 to vector<16xi32>
          %add3A_511 = arith.addi %add3A_510, %add3A_508 : vector<16xi32>
          %select_n3A_512 = arith.select %and3A_497, %get3A_492, %add3A_511 : vector<16xi1>, vector<16xi32>
          %swap3A_513 = arith.constant 48 : index
          %swap3A_514 = tpu.vector_load %arg9[%swap3A_513] {strides = array<i32>} : memref<80xi32, #tpu.memory_space<vmem>>, vector<16xi32>,
          %swap3A_515 = vector.shape_cast %swap3A_514 : vector<16xi32> to vector<16xi32>
          %swap3A_516 = vector.shape_cast %select_n3A_512 : vector<16xi32> to vector<16xi32>
          tpu.vector_store %arg9[%swap3A_513], %swap3A_516 {strides = array<i32>} : memref<80xi32, #tpu.memory_space<vmem>>, vector<16xi32>,
          %ge3A_517 = arith.constant 25088 : i32
          %ge3A_518 = vector.broadcast %ge3A_517 : i32 to vector<16xi32>
          %ge3A_519 = arith.cmpi sge, %get3A_492, %ge3A_518 : vector<16xi32>
          %sub3A_520 = arith.constant 25088 : i32
          %sub3A_521 = vector.broadcast %sub3A_520 : i32 to vector<16xi32>
          %sub3A_522 = arith.subi %get3A_492, %sub3A_521 : vector<16xi32>
          %select_n3A_523 = arith.select %ge3A_519, %sub3A_522, %get3A_492 : vector<16xi1>, vector<16xi32>
          %swap3A_524 = arith.constant 48 : index
          %swap3A_525 = tpu.vector_load %arg10[%swap3A_524] {strides = array<i32>} : memref<80xi32, #tpu.memory_space<vmem>>, vector<16xi32>,
          %swap3A_526 = vector.shape_cast %swap3A_525 : vector<16xi32> to vector<16xi32>
          %swap3A_527 = vector.shape_cast %select_n3A_523 : vector<16xi32> to vector<16xi32>
          tpu.vector_store %arg10[%swap3A_524], %swap3A_527 {strides = array<i32>} : memref<80xi32, #tpu.memory_space<vmem>>, vector<16xi32>,
          %get3A_528 = arith.constant 64 : index
          %get3A_529 = tpu.vector_load %arg9[%get3A_528] {strides = array<i32>} : memref<80xi32, #tpu.memory_space<vmem>>, vector<16xi32>,
          %get3A_530 = vector.shape_cast %get3A_529 : vector<16xi32> to vector<16xi32>
          %ge3A_531 = vector.broadcast %mul3A_0 : i32 to vector<16xi32>
          %ge3A_532 = arith.cmpi sge, %get3A_530, %ge3A_531 : vector<16xi32>
          %lt3A_533 = vector.broadcast %add3A_374 : i32 to vector<16xi32>
          %lt3A_534 = arith.cmpi slt, %get3A_530, %lt3A_533 : vector<16xi32>
          %and3A_535 = arith.andi %ge3A_532, %lt3A_534 : vector<16xi1>
          %add3A_536 = arith.constant 4 : i32
          %add3A_537 = arith.addi %add3A_372, %add3A_536 : i32
          %mul3A_538 = arith.constant 4 : i32
          %mul3A_539 = arith.muli %arg1, %mul3A_538 : i32
          %add3A_540 = arith.addi %add3A_537, %mul3A_539 : i32
          %mul3A_541 = arith.constant 16 : i32
          %mul3A_542 = arith.muli %add3A_540, %mul3A_541 : i32
          %and3A_543 = arith.constant 112 : i32
          %and3A_544 = arith.andi %mul3A_542, %and3A_543 : i32
          %add3A_545 = vector.broadcast %and3A_544 : i32 to vector<16xi32>
          %add3A_546 = arith.addi %add3A_545, %iota3A_375 : vector<16xi32>
          %add3A_547 = arith.constant 50000 : i32
          %add3A_548 = vector.broadcast %add3A_547 : i32 to vector<16xi32>
          %add3A_549 = arith.addi %add3A_548, %add3A_546 : vector<16xi32>
          %select_n3A_550 = arith.select %and3A_535, %get3A_530, %add3A_549 : vector<16xi1>, vector<16xi32>
          %swap3A_551 = arith.constant 64 : index
          %swap3A_552 = tpu.vector_load %arg9[%swap3A_551] {strides = array<i32>} : memref<80xi32, #tpu.memory_space<vmem>>, vector<16xi32>,
          %swap3A_553 = vector.shape_cast %swap3A_552 : vector<16xi32> to vector<16xi32>
          %swap3A_554 = vector.shape_cast %select_n3A_550 : vector<16xi32> to vector<16xi32>
          tpu.vector_store %arg9[%swap3A_551], %swap3A_554 {strides = array<i32>} : memref<80xi32, #tpu.memory_space<vmem>>, vector<16xi32>,
          %ge3A_555 = arith.constant 25088 : i32
          %ge3A_556 = vector.broadcast %ge3A_555 : i32 to vector<16xi32>
          %ge3A_557 = arith.cmpi sge, %get3A_530, %ge3A_556 : vector<16xi32>
          %sub3A_558 = arith.constant 25088 : i32
          %sub3A_559 = vector.broadcast %sub3A_558 : i32 to vector<16xi32>
          %sub3A_560 = arith.subi %get3A_530, %sub3A_559 : vector<16xi32>
          %select_n3A_561 = arith.select %ge3A_557, %sub3A_560, %get3A_530 : vector<16xi1>, vector<16xi32>
          %swap3A_562 = arith.constant 64 : index
          %swap3A_563 = tpu.vector_load %arg10[%swap3A_562] {strides = array<i32>} : memref<80xi32, #tpu.memory_space<vmem>>, vector<16xi32>,
          %swap3A_564 = vector.shape_cast %swap3A_563 : vector<16xi32> to vector<16xi32>
          %swap3A_565 = vector.shape_cast %select_n3A_561 : vector<16xi32> to vector<16xi32>
          tpu.vector_store %arg10[%swap3A_562], %swap3A_565 {strides = array<i32>} : memref<80xi32, #tpu.memory_space<vmem>>, vector<16xi32>,
          %dma_start3A_566 = arith.constant 0 : i32
          %dma_start3A_567 = arith.constant 0 : i32
          %dma_start3A_568 = tpu.memref_slice %arg2[%dma_start3A_566, %dma_start3A_567] : memref<50176x64xf32, #tpu.memory_space<hbm>> -> memref<50176x64xf32, #tpu.memory_space<hbm>>
          tpu.enqueue_indirect_dma source(%dma_start3A_568 : memref<50176x64xf32, #tpu.memory_space<hbm>>) target(%arg11 : memref<80x64xf32, #tpu.memory_space<vmem>>) offsets(%arg8 : memref<80xi32, #tpu.memory_space<vmem>>) semaphore(%arg22 : memref<!tpu.dma_semaphore, #tpu.memory_space<semaphore_mem>>)
          %dma_start3A_569 = arith.constant 0 : i32
          %dma_start3A_570 = arith.constant 0 : i32
          %dma_start3A_571 = tpu.memref_slice %arg3[%dma_start3A_569, %dma_start3A_570] : memref<50176x64xf32, #tpu.memory_space<hbm>> -> memref<50176x64xf32, #tpu.memory_space<hbm>>
          tpu.enqueue_indirect_dma source(%dma_start3A_571 : memref<50176x64xf32, #tpu.memory_space<hbm>>) target(%arg12 : memref<80x64xf32, #tpu.memory_space<vmem>>) offsets(%arg9 : memref<80xi32, #tpu.memory_space<vmem>>) semaphore(%arg22 : memref<!tpu.dma_semaphore, #tpu.memory_space<semaphore_mem>>)
        } else {
        }
        %dma_wait3A_334 = arith.constant 0 : i32
        %dma_wait3A_335 = arith.constant 0 : i32
        %dma_wait3A_336 = tpu.memref_slice %arg4[%dma_wait3A_334, %dma_wait3A_335] : memref<400000x128xf32, #tpu.memory_space<hbm>> -> memref<40x128xf32, #tpu.memory_space<hbm>>
        %dma_wait3A_337 = arith.constant 0 : i32
        %dma_wait3A_338 = arith.constant 0 : i32
        %dma_wait3A_339 = tpu.memref_slice %arg4[%dma_wait3A_337, %dma_wait3A_338] : memref<400000x128xf32, #tpu.memory_space<hbm>> -> memref<40x128xf32, #tpu.memory_space<hbm>>
        tpu.wait_dma2 semaphore(%arg26 : memref<!tpu.dma_semaphore, #tpu.memory_space<semaphore_mem>>) src(%dma_wait3A_339 : memref<40x128xf32, #tpu.memory_space<hbm>>) dst(%arg18 : memref<40x128xf32, #tpu.memory_space<vmem>>)
        %dma_wait3A_340 = arith.constant 0 : i32
        %dma_wait3A_341 = arith.constant 0 : i32
        %dma_wait3A_342 = tpu.memref_slice %arg2[%dma_wait3A_340, %dma_wait3A_341] : memref<50176x64xf32, #tpu.memory_space<hbm>> -> memref<50176x64xf32, #tpu.memory_space<hbm>>
        tpu.wait_indirect_dma semaphore(%arg23 : memref<!tpu.dma_semaphore, #tpu.memory_space<semaphore_mem>>) src(%dma_wait3A_342 : memref<50176x64xf32, #tpu.memory_space<hbm>>) dst(%arg16 : memref<80x64xf32, #tpu.memory_space<vmem>>)
        %dma_wait3A_343 = arith.constant 0 : i32
        %dma_wait3A_344 = arith.constant 0 : i32
        %dma_wait3A_345 = tpu.memref_slice %arg3[%dma_wait3A_343, %dma_wait3A_344] : memref<50176x64xf32, #tpu.memory_space<hbm>> -> memref<50176x64xf32, #tpu.memory_space<hbm>>
        tpu.wait_indirect_dma semaphore(%arg23 : memref<!tpu.dma_semaphore, #tpu.memory_space<semaphore_mem>>) src(%dma_wait3A_345 : memref<50176x64xf32, #tpu.memory_space<hbm>>) dst(%arg17 : memref<80x64xf32, #tpu.memory_space<vmem>>)
        %add3A_346 = arith.constant 2 : i32
        %add3A_347 = arith.addi %scan3A_303, %add3A_346 : i32
        %lt3A_348 = arith.constant 625 : i32
        %lt3A_349 = arith.cmpi slt, %add3A_347, %lt3A_348 : i32
        %convert_element_type3A_350 = arith.extui %lt3A_349 : i1 to i32
        %cond3A_351 = arith.constant 0 : i32
        %cond3A_352 = arith.cmpi ne, %convert_element_type3A_350, %cond3A_351 : i32
        scf.if %cond3A_352 {
          %add3A_363 = arith.constant 2 : i32
          %add3A_364 = arith.addi %scan3A_303, %add3A_363 : i32
          %mul3A_365 = arith.constant 80 : i32
          %mul3A_366 = arith.muli %add3A_364, %mul3A_365 : i32
          %add3A_367 = arith.addi %mul3A_38, %mul3A_366 : i32
          %dma_start3A_368 = tpu.memref_slice %arg5[%add3A_367] : memref<800000xi32, #tpu.memory_space<hbm>> -> memref<80xi32, #tpu.memory_space<hbm>>
          %dma_start3A_369 = tpu.memref_slice %arg5[%add3A_367] : memref<800000xi32, #tpu.memory_space<hbm>> -> memref<80xi32, #tpu.memory_space<hbm>>
          tpu.enqueue_dma source(%dma_start3A_369 : memref<80xi32, #tpu.memory_space<hbm>>) target(%arg13 : memref<80xi32, #tpu.memory_space<vmem>>) target_semaphore(%arg21 : memref<!tpu.dma_semaphore, #tpu.memory_space<semaphore_mem>>)
          %mul3A_370 = arith.constant 80 : i32
          %mul3A_371 = arith.muli %add3A_364, %mul3A_370 : i32
          %add3A_372 = arith.addi %mul3A_38, %mul3A_371 : i32
          %dma_start3A_373 = tpu.memref_slice %arg6[%add3A_372] : memref<800000xi32, #tpu.memory_space<hbm>> -> memref<80xi32, #tpu.memory_space<hbm>>
          %dma_start3A_374 = tpu.memref_slice %arg6[%add3A_372] : memref<800000xi32, #tpu.memory_space<hbm>> -> memref<80xi32, #tpu.memory_space<hbm>>
          tpu.enqueue_dma source(%dma_start3A_374 : memref<80xi32, #tpu.memory_space<hbm>>) target(%arg14 : memref<80xi32, #tpu.memory_space<vmem>>) target_semaphore(%arg21 : memref<!tpu.dma_semaphore, #tpu.memory_space<semaphore_mem>>)
        } else {
        }
        %scan3A_353 = arith.constant 0 : i32
        %scan3A_354 = arith.constant 0 : i32
        %scan3A_355 = arith.constant 40 : i32
        %scan3A_356 = arith.addi %scan3A_354, %scan3A_355 : i32
        %scan3A_357 = arith.constant 2 : i32
        %scan3A_358 = scf.for %scan3A_363 = %scan3A_354 to %scan3A_356 step %scan3A_357 iter_args(%scan3A_364 = %scan3A_353) -> (i32)  : i32 {
          %mul3A_365 = arith.constant 2 : i32
          %mul3A_366 = arith.muli %scan3A_363, %mul3A_365 : i32
          %add3A_367 = arith.constant 0 : i32
          %add3A_368 = arith.addi %mul3A_366, %add3A_367 : i32
          %get3A_369 = arith.index_cast %add3A_368 : i32 to index
          %get3A_370 = arith.constant 0 : index
          %get3A_371 = tpu.vector_load %arg16[%get3A_369, %get3A_370] {strides = array<i32>} : memref<80x64xf32, #tpu.memory_space<vmem>>, vector<1x16xf32>,
          %get3A_372 = vector.shape_cast %get3A_371 : vector<1x16xf32> to vector<16xf32>
          %get3A_373 = arith.index_cast %add3A_368 : i32 to index
          %get3A_374 = arith.constant 0 : index
          %get3A_375 = tpu.vector_load %arg17[%get3A_373, %get3A_374] {strides = array<i32>} : memref<80x64xf32, #tpu.memory_space<vmem>>, vector<1x16xf32>,
          %get3A_376 = vector.shape_cast %get3A_375 : vector<1x16xf32> to vector<16xf32>
          %add3A_377 = arith.addf %get3A_372, %get3A_376 : vector<16xf32>
          %get3A_378 = arith.index_cast %scan3A_363 : i32 to index
          %get3A_379 = arith.constant 0 : index
          %get3A_380 = tpu.vector_load %arg18[%get3A_378, %get3A_379] {strides = array<i32>} : memref<40x128xf32, #tpu.memory_space<vmem>>, vector<1x16xf32>,
          %get3A_381 = vector.shape_cast %get3A_380 : vector<1x16xf32> to vector<16xf32>
          %add3A_382 = arith.addf %add3A_377, %get3A_381 : vector<16xf32>
          %max3A = arith.constant 0.000000e+00 : f32
          %max3A_383 = vector.broadcast %max3A : f32 to vector<16xf32>
          %max3A_384 = arith.maximumf %add3A_382, %max3A_383 : vector<16xf32>
          %swap3A_385 = arith.index_cast %add3A_368 : i32 to index
          %swap3A_386 = arith.constant 0 : index
          %swap3A_387 = tpu.vector_load %arg16[%swap3A_385, %swap3A_386] {strides = array<i32>} : memref<80x64xf32, #tpu.memory_space<vmem>>, vector<1x16xf32>,
          %swap3A_388 = vector.shape_cast %swap3A_387 : vector<1x16xf32> to vector<16xf32>
          %swap3A_389 = vector.shape_cast %max3A_384 : vector<16xf32> to vector<1x16xf32>
          tpu.vector_store %arg16[%swap3A_385, %swap3A_386], %swap3A_389 {strides = array<i32>} : memref<80x64xf32, #tpu.memory_space<vmem>>, vector<1x16xf32>,
          %get3A_390 = arith.index_cast %add3A_368 : i32 to index
          %get3A_391 = arith.constant 16 : index
          %get3A_392 = tpu.vector_load %arg16[%get3A_390, %get3A_391] {strides = array<i32>} : memref<80x64xf32, #tpu.memory_space<vmem>>, vector<1x16xf32>,
          %get3A_393 = vector.shape_cast %get3A_392 : vector<1x16xf32> to vector<16xf32>
          %get3A_394 = arith.index_cast %add3A_368 : i32 to index
          %get3A_395 = arith.constant 16 : index
          %get3A_396 = tpu.vector_load %arg17[%get3A_394, %get3A_395] {strides = array<i32>} : memref<80x64xf32, #tpu.memory_space<vmem>>, vector<1x16xf32>,
          %get3A_397 = vector.shape_cast %get3A_396 : vector<1x16xf32> to vector<16xf32>
          %add3A_398 = arith.addf %get3A_393, %get3A_397 : vector<16xf32>
          %get3A_399 = arith.index_cast %scan3A_363 : i32 to index
          %get3A_400 = arith.constant 16 : index
          %get3A_401 = tpu.vector_load %arg18[%get3A_399, %get3A_400] {strides = array<i32>} : memref<40x128xf32, #tpu.memory_space<vmem>>, vector<1x16xf32>,
          %get3A_402 = vector.shape_cast %get3A_401 : vector<1x16xf32> to vector<16xf32>
          %add3A_403 = arith.addf %add3A_398, %get3A_402 : vector<16xf32>
          %max3A_404 = arith.constant 0.000000e+00 : f32
          %max3A_405 = vector.broadcast %max3A_404 : f32 to vector<16xf32>
          %max3A_406 = arith.maximumf %add3A_403, %max3A_405 : vector<16xf32>
          %swap3A_407 = arith.index_cast %add3A_368 : i32 to index
          %swap3A_408 = arith.constant 16 : index
          %swap3A_409 = tpu.vector_load %arg16[%swap3A_407, %swap3A_408] {strides = array<i32>} : memref<80x64xf32, #tpu.memory_space<vmem>>, vector<1x16xf32>,
          %swap3A_410 = vector.shape_cast %swap3A_409 : vector<1x16xf32> to vector<16xf32>
          %swap3A_411 = vector.shape_cast %max3A_406 : vector<16xf32> to vector<1x16xf32>
          tpu.vector_store %arg16[%swap3A_407, %swap3A_408], %swap3A_411 {strides = array<i32>} : memref<80x64xf32, #tpu.memory_space<vmem>>, vector<1x16xf32>,
          %get3A_412 = arith.index_cast %add3A_368 : i32 to index
          %get3A_413 = arith.constant 32 : index
          %get3A_414 = tpu.vector_load %arg16[%get3A_412, %get3A_413] {strides = array<i32>} : memref<80x64xf32, #tpu.memory_space<vmem>>, vector<1x16xf32>,
          %get3A_415 = vector.shape_cast %get3A_414 : vector<1x16xf32> to vector<16xf32>
          %get3A_416 = arith.index_cast %add3A_368 : i32 to index
          %get3A_417 = arith.constant 32 : index
          %get3A_418 = tpu.vector_load %arg17[%get3A_416, %get3A_417] {strides = array<i32>} : memref<80x64xf32, #tpu.memory_space<vmem>>, vector<1x16xf32>,
          %get3A_419 = vector.shape_cast %get3A_418 : vector<1x16xf32> to vector<16xf32>
          %add3A_420 = arith.addf %get3A_415, %get3A_419 : vector<16xf32>
          %get3A_421 = arith.index_cast %scan3A_363 : i32 to index
          %get3A_422 = arith.constant 32 : index
          %get3A_423 = tpu.vector_load %arg18[%get3A_421, %get3A_422] {strides = array<i32>} : memref<40x128xf32, #tpu.memory_space<vmem>>, vector<1x16xf32>,
          %get3A_424 = vector.shape_cast %get3A_423 : vector<1x16xf32> to vector<16xf32>
          %add3A_425 = arith.addf %add3A_420, %get3A_424 : vector<16xf32>
          %max3A_426 = arith.constant 0.000000e+00 : f32
          %max3A_427 = vector.broadcast %max3A_426 : f32 to vector<16xf32>
          %max3A_428 = arith.maximumf %add3A_425, %max3A_427 : vector<16xf32>
          %swap3A_429 = arith.index_cast %add3A_368 : i32 to index
          %swap3A_430 = arith.constant 32 : index
          %swap3A_431 = tpu.vector_load %arg16[%swap3A_429, %swap3A_430] {strides = array<i32>} : memref<80x64xf32, #tpu.memory_space<vmem>>, vector<1x16xf32>,
          %swap3A_432 = vector.shape_cast %swap3A_431 : vector<1x16xf32> to vector<16xf32>
          %swap3A_433 = vector.shape_cast %max3A_428 : vector<16xf32> to vector<1x16xf32>
          tpu.vector_store %arg16[%swap3A_429, %swap3A_430], %swap3A_433 {strides = array<i32>} : memref<80x64xf32, #tpu.memory_space<vmem>>, vector<1x16xf32>,
          %get3A_434 = arith.index_cast %add3A_368 : i32 to index
          %get3A_435 = arith.constant 48 : index
          %get3A_436 = tpu.vector_load %arg16[%get3A_434, %get3A_435] {strides = array<i32>} : memref<80x64xf32, #tpu.memory_space<vmem>>, vector<1x16xf32>,
          %get3A_437 = vector.shape_cast %get3A_436 : vector<1x16xf32> to vector<16xf32>
          %get3A_438 = arith.index_cast %add3A_368 : i32 to index
          %get3A_439 = arith.constant 48 : index
          %get3A_440 = tpu.vector_load %arg17[%get3A_438, %get3A_439] {strides = array<i32>} : memref<80x64xf32, #tpu.memory_space<vmem>>, vector<1x16xf32>,
          %get3A_441 = vector.shape_cast %get3A_440 : vector<1x16xf32> to vector<16xf32>
          %add3A_442 = arith.addf %get3A_437, %get3A_441 : vector<16xf32>
          %get3A_443 = arith.index_cast %scan3A_363 : i32 to index
          %get3A_444 = arith.constant 48 : index
          %get3A_445 = tpu.vector_load %arg18[%get3A_443, %get3A_444] {strides = array<i32>} : memref<40x128xf32, #tpu.memory_space<vmem>>, vector<1x16xf32>,
          %get3A_446 = vector.shape_cast %get3A_445 : vector<1x16xf32> to vector<16xf32>
          %add3A_447 = arith.addf %add3A_442, %get3A_446 : vector<16xf32>
          %max3A_448 = arith.constant 0.000000e+00 : f32
          %max3A_449 = vector.broadcast %max3A_448 : f32 to vector<16xf32>
          %max3A_450 = arith.maximumf %add3A_447, %max3A_449 : vector<16xf32>
          %swap3A_451 = arith.index_cast %add3A_368 : i32 to index
          %swap3A_452 = arith.constant 48 : index
          %swap3A_453 = tpu.vector_load %arg16[%swap3A_451, %swap3A_452] {strides = array<i32>} : memref<80x64xf32, #tpu.memory_space<vmem>>, vector<1x16xf32>,
          %swap3A_454 = vector.shape_cast %swap3A_453 : vector<1x16xf32> to vector<16xf32>
          %swap3A_455 = vector.shape_cast %max3A_450 : vector<16xf32> to vector<1x16xf32>
          tpu.vector_store %arg16[%swap3A_451, %swap3A_452], %swap3A_455 {strides = array<i32>} : memref<80x64xf32, #tpu.memory_space<vmem>>, vector<1x16xf32>,
          %mul3A_456 = arith.constant 2 : i32
          %mul3A_457 = arith.muli %scan3A_363, %mul3A_456 : i32
          %add3A_458 = arith.constant 1 : i32
          %add3A_459 = arith.addi %mul3A_457, %add3A_458 : i32
          %get3A_460 = arith.index_cast %add3A_459 : i32 to index
          %get3A_461 = arith.constant 0 : index
          %get3A_462 = tpu.vector_load %arg16[%get3A_460, %get3A_461] {strides = array<i32>} : memref<80x64xf32, #tpu.memory_space<vmem>>, vector<1x16xf32>,
          %get3A_463 = vector.shape_cast %get3A_462 : vector<1x16xf32> to vector<16xf32>
          %get3A_464 = arith.index_cast %add3A_459 : i32 to index
          %get3A_465 = arith.constant 0 : index
          %get3A_466 = tpu.vector_load %arg17[%get3A_464, %get3A_465] {strides = array<i32>} : memref<80x64xf32, #tpu.memory_space<vmem>>, vector<1x16xf32>,
          %get3A_467 = vector.shape_cast %get3A_466 : vector<1x16xf32> to vector<16xf32>
          %add3A_468 = arith.addf %get3A_463, %get3A_467 : vector<16xf32>
          %get3A_469 = arith.index_cast %scan3A_363 : i32 to index
          %get3A_470 = arith.constant 64 : index
          %get3A_471 = tpu.vector_load %arg18[%get3A_469, %get3A_470] {strides = array<i32>} : memref<40x128xf32, #tpu.memory_space<vmem>>, vector<1x16xf32>,
          %get3A_472 = vector.shape_cast %get3A_471 : vector<1x16xf32> to vector<16xf32>
          %add3A_473 = arith.addf %add3A_468, %get3A_472 : vector<16xf32>
          %max3A_474 = arith.constant 0.000000e+00 : f32
          %max3A_475 = vector.broadcast %max3A_474 : f32 to vector<16xf32>
          %max3A_476 = arith.maximumf %add3A_473, %max3A_475 : vector<16xf32>
          %swap3A_477 = arith.index_cast %add3A_459 : i32 to index
          %swap3A_478 = arith.constant 0 : index
          %swap3A_479 = tpu.vector_load %arg16[%swap3A_477, %swap3A_478] {strides = array<i32>} : memref<80x64xf32, #tpu.memory_space<vmem>>, vector<1x16xf32>,
          %swap3A_480 = vector.shape_cast %swap3A_479 : vector<1x16xf32> to vector<16xf32>
          %swap3A_481 = vector.shape_cast %max3A_476 : vector<16xf32> to vector<1x16xf32>
          tpu.vector_store %arg16[%swap3A_477, %swap3A_478], %swap3A_481 {strides = array<i32>} : memref<80x64xf32, #tpu.memory_space<vmem>>, vector<1x16xf32>,
          %get3A_482 = arith.index_cast %add3A_459 : i32 to index
          %get3A_483 = arith.constant 16 : index
          %get3A_484 = tpu.vector_load %arg16[%get3A_482, %get3A_483] {strides = array<i32>} : memref<80x64xf32, #tpu.memory_space<vmem>>, vector<1x16xf32>,
          %get3A_485 = vector.shape_cast %get3A_484 : vector<1x16xf32> to vector<16xf32>
          %get3A_486 = arith.index_cast %add3A_459 : i32 to index
          %get3A_487 = arith.constant 16 : index
          %get3A_488 = tpu.vector_load %arg17[%get3A_486, %get3A_487] {strides = array<i32>} : memref<80x64xf32, #tpu.memory_space<vmem>>, vector<1x16xf32>,
          %get3A_489 = vector.shape_cast %get3A_488 : vector<1x16xf32> to vector<16xf32>
          %add3A_490 = arith.addf %get3A_485, %get3A_489 : vector<16xf32>
          %get3A_491 = arith.index_cast %scan3A_363 : i32 to index
          %get3A_492 = arith.constant 80 : index
          %get3A_493 = tpu.vector_load %arg18[%get3A_491, %get3A_492] {strides = array<i32>} : memref<40x128xf32, #tpu.memory_space<vmem>>, vector<1x16xf32>,
          %get3A_494 = vector.shape_cast %get3A_493 : vector<1x16xf32> to vector<16xf32>
          %add3A_495 = arith.addf %add3A_490, %get3A_494 : vector<16xf32>
          %max3A_496 = arith.constant 0.000000e+00 : f32
          %max3A_497 = vector.broadcast %max3A_496 : f32 to vector<16xf32>
          %max3A_498 = arith.maximumf %add3A_495, %max3A_497 : vector<16xf32>
          %swap3A_499 = arith.index_cast %add3A_459 : i32 to index
          %swap3A_500 = arith.constant 16 : index
          %swap3A_501 = tpu.vector_load %arg16[%swap3A_499, %swap3A_500] {strides = array<i32>} : memref<80x64xf32, #tpu.memory_space<vmem>>, vector<1x16xf32>,
          %swap3A_502 = vector.shape_cast %swap3A_501 : vector<1x16xf32> to vector<16xf32>
          %swap3A_503 = vector.shape_cast %max3A_498 : vector<16xf32> to vector<1x16xf32>
          tpu.vector_store %arg16[%swap3A_499, %swap3A_500], %swap3A_503 {strides = array<i32>} : memref<80x64xf32, #tpu.memory_space<vmem>>, vector<1x16xf32>,
          %get3A_504 = arith.index_cast %add3A_459 : i32 to index
          %get3A_505 = arith.constant 32 : index
          %get3A_506 = tpu.vector_load %arg16[%get3A_504, %get3A_505] {strides = array<i32>} : memref<80x64xf32, #tpu.memory_space<vmem>>, vector<1x16xf32>,
          %get3A_507 = vector.shape_cast %get3A_506 : vector<1x16xf32> to vector<16xf32>
          %get3A_508 = arith.index_cast %add3A_459 : i32 to index
          %get3A_509 = arith.constant 32 : index
          %get3A_510 = tpu.vector_load %arg17[%get3A_508, %get3A_509] {strides = array<i32>} : memref<80x64xf32, #tpu.memory_space<vmem>>, vector<1x16xf32>,
          %get3A_511 = vector.shape_cast %get3A_510 : vector<1x16xf32> to vector<16xf32>
          %add3A_512 = arith.addf %get3A_507, %get3A_511 : vector<16xf32>
          %get3A_513 = arith.index_cast %scan3A_363 : i32 to index
          %get3A_514 = arith.constant 96 : index
          %get3A_515 = tpu.vector_load %arg18[%get3A_513, %get3A_514] {strides = array<i32>} : memref<40x128xf32, #tpu.memory_space<vmem>>, vector<1x16xf32>,
          %get3A_516 = vector.shape_cast %get3A_515 : vector<1x16xf32> to vector<16xf32>
          %add3A_517 = arith.addf %add3A_512, %get3A_516 : vector<16xf32>
          %max3A_518 = arith.constant 0.000000e+00 : f32
          %max3A_519 = vector.broadcast %max3A_518 : f32 to vector<16xf32>
          %max3A_520 = arith.maximumf %add3A_517, %max3A_519 : vector<16xf32>
          %swap3A_521 = arith.index_cast %add3A_459 : i32 to index
          %swap3A_522 = arith.constant 32 : index
          %swap3A_523 = tpu.vector_load %arg16[%swap3A_521, %swap3A_522] {strides = array<i32>} : memref<80x64xf32, #tpu.memory_space<vmem>>, vector<1x16xf32>,
          %swap3A_524 = vector.shape_cast %swap3A_523 : vector<1x16xf32> to vector<16xf32>
          %swap3A_525 = vector.shape_cast %max3A_520 : vector<16xf32> to vector<1x16xf32>
          tpu.vector_store %arg16[%swap3A_521, %swap3A_522], %swap3A_525 {strides = array<i32>} : memref<80x64xf32, #tpu.memory_space<vmem>>, vector<1x16xf32>,
          %get3A_526 = arith.index_cast %add3A_459 : i32 to index
          %get3A_527 = arith.constant 48 : index
          %get3A_528 = tpu.vector_load %arg16[%get3A_526, %get3A_527] {strides = array<i32>} : memref<80x64xf32, #tpu.memory_space<vmem>>, vector<1x16xf32>,
          %get3A_529 = vector.shape_cast %get3A_528 : vector<1x16xf32> to vector<16xf32>
          %get3A_530 = arith.index_cast %add3A_459 : i32 to index
          %get3A_531 = arith.constant 48 : index
          %get3A_532 = tpu.vector_load %arg17[%get3A_530, %get3A_531] {strides = array<i32>} : memref<80x64xf32, #tpu.memory_space<vmem>>, vector<1x16xf32>,
          %get3A_533 = vector.shape_cast %get3A_532 : vector<1x16xf32> to vector<16xf32>
          %add3A_534 = arith.addf %get3A_529, %get3A_533 : vector<16xf32>
          %get3A_535 = arith.index_cast %scan3A_363 : i32 to index
          %get3A_536 = arith.constant 112 : index
          %get3A_537 = tpu.vector_load %arg18[%get3A_535, %get3A_536] {strides = array<i32>} : memref<40x128xf32, #tpu.memory_space<vmem>>, vector<1x16xf32>,
          %get3A_538 = vector.shape_cast %get3A_537 : vector<1x16xf32> to vector<16xf32>
          %add3A_539 = arith.addf %add3A_534, %get3A_538 : vector<16xf32>
          %max3A_540 = arith.constant 0.000000e+00 : f32
          %max3A_541 = vector.broadcast %max3A_540 : f32 to vector<16xf32>
          %max3A_542 = arith.maximumf %add3A_539, %max3A_541 : vector<16xf32>
          %swap3A_543 = arith.index_cast %add3A_459 : i32 to index
          %swap3A_544 = arith.constant 48 : index
          %swap3A_545 = tpu.vector_load %arg16[%swap3A_543, %swap3A_544] {strides = array<i32>} : memref<80x64xf32, #tpu.memory_space<vmem>>, vector<1x16xf32>,
          %swap3A_546 = vector.shape_cast %swap3A_545 : vector<1x16xf32> to vector<16xf32>
          %swap3A_547 = vector.shape_cast %max3A_542 : vector<16xf32> to vector<1x16xf32>
          tpu.vector_store %arg16[%swap3A_543, %swap3A_544], %swap3A_547 {strides = array<i32>} : memref<80x64xf32, #tpu.memory_space<vmem>>, vector<1x16xf32>,
          %scan3A_548 = arith.constant 0 : i32
          %scan3A_549 = arith.constant 1 : i32
          %scan3A_550 = arith.addi %scan3A_363, %scan3A_549 : i32
          %mul3A_551 = arith.constant 2 : i32
          %mul3A_552 = arith.muli %scan3A_550, %mul3A_551 : i32
          %add3A_553 = arith.constant 0 : i32
          %add3A_554 = arith.addi %mul3A_552, %add3A_553 : i32
          %get3A_555 = arith.index_cast %add3A_554 : i32 to index
          %get3A_556 = arith.constant 0 : index
          %get3A_557 = tpu.vector_load %arg16[%get3A_555, %get3A_556] {strides = array<i32>} : memref<80x64xf32, #tpu.memory_space<vmem>>, vector<1x16xf32>,
          %get3A_558 = vector.shape_cast %get3A_557 : vector<1x16xf32> to vector<16xf32>
          %get3A_559 = arith.index_cast %add3A_554 : i32 to index
          %get3A_560 = arith.constant 0 : index
          %get3A_561 = tpu.vector_load %arg17[%get3A_559, %get3A_560] {strides = array<i32>} : memref<80x64xf32, #tpu.memory_space<vmem>>, vector<1x16xf32>,
          %get3A_562 = vector.shape_cast %get3A_561 : vector<1x16xf32> to vector<16xf32>
          %add3A_563 = arith.addf %get3A_558, %get3A_562 : vector<16xf32>
          %get3A_564 = arith.index_cast %scan3A_550 : i32 to index
          %get3A_565 = arith.constant 0 : index
          %get3A_566 = tpu.vector_load %arg18[%get3A_564, %get3A_565] {strides = array<i32>} : memref<40x128xf32, #tpu.memory_space<vmem>>, vector<1x16xf32>,
          %get3A_567 = vector.shape_cast %get3A_566 : vector<1x16xf32> to vector<16xf32>
          %add3A_568 = arith.addf %add3A_563, %get3A_567 : vector<16xf32>
          %max3A_569 = arith.constant 0.000000e+00 : f32
          %max3A_570 = vector.broadcast %max3A_569 : f32 to vector<16xf32>
          %max3A_571 = arith.maximumf %add3A_568, %max3A_570 : vector<16xf32>
          %swap3A_572 = arith.index_cast %add3A_554 : i32 to index
          %swap3A_573 = arith.constant 0 : index
          %swap3A_574 = tpu.vector_load %arg16[%swap3A_572, %swap3A_573] {strides = array<i32>} : memref<80x64xf32, #tpu.memory_space<vmem>>, vector<1x16xf32>,
          %swap3A_575 = vector.shape_cast %swap3A_574 : vector<1x16xf32> to vector<16xf32>
          %swap3A_576 = vector.shape_cast %max3A_571 : vector<16xf32> to vector<1x16xf32>
          tpu.vector_store %arg16[%swap3A_572, %swap3A_573], %swap3A_576 {strides = array<i32>} : memref<80x64xf32, #tpu.memory_space<vmem>>, vector<1x16xf32>,
          %get3A_577 = arith.index_cast %add3A_554 : i32 to index
          %get3A_578 = arith.constant 16 : index
          %get3A_579 = tpu.vector_load %arg16[%get3A_577, %get3A_578] {strides = array<i32>} : memref<80x64xf32, #tpu.memory_space<vmem>>, vector<1x16xf32>,
          %get3A_580 = vector.shape_cast %get3A_579 : vector<1x16xf32> to vector<16xf32>
          %get3A_581 = arith.index_cast %add3A_554 : i32 to index
          %get3A_582 = arith.constant 16 : index
          %get3A_583 = tpu.vector_load %arg17[%get3A_581, %get3A_582] {strides = array<i32>} : memref<80x64xf32, #tpu.memory_space<vmem>>, vector<1x16xf32>,
          %get3A_584 = vector.shape_cast %get3A_583 : vector<1x16xf32> to vector<16xf32>
          %add3A_585 = arith.addf %get3A_580, %get3A_584 : vector<16xf32>
          %get3A_586 = arith.index_cast %scan3A_550 : i32 to index
          %get3A_587 = arith.constant 16 : index
          %get3A_588 = tpu.vector_load %arg18[%get3A_586, %get3A_587] {strides = array<i32>} : memref<40x128xf32, #tpu.memory_space<vmem>>, vector<1x16xf32>,
          %get3A_589 = vector.shape_cast %get3A_588 : vector<1x16xf32> to vector<16xf32>
          %add3A_590 = arith.addf %add3A_585, %get3A_589 : vector<16xf32>
          %max3A_591 = arith.constant 0.000000e+00 : f32
          %max3A_592 = vector.broadcast %max3A_591 : f32 to vector<16xf32>
          %max3A_593 = arith.maximumf %add3A_590, %max3A_592 : vector<16xf32>
          %swap3A_594 = arith.index_cast %add3A_554 : i32 to index
          %swap3A_595 = arith.constant 16 : index
          %swap3A_596 = tpu.vector_load %arg16[%swap3A_594, %swap3A_595] {strides = array<i32>} : memref<80x64xf32, #tpu.memory_space<vmem>>, vector<1x16xf32>,
          %swap3A_597 = vector.shape_cast %swap3A_596 : vector<1x16xf32> to vector<16xf32>
          %swap3A_598 = vector.shape_cast %max3A_593 : vector<16xf32> to vector<1x16xf32>
          tpu.vector_store %arg16[%swap3A_594, %swap3A_595], %swap3A_598 {strides = array<i32>} : memref<80x64xf32, #tpu.memory_space<vmem>>, vector<1x16xf32>,
          %get3A_599 = arith.index_cast %add3A_554 : i32 to index
          %get3A_600 = arith.constant 32 : index
          %get3A_601 = tpu.vector_load %arg16[%get3A_599, %get3A_600] {strides = array<i32>} : memref<80x64xf32, #tpu.memory_space<vmem>>, vector<1x16xf32>,
          %get3A_602 = vector.shape_cast %get3A_601 : vector<1x16xf32> to vector<16xf32>
          %get3A_603 = arith.index_cast %add3A_554 : i32 to index
          %get3A_604 = arith.constant 32 : index
          %get3A_605 = tpu.vector_load %arg17[%get3A_603, %get3A_604] {strides = array<i32>} : memref<80x64xf32, #tpu.memory_space<vmem>>, vector<1x16xf32>,
          %get3A_606 = vector.shape_cast %get3A_605 : vector<1x16xf32> to vector<16xf32>
          %add3A_607 = arith.addf %get3A_602, %get3A_606 : vector<16xf32>
          %get3A_608 = arith.index_cast %scan3A_550 : i32 to index
          %get3A_609 = arith.constant 32 : index
          %get3A_610 = tpu.vector_load %arg18[%get3A_608, %get3A_609] {strides = array<i32>} : memref<40x128xf32, #tpu.memory_space<vmem>>, vector<1x16xf32>,
          %get3A_611 = vector.shape_cast %get3A_610 : vector<1x16xf32> to vector<16xf32>
          %add3A_612 = arith.addf %add3A_607, %get3A_611 : vector<16xf32>
          %max3A_613 = arith.constant 0.000000e+00 : f32
          %max3A_614 = vector.broadcast %max3A_613 : f32 to vector<16xf32>
          %max3A_615 = arith.maximumf %add3A_612, %max3A_614 : vector<16xf32>
          %swap3A_616 = arith.index_cast %add3A_554 : i32 to index
          %swap3A_617 = arith.constant 32 : index
          %swap3A_618 = tpu.vector_load %arg16[%swap3A_616, %swap3A_617] {strides = array<i32>} : memref<80x64xf32, #tpu.memory_space<vmem>>, vector<1x16xf32>,
          %swap3A_619 = vector.shape_cast %swap3A_618 : vector<1x16xf32> to vector<16xf32>
          %swap3A_620 = vector.shape_cast %max3A_615 : vector<16xf32> to vector<1x16xf32>
          tpu.vector_store %arg16[%swap3A_616, %swap3A_617], %swap3A_620 {strides = array<i32>} : memref<80x64xf32, #tpu.memory_space<vmem>>, vector<1x16xf32>,
          %get3A_621 = arith.index_cast %add3A_554 : i32 to index
          %get3A_622 = arith.constant 48 : index
          %get3A_623 = tpu.vector_load %arg16[%get3A_621, %get3A_622] {strides = array<i32>} : memref<80x64xf32, #tpu.memory_space<vmem>>, vector<1x16xf32>,
          %get3A_624 = vector.shape_cast %get3A_623 : vector<1x16xf32> to vector<16xf32>
          %get3A_625 = arith.index_cast %add3A_554 : i32 to index
          %get3A_626 = arith.constant 48 : index
          %get3A_627 = tpu.vector_load %arg17[%get3A_625, %get3A_626] {strides = array<i32>} : memref<80x64xf32, #tpu.memory_space<vmem>>, vector<1x16xf32>,
          %get3A_628 = vector.shape_cast %get3A_627 : vector<1x16xf32> to vector<16xf32>
          %add3A_629 = arith.addf %get3A_624, %get3A_628 : vector<16xf32>
          %get3A_630 = arith.index_cast %scan3A_550 : i32 to index
          %get3A_631 = arith.constant 48 : index
          %get3A_632 = tpu.vector_load %arg18[%get3A_630, %get3A_631] {strides = array<i32>} : memref<40x128xf32, #tpu.memory_space<vmem>>, vector<1x16xf32>,
          %get3A_633 = vector.shape_cast %get3A_632 : vector<1x16xf32> to vector<16xf32>
          %add3A_634 = arith.addf %add3A_629, %get3A_633 : vector<16xf32>
          %max3A_635 = arith.constant 0.000000e+00 : f32
          %max3A_636 = vector.broadcast %max3A_635 : f32 to vector<16xf32>
          %max3A_637 = arith.maximumf %add3A_634, %max3A_636 : vector<16xf32>
          %swap3A_638 = arith.index_cast %add3A_554 : i32 to index
          %swap3A_639 = arith.constant 48 : index
          %swap3A_640 = tpu.vector_load %arg16[%swap3A_638, %swap3A_639] {strides = array<i32>} : memref<80x64xf32, #tpu.memory_space<vmem>>, vector<1x16xf32>,
          %swap3A_641 = vector.shape_cast %swap3A_640 : vector<1x16xf32> to vector<16xf32>
          %swap3A_642 = vector.shape_cast %max3A_637 : vector<16xf32> to vector<1x16xf32>
          tpu.vector_store %arg16[%swap3A_638, %swap3A_639], %swap3A_642 {strides = array<i32>} : memref<80x64xf32, #tpu.memory_space<vmem>>, vector<1x16xf32>,
          %mul3A_643 = arith.constant 2 : i32
          %mul3A_644 = arith.muli %scan3A_550, %mul3A_643 : i32
          %add3A_645 = arith.constant 1 : i32
          %add3A_646 = arith.addi %mul3A_644, %add3A_645 : i32
          %get3A_647 = arith.index_cast %add3A_646 : i32 to index
          %get3A_648 = arith.constant 0 : index
          %get3A_649 = tpu.vector_load %arg16[%get3A_647, %get3A_648] {strides = array<i32>} : memref<80x64xf32, #tpu.memory_space<vmem>>, vector<1x16xf32>,
          %get3A_650 = vector.shape_cast %get3A_649 : vector<1x16xf32> to vector<16xf32>
          %get3A_651 = arith.index_cast %add3A_646 : i32 to index
          %get3A_652 = arith.constant 0 : index
          %get3A_653 = tpu.vector_load %arg17[%get3A_651, %get3A_652] {strides = array<i32>} : memref<80x64xf32, #tpu.memory_space<vmem>>, vector<1x16xf32>,
          %get3A_654 = vector.shape_cast %get3A_653 : vector<1x16xf32> to vector<16xf32>
          %add3A_655 = arith.addf %get3A_650, %get3A_654 : vector<16xf32>
          %get3A_656 = arith.index_cast %scan3A_550 : i32 to index
          %get3A_657 = arith.constant 64 : index
          %get3A_658 = tpu.vector_load %arg18[%get3A_656, %get3A_657] {strides = array<i32>} : memref<40x128xf32, #tpu.memory_space<vmem>>, vector<1x16xf32>,
          %get3A_659 = vector.shape_cast %get3A_658 : vector<1x16xf32> to vector<16xf32>
          %add3A_660 = arith.addf %add3A_655, %get3A_659 : vector<16xf32>
          %max3A_661 = arith.constant 0.000000e+00 : f32
          %max3A_662 = vector.broadcast %max3A_661 : f32 to vector<16xf32>
          %max3A_663 = arith.maximumf %add3A_660, %max3A_662 : vector<16xf32>
          %swap3A_664 = arith.index_cast %add3A_646 : i32 to index
          %swap3A_665 = arith.constant 0 : index
          %swap3A_666 = tpu.vector_load %arg16[%swap3A_664, %swap3A_665] {strides = array<i32>} : memref<80x64xf32, #tpu.memory_space<vmem>>, vector<1x16xf32>,
          %swap3A_667 = vector.shape_cast %swap3A_666 : vector<1x16xf32> to vector<16xf32>
          %swap3A_668 = vector.shape_cast %max3A_663 : vector<16xf32> to vector<1x16xf32>
          tpu.vector_store %arg16[%swap3A_664, %swap3A_665], %swap3A_668 {strides = array<i32>} : memref<80x64xf32, #tpu.memory_space<vmem>>, vector<1x16xf32>,
          %get3A_669 = arith.index_cast %add3A_646 : i32 to index
          %get3A_670 = arith.constant 16 : index
          %get3A_671 = tpu.vector_load %arg16[%get3A_669, %get3A_670] {strides = array<i32>} : memref<80x64xf32, #tpu.memory_space<vmem>>, vector<1x16xf32>,
          %get3A_672 = vector.shape_cast %get3A_671 : vector<1x16xf32> to vector<16xf32>
          %get3A_673 = arith.index_cast %add3A_646 : i32 to index
          %get3A_674 = arith.constant 16 : index
          %get3A_675 = tpu.vector_load %arg17[%get3A_673, %get3A_674] {strides = array<i32>} : memref<80x64xf32, #tpu.memory_space<vmem>>, vector<1x16xf32>,
          %get3A_676 = vector.shape_cast %get3A_675 : vector<1x16xf32> to vector<16xf32>
          %add3A_677 = arith.addf %get3A_672, %get3A_676 : vector<16xf32>
          %get3A_678 = arith.index_cast %scan3A_550 : i32 to index
          %get3A_679 = arith.constant 80 : index
          %get3A_680 = tpu.vector_load %arg18[%get3A_678, %get3A_679] {strides = array<i32>} : memref<40x128xf32, #tpu.memory_space<vmem>>, vector<1x16xf32>,
          %get3A_681 = vector.shape_cast %get3A_680 : vector<1x16xf32> to vector<16xf32>
          %add3A_682 = arith.addf %add3A_677, %get3A_681 : vector<16xf32>
          %max3A_683 = arith.constant 0.000000e+00 : f32
          %max3A_684 = vector.broadcast %max3A_683 : f32 to vector<16xf32>
          %max3A_685 = arith.maximumf %add3A_682, %max3A_684 : vector<16xf32>
          %swap3A_686 = arith.index_cast %add3A_646 : i32 to index
          %swap3A_687 = arith.constant 16 : index
          %swap3A_688 = tpu.vector_load %arg16[%swap3A_686, %swap3A_687] {strides = array<i32>} : memref<80x64xf32, #tpu.memory_space<vmem>>, vector<1x16xf32>,
          %swap3A_689 = vector.shape_cast %swap3A_688 : vector<1x16xf32> to vector<16xf32>
          %swap3A_690 = vector.shape_cast %max3A_685 : vector<16xf32> to vector<1x16xf32>
          tpu.vector_store %arg16[%swap3A_686, %swap3A_687], %swap3A_690 {strides = array<i32>} : memref<80x64xf32, #tpu.memory_space<vmem>>, vector<1x16xf32>,
          %get3A_691 = arith.index_cast %add3A_646 : i32 to index
          %get3A_692 = arith.constant 32 : index
          %get3A_693 = tpu.vector_load %arg16[%get3A_691, %get3A_692] {strides = array<i32>} : memref<80x64xf32, #tpu.memory_space<vmem>>, vector<1x16xf32>,
          %get3A_694 = vector.shape_cast %get3A_693 : vector<1x16xf32> to vector<16xf32>
          %get3A_695 = arith.index_cast %add3A_646 : i32 to index
          %get3A_696 = arith.constant 32 : index
          %get3A_697 = tpu.vector_load %arg17[%get3A_695, %get3A_696] {strides = array<i32>} : memref<80x64xf32, #tpu.memory_space<vmem>>, vector<1x16xf32>,
          %get3A_698 = vector.shape_cast %get3A_697 : vector<1x16xf32> to vector<16xf32>
          %add3A_699 = arith.addf %get3A_694, %get3A_698 : vector<16xf32>
          %get3A_700 = arith.index_cast %scan3A_550 : i32 to index
          %get3A_701 = arith.constant 96 : index
          %get3A_702 = tpu.vector_load %arg18[%get3A_700, %get3A_701] {strides = array<i32>} : memref<40x128xf32, #tpu.memory_space<vmem>>, vector<1x16xf32>,
          %get3A_703 = vector.shape_cast %get3A_702 : vector<1x16xf32> to vector<16xf32>
          %add3A_704 = arith.addf %add3A_699, %get3A_703 : vector<16xf32>
          %max3A_705 = arith.constant 0.000000e+00 : f32
          %max3A_706 = vector.broadcast %max3A_705 : f32 to vector<16xf32>
          %max3A_707 = arith.maximumf %add3A_704, %max3A_706 : vector<16xf32>
          %swap3A_708 = arith.index_cast %add3A_646 : i32 to index
          %swap3A_709 = arith.constant 32 : index
          %swap3A_710 = tpu.vector_load %arg16[%swap3A_708, %swap3A_709] {strides = array<i32>} : memref<80x64xf32, #tpu.memory_space<vmem>>, vector<1x16xf32>,
          %swap3A_711 = vector.shape_cast %swap3A_710 : vector<1x16xf32> to vector<16xf32>
          %swap3A_712 = vector.shape_cast %max3A_707 : vector<16xf32> to vector<1x16xf32>
          tpu.vector_store %arg16[%swap3A_708, %swap3A_709], %swap3A_712 {strides = array<i32>} : memref<80x64xf32, #tpu.memory_space<vmem>>, vector<1x16xf32>,
          %get3A_713 = arith.index_cast %add3A_646 : i32 to index
          %get3A_714 = arith.constant 48 : index
          %get3A_715 = tpu.vector_load %arg16[%get3A_713, %get3A_714] {strides = array<i32>} : memref<80x64xf32, #tpu.memory_space<vmem>>, vector<1x16xf32>,
          %get3A_716 = vector.shape_cast %get3A_715 : vector<1x16xf32> to vector<16xf32>
          %get3A_717 = arith.index_cast %add3A_646 : i32 to index
          %get3A_718 = arith.constant 48 : index
          %get3A_719 = tpu.vector_load %arg17[%get3A_717, %get3A_718] {strides = array<i32>} : memref<80x64xf32, #tpu.memory_space<vmem>>, vector<1x16xf32>,
          %get3A_720 = vector.shape_cast %get3A_719 : vector<1x16xf32> to vector<16xf32>
          %add3A_721 = arith.addf %get3A_716, %get3A_720 : vector<16xf32>
          %get3A_722 = arith.index_cast %scan3A_550 : i32 to index
          %get3A_723 = arith.constant 112 : index
          %get3A_724 = tpu.vector_load %arg18[%get3A_722, %get3A_723] {strides = array<i32>} : memref<40x128xf32, #tpu.memory_space<vmem>>, vector<1x16xf32>,
          %get3A_725 = vector.shape_cast %get3A_724 : vector<1x16xf32> to vector<16xf32>
          %add3A_726 = arith.addf %add3A_721, %get3A_725 : vector<16xf32>
          %max3A_727 = arith.constant 0.000000e+00 : f32
          %max3A_728 = vector.broadcast %max3A_727 : f32 to vector<16xf32>
          %max3A_729 = arith.maximumf %add3A_726, %max3A_728 : vector<16xf32>
          %swap3A_730 = arith.index_cast %add3A_646 : i32 to index
          %swap3A_731 = arith.constant 48 : index
          %swap3A_732 = tpu.vector_load %arg16[%swap3A_730, %swap3A_731] {strides = array<i32>} : memref<80x64xf32, #tpu.memory_space<vmem>>, vector<1x16xf32>,
          %swap3A_733 = vector.shape_cast %swap3A_732 : vector<1x16xf32> to vector<16xf32>
          %swap3A_734 = vector.shape_cast %max3A_729 : vector<16xf32> to vector<1x16xf32>
          tpu.vector_store %arg16[%swap3A_730, %swap3A_731], %swap3A_734 {strides = array<i32>} : memref<80x64xf32, #tpu.memory_space<vmem>>, vector<1x16xf32>,
          %scan3A_735 = arith.constant 0 : i32
          scf.yield %scan3A_735 : i32
        }
        %scan3A_359 = arith.constant 40 : i32
        %dma_start3A_360 = arith.constant 0 : i32
        %dma_start3A_361 = arith.constant 0 : i32
        %dma_start3A_362 = tpu.memref_slice %arg19[%dma_start3A_360, %dma_start3A_361] : memref<25088x64xf32, #tpu.memory_space<vmem_shared>> -> memref<25088x64xf32, #tpu.memory_space<vmem_shared>>
        tpu.enqueue_indirect_dma source(%arg16 : memref<80x64xf32, #tpu.memory_space<vmem>>) target(%dma_start3A_362 : memref<25088x64xf32, #tpu.memory_space<vmem_shared>>) offsets(%arg15 : memref<80xi32, #tpu.memory_space<vmem>>) semaphore(%arg25 : memref<!tpu.dma_semaphore, #tpu.memory_space<semaphore_mem>>) {add = true}
      } else {
      }
      %scan3A_321 = arith.constant 0 : i32
      scf.yield %scan3A_321 : i32
    }
    %scan3A_258 = arith.constant 625 : i32
    %dma_wait3A_259 = arith.constant 0 : i32
    %dma_wait3A_260 = arith.constant 0 : i32
    %dma_wait3A_261 = tpu.memref_slice %arg19[%dma_wait3A_259, %dma_wait3A_260] : memref<25088x64xf32, #tpu.memory_space<vmem_shared>> -> memref<25088x64xf32, #tpu.memory_space<vmem_shared>>
    tpu.wait_indirect_dma semaphore(%arg24 : memref<!tpu.dma_semaphore, #tpu.memory_space<semaphore_mem>>) src(%arg11 : memref<80x64xf32, #tpu.memory_space<vmem>>) dst(%dma_wait3A_261 : memref<25088x64xf32, #tpu.memory_space<vmem_shared>>)
    %barrier3A_262 = arith.constant 0 : index
    tpu.barrier barrier_id(%barrier3A_262)
    %sub3A_263 = arith.constant 196 : i32
    %sub3A_264 = arith.subi %sub3A_263, %arg1 : i32
    %add3A_265 = arith.constant 15 : i32
    %add3A_266 = arith.addi %sub3A_264, %add3A_265 : i32
    %jit3A_267 = arith.constant 16 : i32
    %div3A_268 = arith.divsi %add3A_266, %jit3A_267 : i32
    %sign3A_269 = arith.constant 0 : i32
    %sign3A_270 = arith.cmpi sgt, %add3A_266, %sign3A_269 : i32
    %sign3A_271 = arith.extui %sign3A_270 : i1 to i32
    %sign3A_272 = arith.constant 0 : i32
    %sign3A_273 = arith.cmpi slt, %add3A_266, %sign3A_272 : i32
    %sign3A_274 = arith.extui %sign3A_273 : i1 to i32
    %sign3A_275 = arith.subi %sign3A_271, %sign3A_274 : i32
    %sign3A_276 = arith.constant 0 : i32
    %sign3A_277 = arith.cmpi sgt, %jit3A_267, %sign3A_276 : i32
    %sign3A_278 = arith.extui %sign3A_277 : i1 to i32
    %sign3A_279 = arith.constant 0 : i32
    %sign3A_280 = arith.cmpi slt, %jit3A_267, %sign3A_279 : i32
    %sign3A_281 = arith.extui %sign3A_280 : i1 to i32
    %sign3A_282 = arith.subi %sign3A_278, %sign3A_281 : i32
    %ne3A_283 = arith.cmpi ne, %sign3A_275, %sign3A_282 : i32
    %rem3A_284 = arith.remsi %add3A_266, %jit3A_267 : i32
    %ne3A_285 = arith.constant 0 : i32
    %ne3A_286 = arith.cmpi ne, %rem3A_284, %ne3A_285 : i32
    %and3A_287 = arith.andi %ne3A_283, %ne3A_286 : i1
    %sub3A_288 = arith.constant 1 : i32
    %sub3A_289 = arith.subi %div3A_268, %sub3A_288 : i32
    %select_n3A_290 = arith.select %and3A_287, %sub3A_289, %div3A_268 : i32
    %while3A_291 = arith.constant 0 : i32
    %while3A_292 = arith.constant 0 : i32
    %while3A_293 = arith.subi %select_n3A_290, %while3A_291 : i32
    %while3A_294 = arith.addi %while3A_291, %while3A_293 : i32
    %while3A_295 = arith.constant 1 : i32
    %while3A_296 = arith.divsi %while3A_293, %while3A_295 : i32
    %while3A_297 = arith.muli %while3A_296, %while3A_295 : i32
    %while3A_298 = arith.addi %while3A_291, %while3A_297 : i32
    %while3A_299 = arith.constant 1 : i32
    %while3A_300 = scf.for %while3A_303 = %while3A_291 to %while3A_298 step %while3A_299 iter_args(%while3A_304 = %while3A_292) -> (i32)  : i32 {
      %mul3A_305 = arith.constant 16 : i32
      %mul3A_306 = arith.muli %while3A_303, %mul3A_305 : i32
      %add3A_307 = arith.addi %arg1, %mul3A_306 : i32
      %mul3A_308 = arith.constant 128 : i32
      %mul3A_309 = arith.muli %add3A_307, %mul3A_308 : i32
      %mul3A_310 = arith.constant 128 : i32
      %mul3A_311 = arith.muli %add3A_307, %mul3A_310 : i32
      %add3A_312 = arith.addi %mul3A_0, %mul3A_311 : i32
      "tpu.region"() ({
        %run_scoped3A = tpu.sem_alloc : memref<!tpu.dma_semaphore, #tpu.memory_space<semaphore_mem>>
        %dma_start3A_314 = arith.constant 0 : i32
        %dma_start3A_315 = tpu.memref_slice %arg7[%add3A_312, %dma_start3A_314] : memref<50176x64xf32, #tpu.memory_space<hbm>> -> memref<128x64xf32, #tpu.memory_space<hbm>>
        %dma_start3A_316 = arith.constant 0 : i32
        %dma_start3A_317 = tpu.memref_slice %arg19[%mul3A_309, %dma_start3A_316] : memref<25088x64xf32, #tpu.memory_space<vmem_shared>> -> memref<128x64xf32, #tpu.memory_space<vmem_shared>>
        tpu.enqueue_dma source(%dma_start3A_317 : memref<128x64xf32, #tpu.memory_space<vmem_shared>>) target(%dma_start3A_315 : memref<128x64xf32, #tpu.memory_space<hbm>>) target_semaphore(%run_scoped3A : memref<!tpu.dma_semaphore, #tpu.memory_space<semaphore_mem>>)
        %dma_wait3A_318 = arith.constant 0 : i32
        %dma_wait3A_319 = tpu.memref_slice %arg7[%add3A_312, %dma_wait3A_318] : memref<50176x64xf32, #tpu.memory_space<hbm>> -> memref<128x64xf32, #tpu.memory_space<hbm>>
        %dma_wait3A_320 = arith.constant 0 : i32
        %dma_wait3A_321 = tpu.memref_slice %arg19[%mul3A_309, %dma_wait3A_320] : memref<25088x64xf32, #tpu.memory_space<vmem_shared>> -> memref<128x64xf32, #tpu.memory_space<vmem_shared>>
        tpu.wait_dma2 semaphore(%run_scoped3A : memref<!tpu.dma_semaphore, #tpu.memory_space<semaphore_mem>>) src(%dma_wait3A_321 : memref<128x64xf32, #tpu.memory_space<vmem_shared>>) dst(%dma_wait3A_319 : memref<128x64xf32, #tpu.memory_space<hbm>>)
        tpu.yield
      }) : () -> ()
      %while3A_313 = arith.constant 0 : i32
      scf.yield %while3A_313 : i32
    }
    %while3A_301 = arith.constant 1 : i32
    %while3A_302 = scf.for %while3A_303 = %while3A_298 to %while3A_294 step %while3A_301 iter_args(%while3A_304 = %while3A_300) -> (i32)  : i32 {
      %mul3A_305 = arith.constant 16 : i32
      %mul3A_306 = arith.muli %while3A_303, %mul3A_305 : i32
      %add3A_307 = arith.addi %arg1, %mul3A_306 : i32
      %mul3A_308 = arith.constant 128 : i32
      %mul3A_309 = arith.muli %add3A_307, %mul3A_308 : i32
      %mul3A_310 = arith.constant 128 : i32
      %mul3A_311 = arith.muli %add3A_307, %mul3A_310 : i32
      %add3A_312 = arith.addi %mul3A_0, %mul3A_311 : i32
      "tpu.region"() ({
        %run_scoped3A = tpu.sem_alloc : memref<!tpu.dma_semaphore, #tpu.memory_space<semaphore_mem>>
        %dma_start3A_314 = arith.constant 0 : i32
        %dma_start3A_315 = tpu.memref_slice %arg7[%add3A_312, %dma_start3A_314] : memref<50176x64xf32, #tpu.memory_space<hbm>> -> memref<128x64xf32, #tpu.memory_space<hbm>>
        %dma_start3A_316 = arith.constant 0 : i32
        %dma_start3A_317 = tpu.memref_slice %arg19[%mul3A_309, %dma_start3A_316] : memref<25088x64xf32, #tpu.memory_space<vmem_shared>> -> memref<128x64xf32, #tpu.memory_space<vmem_shared>>
        tpu.enqueue_dma source(%dma_start3A_317 : memref<128x64xf32, #tpu.memory_space<vmem_shared>>) target(%dma_start3A_315 : memref<128x64xf32, #tpu.memory_space<hbm>>) target_semaphore(%run_scoped3A : memref<!tpu.dma_semaphore, #tpu.memory_space<semaphore_mem>>)
        %dma_wait3A_318 = arith.constant 0 : i32
        %dma_wait3A_319 = tpu.memref_slice %arg7[%add3A_312, %dma_wait3A_318] : memref<50176x64xf32, #tpu.memory_space<hbm>> -> memref<128x64xf32, #tpu.memory_space<hbm>>
        %dma_wait3A_320 = arith.constant 0 : i32
        %dma_wait3A_321 = tpu.memref_slice %arg19[%mul3A_309, %dma_wait3A_320] : memref<25088x64xf32, #tpu.memory_space<vmem_shared>> -> memref<128x64xf32, #tpu.memory_space<vmem_shared>>
        tpu.wait_dma2 semaphore(%run_scoped3A : memref<!tpu.dma_semaphore, #tpu.memory_space<semaphore_mem>>) src(%dma_wait3A_321 : memref<128x64xf32, #tpu.memory_space<vmem_shared>>) dst(%dma_wait3A_319 : memref<128x64xf32, #tpu.memory_space<hbm>>)
        tpu.yield
      }) : () -> ()
      %while3A_313 = arith.constant 0 : i32
      scf.yield %while3A_313 : i32
    }
    return
  }
}

</mosaic_0001>

<sc_bundles>
// kernel: _edge_call.3.cloned.1.call-start
scs
__scs_entry_jumppad:
0x0: {  	(pc) =	sbr.rel $0x88, $3  }
0x1: {  	(tag) =	ssettag $0x0;
	lr =	simm.s32 $0x1  }
0x2: {  	[smem:$0x3F9C] =	sst lr;
	_ =	strace $0xD0000000  }
0x3: {  	_ = 	snop  }
0x4: {  	_ = 	snop  }
0x5: {  	_ = 	snop  }
0x6: {  	_ = 	snop  }
0x7: {  	_ = 	snop  }
__scs_overlays_trampoline_lowered:
0x8: {  	[smem:$0x3FAB] =	sst s0  }
0x9: {  	[smem:$0x3FAC] =	sst s1  }
0xa: {  	[smem:$0x3FAD] =	sst s2  }
0xb: {  	[smem:$0x3FAE] =	sst s3  }
0xc: {  	[smem:$0x3FAF] =	sst s4  }
0xd: {  	[smem:$0x3FB0] =	sst s5  }
0xe: {  	[smem:$0x3FB1] =	sst s6  }
0xf: {  	[smem:$0x3FB2] =	sst s7  }
0x10: {  	[smem:$0x3FB3] =	sst s8  }
0x11: {  	[smem:$0x3FB4] =	sst s9;
	s0 =	simm.s32 @!p0 $0x0  }
0x12: {  	s1 =	sld [smem:$0x3F9A];
	s0 =	simm.s32 @p0 $0x1  }
0x13: {  	[smem:$0x3FB5] =	sst s0;
	s0 =	simm.s32 @!p1 $0x0  }
0x14: {  	s2 =	sld [smem:$0x3F99];
	s0 =	simm.s32 @p1 $0x1  }
0x15: {  	[smem:$0x3FB6] =	sst s0;
	s0 =	simm.s32 @!p2 $0x0  }
0x16: {  	s3 =	sld [smem:$0x3FDB];
	s0 =	simm.s32 @p2 $0x1  }
0x17: {  	s4 =	simm.s32 $0x1BF5;
	[smem:$0x3FB8] =	sst s0  }
0x18: {  	s0 =	sld [smem:$0x3F9B];
	_ =	swait.ge [sflag:s4], $0x0  }
0x19: {  	s7 =	sld [smem:$0x3F9C]  }
0x1a: {  	s8 =	sadd.s32 $0xFFFFE003, lr  }
0x1b: {  	s9 =	sadd.s32 $0xFFFFFEF7, lr;
	s5 =	simm.s32 $0xFFFFFFFF;
	p2 =	slt.u32 s8, $0xFFFFF086  }
0x1c: {  	p1 =	slt.u32 s9, $0xF7A;
	s5 =	simm.s32 @!p2 $0x0  }
0x1d: {  	s5 =	simm.s32 @p1 $0x1;
	p0 =	seq.s32 s7, s2  }
0x1e: {  	s7 =	smul.u32 @!p0 $0xF7A, s2;
	p2 =	seq.s32 @!p0 s5, $0x0  }
0x1f: {  	s9 =	smul.u32 $0xF7A, s1;
	s8 =	simm.s32 @!p0 $0x1BF5;
	p2 =	por !p2, p0  }
0x20: {  	[sflag:s8] =	ssyncset.s32 @!p0 $0xFFFFF086;
	s6 =	sadd.s32 @!p0 s3, s7;
	s7 =	simm.s32 @!p0 $0x108  }
0x21: {  	s3 =	sadd.s32 s3, s9;
	s6 =	sadd.s32 @!p0 $0x88, s6;
	s7 =	simm.s32 @p2 $0x1082  }
0x22: {  	[simem:s7], [sflag:s8] =	dma.local @!p0 [hbm:s6], $0xF7A  }
0x23: {  	s9 =	sor.u32 $0xD0000000, s2;
	s6 =	simm.s32 $0x108;
	_ =	swait.ge @!p0 [sflag:s8], $0x0  }
0x24: {  	s3 =	sadd.s32 $0x88, s3;
	s6 =	simm.s32 @!p1 $0x1082;
	[sflag:s4] =	ssyncset.s32 $0xFFFFF086  }
0x25: {  	[simem:s6], [sflag:s4] =	dma.local [hbm:s3], $0xF7A  }
0x26: {  	[smem:$0x3F9C] =	sst s1;
	(tag) =	ssettag s2;
	_ =	strace s9  }
0x27: {  	s1 =	sld [smem:$0x3FAC]  }
0x28: {  	s2 =	sld [smem:$0x3FAD]  }
0x29: {  	s4 =	sld [smem:$0x3FAF]  }
0x2a: {  	p0 =	seq.s32 s5, $0x0;
	s5 =	sld [smem:$0x3FB0]  }
0x2b: {  	s6 =	sld [smem:$0x3FB1]  }
0x2c: {  	s7 =	sld [smem:$0x3FB2]  }
0x2d: {  	s3 =	simm.s32 $0x108;
	s8 =	sld [smem:$0x3FB3]  }
0x2e: {  	s3 =	simm.s32 @!p0 $0x1082;
	s9 =	sld [smem:$0x3FB4]  }
0x2f: {  	lr =	sadd.s32 s0, s3;
	s0 =	sld [smem:$0x3FAB]  }
0x30: {  	s3 =	sld [smem:$0x3FAE]  }
0x31: {  	[smem:$0x3FB7] =	sst s10  }
0x32: {  	s10 =	sld [smem:$0x3FB5];
	_ =	sdelay $0x3  }
0x33: {  	p0 =	seq.s32 s10, $0x1;
	s10 =	sld [smem:$0x3FB7];
	_ =	sdelay $0x3  }
0x34: {  	[smem:$0x3FB7] =	sst s10  }
0x35: {  	s10 =	sld [smem:$0x3FB6];
	_ =	sdelay $0x3  }
0x36: {  	p1 =	seq.s32 s10, $0x1;
	s10 =	sld [smem:$0x3FB7];
	_ =	sdelay $0x3  }
0x37: {  	[smem:$0x3FB7] =	sst s10  }
0x38: {  	s10 =	sld [smem:$0x3FB8]  }
0x39: {  	_ = 	snop;
	(pc) =	sbr.ind lr, $3  }
0x3a: {  	_ = 	snop  }
0x3b: {  	_ = 	snop  }
0x3c: {  	p2 =	seq.s32 s10, $0x1;
	s10 =	sld [smem:$0x3FB7]  }
0x3d: {  	_ =	shalt  }
0x3e: {  	_ =	shalt  }
0x3f: {  	_ =	shalt  }
0x40: {  	_ =	shalt  }
0x41: {  	_ =	shalt  }
0x42: {  	_ =	shalt  }
0x43: {  	_ =	shalt  }
0x44: {  	_ =	shalt  }
0x45: {  	_ =	shalt  }
0x46: {  	_ =	shalt  }
0x47: {  	_ =	shalt  }
0x48: {  	_ =	shalt  }
0x49: {  	_ =	shalt  }
0x4a: {  	_ =	shalt  }
0x4b: {  	_ =	shalt  }
0x4c: {  	_ =	shalt  }
0x4d: {  	_ =	shalt  }
0x4e: {  	_ =	shalt  }
0x4f: {  	_ =	shalt  }
0x50: {  	_ =	shalt  }
0x51: {  	_ =	shalt  }
0x52: {  	_ =	shalt  }
0x53: {  	_ =	shalt  }
0x54: {  	_ =	shalt  }
0x55: {  	_ =	shalt  }
0x56: {  	_ =	shalt  }
0x57: {  	_ =	shalt  }
0x58: {  	_ =	shalt  }
0x59: {  	_ =	shalt  }
0x5a: {  	_ =	shalt  }
0x5b: {  	_ =	shalt  }
0x5c: {  	_ =	shalt  }
0x5d: {  	_ =	shalt  }
0x5e: {  	_ =	shalt  }
0x5f: {  	_ =	shalt  }
0x60: {  	_ =	shalt  }
0x61: {  	_ =	shalt  }
0x62: {  	_ =	shalt  }
0x63: {  	_ =	shalt  }
0x64: {  	_ =	shalt  }
0x65: {  	_ =	shalt  }
0x66: {  	_ =	shalt  }
0x67: {  	_ =	shalt  }
0x68: {  	_ =	shalt  }
0x69: {  	_ =	shalt  }
0x6a: {  	_ =	shalt  }
0x6b: {  	_ =	shalt  }
0x6c: {  	_ =	shalt  }
0x6d: {  	_ =	shalt  }
0x6e: {  	_ =	shalt  }
0x6f: {  	_ =	shalt  }
0x70: {  	_ =	shalt  }
0x71: {  	_ =	shalt  }
0x72: {  	_ =	shalt  }
0x73: {  	_ =	shalt  }
0x74: {  	_ =	shalt  }
0x75: {  	_ =	shalt  }
0x76: {  	_ =	shalt  }
0x77: {  	_ =	shalt  }
0x78: {  	_ =	shalt  }
0x79: {  	_ =	shalt  }
0x7a: {  	_ =	shalt  }
0x7b: {  	_ =	shalt  }
0x7c: {  	_ =	shalt  }
0x7d: {  	_ =	shalt  }
0x7e: {  	_ =	shalt  }
0x7f: {  	_ =	shalt  }
0x80: {  	_ =	shalt  }
0x81: {  	_ =	shalt  }
0x82: {  	_ =	shalt  }
0x83: {  	_ =	shalt  }
0x84: {  	_ =	shalt  }
0x85: {  	_ =	shalt  }
0x86: {  	_ =	shalt  }
0x87: {  	_ =	shalt  }
.Lfunc_end0:
.L_simem_size_0:
called_computation_lowered:
.L_overlay_start_0:
0x88: {  	s2 =	sld [smem:$0x3FD9]  }
0x89: {  	s3 =	sld [smem:$0x3FFE];
	_ =	sdelay $0x1  }
0x8a: {  	s1 =	srdreg.scid  }
0x8b: {  	s0 =	sand.u32 $0x1, s1  }
0x8c: {  	s17 =	sshll.u32 s0, $0xA;
	s2 =	sadd.s32 s3, s2  }
0x8d: {  	s2 =	sadd.s32 s2, s17  }
0x8e: {  	[smem:$0x3FC3] =	sst s2  }
0x8f: {  	_ = 	snop  }
0x90: {  	s2 =	sld [smem:$0x3FC7]  }
0x91: {  	s18 =	sld [smem:$0x3FC6]  }
0x92: {  	s4 =	sld [smem:$0x3FC5]  }
0x93: {  	s5 =	sld [smem:$0x3FD0];
	(tm) =	ssettm $0x1  }
0x94: {  	s6 =	sld [smem:$0x3FFB];
	_ =	sdelay $0x3  }
0x95: {  	_ =	strace s6  }
0x96: {  	s6 =	sld [smem:$0x3FFC];
	_ =	sdelay $0x3  }
0x97: {  	_ =	strace s6  }
0x98: {  	s6 =	sld [smem:$0x3FFD];
	_ =	sdelay $0x3  }
0x99: {  	_ =	strace s6  }
0x9a: {  	_ =	strace $0x8FFFFFFF  }
0x9b: {  	s19 =	sld [smem:$0x3FDB];
	_ =	sdelay $0x1  }
0x9c: {  	s7 =	simm.s32 $_scs_section_size  }
0x9d: {  	s8 =	simm.s32 $_size__tile_overlayer_lowered;
	s9 =	simm.s32 $_tile_overlayer_lowered  }
0x9e: {  	s22 =	simm.s32 $0x1BFF;
	s21 =	sshll.u32 s9, $0x1;
	s6 =	sadd.s32 s7, s19  }
0x9f: {  	s10 =	simm.s32 $0x0;
	s20 =	sshll.u32 s8, $0x1;
	s8 =	sadd.s32 s21, s6  }
0xa0: {  	[timem:s10], [sflag:s22] =	dma.local [hbm:s8], s20  }
0xa1: {  	_ =	swait.ge [sflag:s22], s20  }
0xa2: {  	s7 =	ssub.s32 $0x0, s20;
	[sflag:s22] =	ssyncset.done $0x0  }
0xa3: {  	[sflag:s22] =	ssyncadd.s32 s7;
	_ =	sdelay $0x1  }
0xa4: {  	s23 =	simm.s32 $0x1B8B  }
0xa5: {  	_ =	swait.ge [sflag:s23], $0x1  }
0xa6: {  	[sflag:s23] =	ssyncset.done $0x0  }
0xa7: {  	s25 =	simm.s32 $0x1B8E;
	s24 =	sld [smem:$0x3FFE];
	[sflag:s23] =	ssyncadd.s32 $0xFFFFFFFF  }
0xa8: {  	s26 =	simm.s32 $execute0_lowered;
	[smem:$0x3FD2] =	sst s25  }
0xa9: {  	s8 =	sshll.u32 s26, $0x1;
	_ =	strace $0x80000046;
	[dreg:$0x1] =	wrdreg $0xFFFFFFFF  }
0xaa: {  	s28 =	simm.s32 $_size_execute0_lowered;
	s6 =	sadd.s32 s6, s8;
	[dreg:$0x0] =	wrdreg $0x0  }
0xab: {  	s8 =	sshll.u32 s28, $0x1;
	[dreg:$0x2] =	wrdreg s6  }
0xac: {  	[dreg:$0x3] =	wrdreg s8  }
0xad: {  	[dreg:$0x4] =	wrdreg $0xC0  }
0xae: {  	_ =	task [dreg:s10], $0x5FFFF  }
0xaf: {  	[dreg:$0x1] =	wrdreg $0xFFFFFFFF  }
0xb0: {  	[dreg:$0x0] =	wrdreg $0x60  }
0xb1: {  	[dreg:$0x2] =	wrdreg s5  }
0xb2: {  	[dreg:$0x3] =	wrdreg s24  }
0xb3: {  	[dreg:$0x4] =	wrdreg s2  }
0xb4: {  	[dreg:$0x5] =	wrdreg s18  }
0xb5: {  	[dreg:$0x6] =	wrdreg s4  }
0xb6: {  	[dreg:$0x7] =	wrdreg $0x65E00  }
0xb7: {  	[dreg:$0x8] =	wrdreg $0x9  }
0xb8: {  	_ =	task.clear_ibuf [dreg:s10], $0x9FFFF;
	_ =	strace $0x90000046  }
0xb9: {  	s29 =	simm.s32 $0x9;
	_ =	strace $0x80000048  }
0xba: {  	_ =	swait.ge [sflag:s29], $0x1  }
0xbb: {  	[sflag:s29] =	ssyncadd.s32 $0xFFFFFFFF  }
0xbc: {  	_ =	strace $0x90000048  }
0xbd: {  	_ =	sfence  }
0xbe: {  	s30 =	sld [smem:$0x0];
	_ =	sdelay $0x2  }
0xbf: {  	s31 =	sshll.u32 s1, $0xD;
	s1 =	sshrl.u32 s1, $0x2  }
0xc0: {  	s3 =	sand.u32 $0x4000, s31;
	s1 =	sadd.s32 s1, s30  }
0xc1: {  	s0 =	sor.u32 s3, s0;
	s1 =	sshll.u32 s1, $0x11  }
0xc2: {  	s0 =	sor.u32 s1, s0  }
0xc3: {  	s0 =	sadd.s32 $0x8F2B, s0  }
0xc4: {  	[sflag:s0] =	ssyncadd.remote.s32 $0x1  }
0xc5: {  	_ =	sfence.sel $0xFFFF  }
0xc6: {  	[dreg:$0x0] =	wrdreg $0xFFFFFFFF;
	(pc) =	sbr.abs _section_cstart, $3  }
0xc7: {  	[dreg:$0x1] =	wrdreg $0xFFFFFFFF  }
0xc8: {  	_ =	task.clear_ibuf [dreg:s10], $0x2FFFF;
	_ =	strace $0x9FFFFFFF  }
0xc9: {  	(tm) =	ssettm $0x7FFFFFFF  }
tec
execute0_lowered:
.L_overlay_start_1:
0x0: {  	(tag) =	ssettag $0x1  }
0x1: {  	s1 =	rddreg [dreg:$0x0]  }
0x2: {  	s0 =	rddreg [dreg:$0x1]  }
0x3: {  	s2 =	rddreg [dreg:$0x2]  }
0x4: {  	s3 =	rddreg [dreg:$0x3]  }
0x5: {  	s4 =	rddreg [dreg:$0x4]  }
0x6: {  	s5 =	rddreg [dreg:$0x5]  }
0x7: {  	s6 =	simm.s32 $0x0;
	s7 =	srdreg.scid;
	s16 =	stileid.u32  }
0x8: {  	s28 =	simm.s32 $0xF0;
	s29 =	simm.s32 $0x8;
	s30 =	simm.s32 $0x50  }
0x9: {  	s31 =	simm.s32 $0x1;
	[smem:$0x7FF] =	sst s6;
	s7 =	sand.u32 $0x1, s7  }
0xa: {  	s8 =	sadd.s32 $0x400, s0;
	s17 =	smul.u32 $0xC350, s16;
	s18 =	ssub.s32 $0x197, s16  }
0xb: {  	s12 =	sshll.u32 s16, $0xC;
	s22 =	sshll.u32 s16, $0x6;
	s15 =	sshll.u32 s16, $0x2  }
0xc: {  	s24 =	ssub.s32 $0xD3, s16;
	s25 =	sshll.u32 s16, $0xA;
	s9 =	smul.u32 $0x31000, s7  }
0xd: {  	_ =	strace $0x80000047;
	s10 =	ssub.s32 $0x2, s7;
	s7 =	smul.u32 $0x6200, s7  }
0xe: {  	s19 =	sadd.s32 s12, s5;
	[dreg:$0xb] =	wrdreg s22;
	s26 =	sshrl.u32 s24, $0x4  }
0xf: {  	s24 =	sor.u32 $0x2, s15;
	s11 =	sshrl.u32 s10, $0x1;
	[dreg:$0x8] =	wrdreg s19  }
0x10: {  	s20 =	sshrl.u32 s17, $0x3;
	s19 =	sand.u32 $0x40, s22;
	[dreg:$0xe] =	wrdreg s26  }
0x11: {  	s26 =	sadd.s32 $0x5, s15;
	s0 =	sadd.s32 s9, s0;
	s9 =	ssub.s32 s10, s11  }
0x12: {  	s11 =	sshrl.u32 s18, $0x4;
	s13 =	sadd.s32 s3, s20;
	s21 =	sadd.s32 s4, s20  }
0x13: {  	s14 =	sadd.s32 $0x6200, s7;
	s12 =	sadd.s32 $0xA, s20;
	s18 =	sadd.s32 $0xA0, s17  }
0x14: {  	s10 =	sor.u32 $0x10, s19;
	s22 =	sor.u32 $0x30, s19;
	[dreg:$0x7] =	wrdreg s11  }
0x15: {  	s17 =	simm.s32 $0x7;
	s20 =	simm.s32 $0x4;
	[dreg:$0x9] =	wrdreg s13  }
0x16: {  	v0 =	vmov s7;
	s7 =	simm.s32 $0x0;
	s11 =	smul.u32 $0x61A8, s16;
	[dreg:$0xa] =	wrdreg s21  }
0x17: {  	s23 =	sadd.s32 s3, s12;
	s12 =	sadd.s32 s4, s12;
	s0 =	sadd.s32 s25, s0  }
0x18: {  	v2 =	vlaneseq.u32;
	s9 =	smax.u32 s9, $0x1;
	s21 =	sxor.u32 $0x40, s19;
	[dreg:$0xc] =	wrdreg s23  }
0x19: {  	v2 =	vor.u32 $0xC350, v2;
	s25 =	sshllo.u32 s16, $0x2;
	s13 =	simm.s32 $0x51E0;
	[dreg:$0xd] =	wrdreg s12  }
0x1a: {  	v4 =	vadd.s32 s10, v2;
	s10 =	simm.s32 $0x3;
	[dreg:$0xf] =	wrdreg s9;
	s0 =	sadd.s32 $0x62400, s0  }
0x1b: {  	s9 =	sshll.u32 s16, $0xD;
	s12 =	sor.u32 $0x20, s19;
	s23 =	sor.u32 $0x1, s15  }
0x1c: {  	v8 =	vimm.f32 $0.0e+00;
	v3 =	vadd.s32 s19, v2;
	v1 =	vmov s14;
	s16 =	simm.s32 $0x5;
	[dreg:$0x10] =	wrdreg s0;
	s0 =	sadd.s32 s9, s5  }
0x1d: {  	v6 =	vadd.s32 s22, v2;
	v7 =	vadd.s32 s21, v2;
	s21 =	simm.s32 $0x2;
	v5 =	vadd.s32 s12, v2;
	s9 =	simm.s32 $0x29E0;
	[dreg:$0x11] =	wrdreg s0  }
.LBB2_1:
0x1e: {  	s0 =	simm.s32 $0x170  }
0x1f: {  	[tilespmem:s0+$0xFFFFFF80] =	vst v8  }
0x20: {  	[tilespmem:s0+$0x70] =	vst v8  }
0x21: {  	[tilespmem:s0+$0x60] =	vst v8  }
0x22: {  	[tilespmem:s0+$0x50] =	vst v8  }
0x23: {  	[tilespmem:s0+$0x40] =	vst v8  }
0x24: {  	[tilespmem:s0+$0x30] =	vst v8  }
0x25: {  	[tilespmem:s0+$0x20] =	vst v8  }
0x26: {  	[tilespmem:s0+$0x10] =	vst v8  }
0x27: {  	[tilespmem:s0+$0x0] =	vst v8  }
0x28: {  	[tilespmem:s0+$0xFFFFFFF0] =	vst v8  }
0x29: {  	[tilespmem:s0+$0xFFFFFFE0] =	vst v8  }
0x2a: {  	[tilespmem:s0+$0xFFFFFFD0] =	vst v8  }
0x2b: {  	[tilespmem:s0+$0xFFFFFFC0] =	vst v8  }
0x2c: {  	[tilespmem:s0+$0xFFFFFFB0] =	vst v8  }
0x2d: {  	[dreg:$0x12] =	wrdreg s7;
	s7 =	simm.s32 $0x0;
	[tilespmem:s0+$0xFFFFFFA0] =	vst v8  }
.LBB2_2:
0x2e: {  	s7 =	sadd.s32 $0x4, s7;
	[tilespmem:s0+$0xFFFFFF90] =	vst v8;
	s0 =	sadd.s32 $0x100, s0  }
0x2f: {  	[tilespmem:s0+$0xFFFFFF80] =	vst v8;
	p0 =	slt.u32 s7, $0x3C  }
0x30: {  	[tilespmem:s0+$0x70] =	vst v8  }
0x31: {  	[tilespmem:s0+$0x60] =	vst v8  }
0x32: {  	[tilespmem:s0+$0x50] =	vst v8  }
0x33: {  	[tilespmem:s0+$0x40] =	vst v8  }
0x34: {  	[tilespmem:s0+$0x30] =	vst v8  }
0x35: {  	[tilespmem:s0+$0x20] =	vst v8  }
0x36: {  	[tilespmem:s0+$0x10] =	vst v8  }
0x37: {  	[tilespmem:s0+$0x0] =	vst v8  }
0x38: {  	[tilespmem:s0+$0xFFFFFFF0] =	vst v8  }
.Ltmp0:
0x39: {  	[tilespmem:s0+$0xFFFFFFE0] =	vst v8;
	(pc) =	sbr.rel @p0 .LBB2_2-.Ltmp0, $4  }
0x3a: {  	[tilespmem:s0+$0xFFFFFFD0] =	vst v8  }
0x3b: {  	[tilespmem:s0+$0xFFFFFFC0] =	vst v8  }
0x3c: {  	[tilespmem:s0+$0xFFFFFFB0] =	vst v8  }
0x3d: {  	[tilespmem:s0+$0xFFFFFFA0] =	vst v8  }
0x3e: {  	s22 =	rddreg [dreg:$0x7]  }
0x3f: {  	p0 =	sne.s32 s22, $0x1  }
.Ltmp1:
0x40: {  	_ = 	snop;
	(pc) =	sbr.rel @!p0 .LBB2_5-.Ltmp1, $4  }
0x41: {  	[tilespmem:s0+$0xFFFFFF90] =	vst v8;
	s7 =	rddreg [dreg:$0x8]  }
0x42: {  	[spmem:s7] =	stream.linear.scatter [tilespmem:s28], [sflag:$0x8], $0x1000, $0x38;
	[tilespmem:$0x1EDE0] =	vst v63  }
0x43: {  	_ =	swait.ge [sflag:s29], $0x1000  }
0x44: {  	s0 =	sadd.s32 $0xFFFFFFFF, s22;
	[sflag:s29] =	ssyncset.done $0x0  }
.LBB2_4:
0x45: {  	p0 =	sne.s32 s0, $0x1;
	[sflag:s29] =	ssyncadd.s32 $0xFFFFF000;
	s7 =	sadd.s32 $0x10000, s7  }
.Ltmp2:
0x46: {  	s0 =	sadd.s32 $0xFFFFFFFF, s0;
	(pc) =	sbr.rel @p0 .LBB2_4-.Ltmp2, $4  }
0x47: {  	_ = 	snop  }
0x48: {  	[spmem:s7] =	stream.linear.scatter [tilespmem:s28], [sflag:$0x8], $0x1000, $0x38;
	[tilespmem:$0x1EDE0] =	vst v63  }
0x49: {  	_ =	swait.ge [sflag:s29], $0x1000  }
0x4a: {  	[sflag:s29] =	ssyncset.done $0x0  }
.LBB2_5:
0x4b: {  	[sflag:s29] =	ssyncadd.s32 $0xFFFFF000  }
0x4c: {  	[bflag:$0x0] =	sbarrier.arrive $0xFFFF  }
0x4d: {  	s7 =	simm.s32 $0x0;
	s0 =	rddreg [dreg:$0x9]  }
0x4e: {  	[tilespmem:s7], [sflag:$0x1] =	stream.linear.gather [hbm4b:s0+s7], $0x50, $0x38;
	[tilespmem:$0x1EDE0] =	vst v63  }
0x4f: {  	s22 =	rddreg [dreg:$0xa]  }
0x50: {  	[tilespmem:s30], [sflag:$0x1] =	stream.linear.gather [hbm4b:s22+s7], $0x50, $0x38;
	[tilespmem:$0x1EDE0] =	vst v63  }
0x51: {  	_ =	swait.ge [sflag:s31], $0x50  }
0x52: {  	[sflag:s31] =	ssyncset.done $0x0  }
0x53: {  	[sflag:s31] =	ssyncadd.s32 $0xFFFFFFB0  }
0x54: {  	_ =	swait.ge [sflag:s31], $0x50  }
0x55: {  	[sflag:s31] =	ssyncset.done $0x0  }
0x56: {  	[sflag:s31] =	ssyncadd.s32 $0xFFFFFFB0  }
0x57: {  	v9 =	vld [tilespmem:$0x50]  }
0x58: {  	v10 =	vld [tilespmem:$0x60];
	_ =	sdelay $0x1  }
0x59: {  	v11 =	vld [tilespmem:$0x70];
	_ =	sdelay $0x1  }
0x5a: {  	v13 =	vld [tilespmem:$0x80];
	vm0 =	vge.s32 v9, v0;
	vm1 =	vlt.s32 v9, v1  }
0x5b: {  	vm12 =	vgt.s32 v9, $0x61FF;
	v14 =	vadd.s32 $0xFFFF9E00, v9;
	vm13 =	vge.s32 v10, v0  }
0x5c: {  	vm2 =	vlt.s32 v10, v1;
	vm15 =	vgt.s32 v10, $0x61FF;
	vm0 =	vmand vm0, vm1  }
0x5d: {  	v63 =	vld [tilespmem:$0x90];
	v62 =	vadd.s32 $0xFFFF9E00, v10;
	vm6 =	vge.s32 v11, v0;
	v12 =	vsel vm0, v9, v3  }
0x5e: {  	vm3 =	vlt.s32 v11, v1;
	vm14 =	vmand vm13, vm2;
	v9 =	vsel vm12, v14, v9;
	[tilespmem:$0x50] =	vst v12  }
0x5f: {  	vm8 =	vge.s32 v13, v0;
	vm9 =	vlt.s32 v13, v1;
	[tilespmem:$0xA0] =	vst v9;
	v9 =	vsel vm14, v10, v4  }
0x60: {  	vm10 =	vgt.s32 v11, $0x61FF;
	vm7 =	vmand vm6, vm3;
	v12 =	vsel vm15, v62, v10;
	[tilespmem:$0x60] =	vst v9  }
0x61: {  	vm11 =	vgt.s32 v13, $0x61FF;
	v10 =	vadd.s32 $0xFFFF9E00, v11;
	v9 =	vsel vm7, v11, v5;
	[tilespmem:$0xB0] =	vst v12  }
0x62: {  	vm13 =	vlt.s32 v63, v1;
	vm0 =	vmand vm8, vm9;
	[tilespmem:$0x70] =	vst v9;
	v9 =	vsel vm10, v10, v11  }
0x63: {  	vm12 =	vge.s32 v63, v0;
	v10 =	vsel vm0, v13, v6;
	[tilespmem:$0xC0] =	vst v9;
	v9 =	vadd.s32 $0xFFFF9E00, v13  }
0x64: {  	vm14 =	vmand vm12, vm13;
	[tilespmem:$0x80] =	vst v10;
	v9 =	vsel vm11, v9, v13  }
0x65: {  	vm15 =	vgt.s32 v63, $0x61FF;
	v10 =	vadd.s32 $0xFFFF9E00, v63;
	[tilespmem:$0xD0] =	vst v9;
	v9 =	vsel vm14, v63, v7  }
0x66: {  	[tilespmem:$0x90] =	vst v9;
	v9 =	vsel vm15, v10, v63  }
0x67: {  	[tilespmem:$0xE0] =	vst v9  }
0x68: {  	[tilespmem:s28], [sflag:$0x3] =	stream.indirect.gather [hbm4b:s1+s30], $0x40, s7, s30, $0xb8;
	[tilespmem:$0x1EDE0] =	vst v63  }
0x69: {  	s12 =	simm.s32 $0x14F0  }
0x6a: {  	[tilespmem:s12], [sflag:$0x3] =	stream.indirect.gather [hbm4b:s8+s30], $0x40, s30, s30, $0xb8;
	[tilespmem:$0x1EDE0] =	vst v63  }
.Ltmp3:
0x6b: {  	_ = 	snop;
	(pc) =	sbr.rel .LBB2_6-.Ltmp3, $4  }
0x6c: {  	s14 =	rddreg [dreg:$0xc];
	s12 =	simm.s32 $0x28F0  }
0x6d: {  	[tilespmem:s12], [sflag:$0x2] =	stream.linear.gather [hbm4b:s14+s7], $0x50, $0x38;
	[tilespmem:$0x1EDE0] =	vst v63  }
0x6e: {  	s22 =	simm.s32 $0x2940;
	s19 =	rddreg [dreg:$0xd]  }
0x6f: {  	[tilespmem:s22], [sflag:$0x2] =	stream.linear.gather [hbm4b:s19+s7], $0x50, $0x38;
	[tilespmem:$0x1EDE0] =	vst v63  }
.LBB2_11:
0x70: {  	[tilespmem:s14+$0x70] =	vst v9;
	s0 =	simm.s32 $0xA0  }
0x71: {  	[spmem:s5] =	stream.indirect.scatter.add.f32 [tilespmem:s28], [sflag:$0x5], $0x40, s0, s30, $0xb8;
	[tilespmem:$0x1EDE0] =	vst v63  }
.LBB2_15:
0x72: {  	s7 =	sadd.s32 $0x1, s7  }
0x73: {  	p0 =	sne.s32 s7, $0x271  }
.Ltmp4:
0x74: {  	_ = 	snop;
	(pc) =	sbr.rel @!p0 .LBB2_16-.Ltmp4, $1  }
0x75: {  	_ =	sdelay $0x3  }
.LBB2_6:
0x76: {  	s22 =	sand.u32 $0x1, s7  }
0x77: {  	s0 =	smul.u32 $0x28, s7;
	p0 =	seq.s32 s22, $0x1  }
.Ltmp5:
0x78: {  	_ = 	snop;
	(pc) =	sbr.rel @!p0 .LBB2_7-.Ltmp5, $4  }
0x79: {  	s0 =	sadd.s32 s11, s0  }
0x7a: {  	s0 =	sshll.u32 s0, $0x4  }
0x7b: {  	s0 =	sadd.s32 s2, s0  }
0x7c: {  	[tilespmem:s13], [sflag:$0x7] =	stream.linear.gather [hbm4b:s0+s6], $0x1400, $0x38;
	[tilespmem:$0x1EDE0] =	vst v63  }
0x7d: {  	_ =	swait.ge [sflag:s16], $0x1400  }
0x7e: {  	[sflag:s16] =	ssyncset.done $0x0  }
0x7f: {  	[sflag:s16] =	ssyncadd.s32 $0xFFFFEC00  }
0x80: {  	_ =	swait.ge [sflag:s31], $0x50  }
0x81: {  	[sflag:s31] =	ssyncset.done $0x0  }
0x82: {  	[sflag:s31] =	ssyncadd.s32 $0xFFFFFFB0  }
0x83: {  	_ =	swait.ge [sflag:s31], $0x50  }
0x84: {  	[sflag:s31] =	ssyncset.done $0x0  }
0x85: {  	s0 =	sadd.s32 s7, s23;
	[sflag:s31] =	ssyncadd.s32 $0xFFFFFFB0  }
0x86: {  	s0 =	sshll.u32 s0, $0x4;
	v9 =	vld [tilespmem:$0x50]  }
0x87: {  	s14 =	sadd.s32 s7, s24;
	s12 =	sadd.s32 s7, s25;
	s0 =	sand.u32 $0x60, s0;
	v10 =	vld [tilespmem:$0x60]  }
0x88: {  	s12 =	sshll.u32 s12, $0x4;
	v12 =	vadd.s32 s0, v2;
	s0 =	sshll.u32 s14, $0x4;
	v11 =	vld [tilespmem:$0x70]  }
0x89: {  	s19 =	sand.u32 $0x60, s12;
	s0 =	sand.u32 $0x70, s0  }
0x8a: {  	v15 =	vadd.s32 s19, v2;
	v14 =	vadd.s32 s0, v2  }
0x8b: {  	v61 =	vld [tilespmem:$0x80];
	vm0 =	vge.s32 v9, v0;
	vm1 =	vlt.s32 v9, v1;
	vm13 =	vgt.s32 v9, $0x61FF  }
0x8c: {  	v13 =	vadd.s32 $0xFFFF9E00, v9;
	vm14 =	vge.s32 v10, v0;
	vm15 =	vlt.s32 v10, v1  }
0x8d: {  	v16 =	vld [tilespmem:$0x90];
	vm2 =	vge.s32 v11, v0;
	vm3 =	vlt.s32 v11, v1;
	vm0 =	vmand vm0, vm1  }
0x8e: {  	vm7 =	vgt.s32 v10, $0x61FF;
	v62 =	vadd.s32 $0xFFFF9E00, v10;
	v12 =	vsel vm0, v9, v12  }
0x8f: {  	s22 =	sxor.u32 $0x4, s7;
	vm8 =	vgt.s32 v11, $0x61FF;
	vm6 =	vmand vm2, vm3;
	v9 =	vsel vm13, v13, v9;
	[tilespmem:$0x50] =	vst v12  }
0x90: {  	s14 =	sadd.s32 s15, s22;
	vm9 =	vge.s32 v61, v0;
	vm0 =	vmand vm14, vm15;
	v63 =	vsel vm6, v11, v15;
	[tilespmem:$0xA0] =	vst v9  }
0x91: {  	s0 =	sshll.u32 s14, $0x4;
	vm10 =	vlt.s32 v61, v1;
	vm11 =	vgt.s32 v61, $0x61FF;
	v9 =	vsel vm0, v10, v14;
	[tilespmem:$0x70] =	vst v63  }
0x92: {  	s19 =	sadd.s32 s7, s26;
	s0 =	sand.u32 $0x70, s0;
	vm12 =	vge.s32 v16, v0;
	v10 =	vsel vm7, v62, v10;
	[tilespmem:$0x60] =	vst v9;
	v9 =	vadd.s32 $0xFFFF9E00, v11  }
0x93: {  	vm1 =	vmand vm9, vm10;
	[tilespmem:$0xB0] =	vst v10;
	v10 =	vadd.s32 s0, v2;
	s0 =	sshll.u32 s19, $0x4;
	v9 =	vsel vm8, v9, v11  }
0x94: {  	vm13 =	vlt.s32 v16, v1;
	v10 =	vsel vm1, v61, v10;
	s0 =	sand.u32 $0x60, s0;
	[tilespmem:$0xC0] =	vst v9;
	v9 =	vadd.s32 $0xFFFF9E00, v61  }
0x95: {  	vm14 =	vmand vm12, vm13;
	[tilespmem:$0x80] =	vst v10;
	v10 =	vadd.s32 s0, v2;
	v9 =	vsel vm11, v9, v61  }
0x96: {  	vm15 =	vgt.s32 v16, $0x61FF;
	[tilespmem:$0xD0] =	vst v9;
	v9 =	vsel vm14, v16, v10;
	v10 =	vadd.s32 $0xFFFF9E00, v16  }
0x97: {  	[tilespmem:$0x90] =	vst v9;
	v9 =	vsel vm15, v10, v16  }
0x98: {  	[tilespmem:$0xE0] =	vst v9  }
0x99: {  	[tilespmem:s28], [sflag:$0x3] =	stream.indirect.gather [hbm4b:s1+s30], $0x40, s6, s30, $0xb8;
	[tilespmem:$0x1EDE0] =	vst v63  }
0x9a: {  	s22 =	simm.s32 $0x14F0  }
0x9b: {  	[tilespmem:s22], [sflag:$0x3] =	stream.indirect.gather [hbm4b:s8+s30], $0x40, s30, s30, $0xb8;
	[tilespmem:$0x1EDE0] =	vst v63  }
0x9c: {  	_ =	swait.ge [sflag:s17], $0x1400  }
0x9d: {  	[sflag:s17] =	ssyncset.done $0x0  }
0x9e: {  	[sflag:s17] =	ssyncadd.s32 $0xFFFFEC00  }
0x9f: {  	p0 =	sgt.u32 s7, $0x26E;
	_ =	swait.ge [sflag:s20], $0x1400  }
0xa0: {  	s0 =	smul.u32 @!p0 $0x50, s7;
	[sflag:s20] =	ssyncset.done $0x0  }
0xa1: {  	[sflag:s20] =	ssyncadd.s32 $0xFFFFEC00  }
0xa2: {  	s0 =	sadd.s32 @!p0 s0, s18;
	_ =	swait.ge [sflag:s20], $0x1400  }
0xa3: {  	s14 =	simm.s32 @!p0 $0x0;
	s0 =	sshrl.u32 @!p0 s0, $0x3;
	[sflag:s20] =	ssyncset.done $0x0  }
0xa4: {  	s19 =	simm.s32 @!p0 $0x28F0;
	s12 =	sadd.s32 @!p0 s3, s0;
	[sflag:s20] =	ssyncadd.s32 $0xFFFFEC00  }
0xa5: {  	[tilespmem:s19], [sflag:$0x2] =	stream.linear.gather @!p0 [hbm4b:s12+s14], $0x50, $0x38;
	[tilespmem:$0x1EDE0] =	vst v63  }
0xa6: {  	s0 =	sadd.s32 @!p0 s4, s0;
	s12 =	simm.s32 @!p0 $0x2940  }
0xa7: {  	[tilespmem:s12], [sflag:$0x2] =	stream.linear.gather @!p0 [hbm4b:s0+s14], $0x50, $0x38;
	[tilespmem:$0x1EDE0] =	vst v63  }
0xa8: {  	s14 =	simm.s32 $0x2A60  }
0xa9: {  	s12 =	simm.s32 $0x3E60;
	v9 =	vld [tilespmem:s14+$0xFFFFFF80]  }
0xaa: {  	v10 =	vld [tilespmem:s12+$0xFFFFFF80]  }
0xab: {  	s22 =	simm.s32 $0x5260  }
0xac: {  	v11 =	vld [tilespmem:s22+$0xFFFFFF80];
	_ =	sdelay $0x2  }
0xad: {  	v9 =	vadd.f32 v10, v9;
	_ =	sdelay $0x1  }
0xae: {  	v9 =	vadd.f32 v11, v9;
	_ =	sdelay $0x1  }
0xaf: {  	v9 =	vmax.f32 v9, $0.0e+00  }
0xb0: {  	[tilespmem:s14+$0xFFFFFF80] =	vst v9;
	v9 =	vld [tilespmem:s14+$0xFFFFFF90]  }
0xb1: {  	v10 =	vld [tilespmem:s12+$0xFFFFFF90];
	_ =	sdelay $0x1  }
0xb2: {  	v11 =	vld [tilespmem:s22+$0xFFFFFF90];
	_ =	sdelay $0x2  }
0xb3: {  	v9 =	vadd.f32 v10, v9;
	_ =	sdelay $0x1  }
0xb4: {  	v9 =	vadd.f32 v11, v9;
	_ =	sdelay $0x1  }
0xb5: {  	v9 =	vmax.f32 v9, $0.0e+00  }
0xb6: {  	[tilespmem:s14+$0xFFFFFF90] =	vst v9;
	v9 =	vld [tilespmem:s14+$0xFFFFFFA0]  }
0xb7: {  	v10 =	vld [tilespmem:s12+$0xFFFFFFA0];
	_ =	sdelay $0x1  }
0xb8: {  	v11 =	vld [tilespmem:s22+$0xFFFFFFA0];
	_ =	sdelay $0x2  }
0xb9: {  	v9 =	vadd.f32 v10, v9;
	_ =	sdelay $0x1  }
0xba: {  	v9 =	vadd.f32 v11, v9;
	_ =	sdelay $0x1  }
0xbb: {  	v9 =	vmax.f32 v9, $0.0e+00  }
0xbc: {  	[tilespmem:s14+$0xFFFFFFA0] =	vst v9;
	v9 =	vld [tilespmem:s14+$0xFFFFFFB0]  }
0xbd: {  	v10 =	vld [tilespmem:s12+$0xFFFFFFB0];
	_ =	sdelay $0x1  }
0xbe: {  	v11 =	vld [tilespmem:s22+$0xFFFFFFB0];
	_ =	sdelay $0x2  }
0xbf: {  	v9 =	vadd.f32 v10, v9;
	_ =	sdelay $0x1  }
0xc0: {  	v9 =	vadd.f32 v11, v9;
	_ =	sdelay $0x1  }
0xc1: {  	v9 =	vmax.f32 v9, $0.0e+00  }
0xc2: {  	[tilespmem:s14+$0xFFFFFFB0] =	vst v9;
	v9 =	vld [tilespmem:s14+$0xFFFFFFC0]  }
0xc3: {  	v10 =	vld [tilespmem:s12+$0xFFFFFFC0];
	_ =	sdelay $0x1  }
0xc4: {  	v11 =	vld [tilespmem:s22+$0xFFFFFFC0];
	_ =	sdelay $0x2  }
0xc5: {  	v9 =	vadd.f32 v10, v9;
	_ =	sdelay $0x1  }
0xc6: {  	v9 =	vadd.f32 v11, v9;
	_ =	sdelay $0x1  }
0xc7: {  	v9 =	vmax.f32 v9, $0.0e+00  }
0xc8: {  	[tilespmem:s14+$0xFFFFFFC0] =	vst v9;
	v9 =	vld [tilespmem:s14+$0xFFFFFFD0]  }
0xc9: {  	v10 =	vld [tilespmem:s12+$0xFFFFFFD0];
	_ =	sdelay $0x1  }
0xca: {  	v11 =	vld [tilespmem:s22+$0xFFFFFFD0];
	_ =	sdelay $0x2  }
0xcb: {  	v9 =	vadd.f32 v10, v9;
	_ =	sdelay $0x1  }
0xcc: {  	v9 =	vadd.f32 v11, v9;
	_ =	sdelay $0x1  }
0xcd: {  	v9 =	vmax.f32 v9, $0.0e+00  }
0xce: {  	[tilespmem:s14+$0xFFFFFFD0] =	vst v9;
	v9 =	vld [tilespmem:s14+$0xFFFFFFE0]  }
0xcf: {  	v10 =	vld [tilespmem:s12+$0xFFFFFFE0];
	_ =	sdelay $0x1  }
0xd0: {  	v11 =	vld [tilespmem:s22+$0xFFFFFFE0];
	_ =	sdelay $0x2  }
0xd1: {  	v9 =	vadd.f32 v10, v9;
	_ =	sdelay $0x1  }
0xd2: {  	v9 =	vadd.f32 v11, v9;
	_ =	sdelay $0x1  }
0xd3: {  	v9 =	vmax.f32 v9, $0.0e+00  }
0xd4: {  	[tilespmem:s14+$0xFFFFFFE0] =	vst v9;
	v9 =	vld [tilespmem:s14+$0xFFFFFFF0]  }
0xd5: {  	v10 =	vld [tilespmem:s12+$0xFFFFFFF0];
	_ =	sdelay $0x1  }
0xd6: {  	v11 =	vld [tilespmem:s22+$0xFFFFFFF0];
	_ =	sdelay $0x2  }
0xd7: {  	v9 =	vadd.f32 v10, v9;
	_ =	sdelay $0x1  }
0xd8: {  	v9 =	vadd.f32 v11, v9;
	_ =	sdelay $0x1  }
0xd9: {  	v9 =	vmax.f32 v9, $0.0e+00  }
0xda: {  	[tilespmem:s14+$0xFFFFFFF0] =	vst v9;
	v9 =	vld [tilespmem:s14+$0x0]  }
0xdb: {  	v10 =	vld [tilespmem:s12+$0x0];
	_ =	sdelay $0x1  }
0xdc: {  	v11 =	vld [tilespmem:s22+$0x0];
	_ =	sdelay $0x2  }
0xdd: {  	v9 =	vadd.f32 v10, v9;
	_ =	sdelay $0x1  }
0xde: {  	v9 =	vadd.f32 v11, v9;
	_ =	sdelay $0x1  }
0xdf: {  	v9 =	vmax.f32 v9, $0.0e+00  }
0xe0: {  	[tilespmem:s14+$0x0] =	vst v9;
	v9 =	vld [tilespmem:s14+$0x10]  }
0xe1: {  	v10 =	vld [tilespmem:s12+$0x10];
	_ =	sdelay $0x1  }
0xe2: {  	v11 =	vld [tilespmem:s22+$0x10];
	_ =	sdelay $0x2  }
0xe3: {  	v9 =	vadd.f32 v10, v9;
	_ =	sdelay $0x1  }
0xe4: {  	v9 =	vadd.f32 v11, v9;
	_ =	sdelay $0x1  }
0xe5: {  	v9 =	vmax.f32 v9, $0.0e+00  }
0xe6: {  	[tilespmem:s14+$0x10] =	vst v9;
	v9 =	vld [tilespmem:s14+$0x20]  }
0xe7: {  	v10 =	vld [tilespmem:s12+$0x20];
	_ =	sdelay $0x1  }
0xe8: {  	v11 =	vld [tilespmem:s22+$0x20];
	_ =	sdelay $0x2  }
0xe9: {  	v9 =	vadd.f32 v10, v9;
	_ =	sdelay $0x1  }
0xea: {  	v9 =	vadd.f32 v11, v9;
	_ =	sdelay $0x1  }
0xeb: {  	v9 =	vmax.f32 v9, $0.0e+00  }
0xec: {  	[tilespmem:s14+$0x20] =	vst v9;
	v9 =	vld [tilespmem:s14+$0x30]  }
0xed: {  	v10 =	vld [tilespmem:s12+$0x30];
	_ =	sdelay $0x1  }
0xee: {  	v11 =	vld [tilespmem:s22+$0x30];
	_ =	sdelay $0x2  }
0xef: {  	v9 =	vadd.f32 v10, v9;
	_ =	sdelay $0x1  }
0xf0: {  	v9 =	vadd.f32 v11, v9;
	_ =	sdelay $0x1  }
0xf1: {  	v9 =	vmax.f32 v9, $0.0e+00  }
0xf2: {  	[tilespmem:s14+$0x30] =	vst v9;
	v9 =	vld [tilespmem:s14+$0x40]  }
0xf3: {  	v10 =	vld [tilespmem:s12+$0x40];
	_ =	sdelay $0x1  }
0xf4: {  	v11 =	vld [tilespmem:s22+$0x40];
	_ =	sdelay $0x2  }
0xf5: {  	v9 =	vadd.f32 v10, v9;
	_ =	sdelay $0x1  }
0xf6: {  	v9 =	vadd.f32 v11, v9;
	_ =	sdelay $0x1  }
0xf7: {  	v9 =	vmax.f32 v9, $0.0e+00  }
0xf8: {  	[tilespmem:s14+$0x40] =	vst v9;
	v9 =	vld [tilespmem:s14+$0x50]  }
0xf9: {  	v10 =	vld [tilespmem:s12+$0x50];
	_ =	sdelay $0x1  }
0xfa: {  	v11 =	vld [tilespmem:s22+$0x50];
	_ =	sdelay $0x2  }
0xfb: {  	v9 =	vadd.f32 v10, v9;
	_ =	sdelay $0x1  }
0xfc: {  	v9 =	vadd.f32 v11, v9;
	_ =	sdelay $0x1  }
0xfd: {  	v9 =	vmax.f32 v9, $0.0e+00  }
0xfe: {  	[tilespmem:s14+$0x50] =	vst v9;
	v9 =	vld [tilespmem:s14+$0x60]  }
0xff: {  	v10 =	vld [tilespmem:s12+$0x60];
	_ =	sdelay $0x1  }
0x100: {  	v11 =	vld [tilespmem:s22+$0x60];
	_ =	sdelay $0x2  }
0x101: {  	v9 =	vadd.f32 v10, v9;
	_ =	sdelay $0x1  }
0x102: {  	v9 =	vadd.f32 v11, v9;
	_ =	sdelay $0x1  }
0x103: {  	v9 =	vmax.f32 v9, $0.0e+00  }
0x104: {  	[tilespmem:s14+$0x60] =	vst v9;
	v9 =	vld [tilespmem:s14+$0x70]  }
0x105: {  	v10 =	vld [tilespmem:s12+$0x70];
	_ =	sdelay $0x1  }
0x106: {  	v11 =	vld [tilespmem:s22+$0x70];
	_ =	sdelay $0x2  }
0x107: {  	v9 =	vadd.f32 v10, v9;
	_ =	sdelay $0x1  }
0x108: {  	v9 =	vadd.f32 v11, v9;
	_ =	sdelay $0x1  }
0x109: {  	s19 =	simm.s32 $0x0;
	s0 =	simm.s32 $0x2B60;
	v9 =	vmax.f32 v9, $0.0e+00  }
.LBB2_13:
0x10a: {  	v10 =	vld [tilespmem:s0+$0xFFFFFF80];
	s19 =	sadd.s32 $0x2, s19;
	[tilespmem:s14+$0x70] =	vst v9;
	s12 =	sadd.s32 $0x100, s12;
	s22 =	sadd.s32 $0x100, s22  }
0x10b: {  	s14 =	smov.u32 s0;
	v9 =	vld [tilespmem:s12+$0xFFFFFF80];
	p0 =	slt.u32 s19, $0x26;
	_ =	sdelay $0x1  }
0x10c: {  	v11 =	vld [tilespmem:s22+$0xFFFFFF80];
	_ =	sdelay $0x2  }
0x10d: {  	v9 =	vadd.f32 v9, v10;
	_ =	sdelay $0x1  }
0x10e: {  	v9 =	vadd.f32 v11, v9;
	_ =	sdelay $0x1  }
0x10f: {  	v9 =	vmax.f32 v9, $0.0e+00  }
0x110: {  	[tilespmem:s0+$0xFFFFFF80] =	vst v9;
	v9 =	vld [tilespmem:s0+$0xFFFFFF90]  }
0x111: {  	v10 =	vld [tilespmem:s12+$0xFFFFFF90];
	_ =	sdelay $0x1  }
0x112: {  	v11 =	vld [tilespmem:s22+$0xFFFFFF90];
	_ =	sdelay $0x2  }
0x113: {  	v9 =	vadd.f32 v10, v9;
	_ =	sdelay $0x1  }
0x114: {  	v9 =	vadd.f32 v11, v9;
	_ =	sdelay $0x1  }
0x115: {  	v9 =	vmax.f32 v9, $0.0e+00  }
0x116: {  	[tilespmem:s0+$0xFFFFFF90] =	vst v9;
	v9 =	vld [tilespmem:s0+$0xFFFFFFA0]  }
0x117: {  	v10 =	vld [tilespmem:s12+$0xFFFFFFA0];
	_ =	sdelay $0x1  }
0x118: {  	v11 =	vld [tilespmem:s22+$0xFFFFFFA0];
	_ =	sdelay $0x2  }
0x119: {  	v9 =	vadd.f32 v10, v9;
	_ =	sdelay $0x1  }
0x11a: {  	v9 =	vadd.f32 v11, v9;
	_ =	sdelay $0x1  }
0x11b: {  	v9 =	vmax.f32 v9, $0.0e+00  }
0x11c: {  	[tilespmem:s0+$0xFFFFFFA0] =	vst v9;
	v9 =	vld [tilespmem:s0+$0xFFFFFFB0]  }
0x11d: {  	v10 =	vld [tilespmem:s12+$0xFFFFFFB0];
	_ =	sdelay $0x1  }
0x11e: {  	v11 =	vld [tilespmem:s22+$0xFFFFFFB0];
	_ =	sdelay $0x2  }
0x11f: {  	v9 =	vadd.f32 v10, v9;
	_ =	sdelay $0x1  }
0x120: {  	v9 =	vadd.f32 v11, v9;
	_ =	sdelay $0x1  }
0x121: {  	v9 =	vmax.f32 v9, $0.0e+00  }
0x122: {  	[tilespmem:s0+$0xFFFFFFB0] =	vst v9;
	v9 =	vld [tilespmem:s0+$0xFFFFFFC0]  }
0x123: {  	v10 =	vld [tilespmem:s12+$0xFFFFFFC0];
	_ =	sdelay $0x1  }
0x124: {  	v11 =	vld [tilespmem:s22+$0xFFFFFFC0];
	_ =	sdelay $0x2  }
0x125: {  	v9 =	vadd.f32 v10, v9;
	_ =	sdelay $0x1  }
0x126: {  	v9 =	vadd.f32 v11, v9;
	_ =	sdelay $0x1  }
0x127: {  	v9 =	vmax.f32 v9, $0.0e+00  }
0x128: {  	[tilespmem:s0+$0xFFFFFFC0] =	vst v9;
	v9 =	vld [tilespmem:s0+$0xFFFFFFD0]  }
0x129: {  	v10 =	vld [tilespmem:s12+$0xFFFFFFD0];
	_ =	sdelay $0x1  }
0x12a: {  	v11 =	vld [tilespmem:s22+$0xFFFFFFD0];
	_ =	sdelay $0x2  }
0x12b: {  	v9 =	vadd.f32 v10, v9;
	_ =	sdelay $0x1  }
0x12c: {  	v9 =	vadd.f32 v11, v9;
	_ =	sdelay $0x1  }
0x12d: {  	v9 =	vmax.f32 v9, $0.0e+00  }
0x12e: {  	[tilespmem:s0+$0xFFFFFFD0] =	vst v9;
	v9 =	vld [tilespmem:s0+$0xFFFFFFE0]  }
0x12f: {  	v10 =	vld [tilespmem:s12+$0xFFFFFFE0];
	_ =	sdelay $0x1  }
0x130: {  	v11 =	vld [tilespmem:s22+$0xFFFFFFE0];
	_ =	sdelay $0x2  }
0x131: {  	v9 =	vadd.f32 v10, v9;
	_ =	sdelay $0x1  }
0x132: {  	v9 =	vadd.f32 v11, v9;
	_ =	sdelay $0x1  }
0x133: {  	v9 =	vmax.f32 v9, $0.0e+00  }
0x134: {  	[tilespmem:s0+$0xFFFFFFE0] =	vst v9;
	v9 =	vld [tilespmem:s0+$0xFFFFFFF0]  }
0x135: {  	v10 =	vld [tilespmem:s12+$0xFFFFFFF0];
	_ =	sdelay $0x1  }
0x136: {  	v11 =	vld [tilespmem:s22+$0xFFFFFFF0];
	_ =	sdelay $0x2  }
0x137: {  	v9 =	vadd.f32 v10, v9;
	_ =	sdelay $0x1  }
0x138: {  	v9 =	vadd.f32 v11, v9;
	_ =	sdelay $0x1  }
0x139: {  	v9 =	vmax.f32 v9, $0.0e+00  }
0x13a: {  	[tilespmem:s0+$0xFFFFFFF0] =	vst v9;
	v9 =	vld [tilespmem:s0+$0x0]  }
0x13b: {  	v10 =	vld [tilespmem:s12+$0x0];
	_ =	sdelay $0x1  }
0x13c: {  	v11 =	vld [tilespmem:s22+$0x0];
	_ =	sdelay $0x2  }
0x13d: {  	v9 =	vadd.f32 v10, v9;
	_ =	sdelay $0x1  }
0x13e: {  	v9 =	vadd.f32 v11, v9;
	_ =	sdelay $0x1  }
0x13f: {  	v9 =	vmax.f32 v9, $0.0e+00  }
0x140: {  	[tilespmem:s0+$0x0] =	vst v9;
	v9 =	vld [tilespmem:s0+$0x10]  }
0x141: {  	v10 =	vld [tilespmem:s12+$0x10]  }
0x142: {  	v11 =	vld [tilespmem:s22+$0x10];
	_ =	sdelay $0x3  }
0x143: {  	v9 =	vadd.f32 v10, v9;
	_ =	sdelay $0x1  }
0x144: {  	v9 =	vadd.f32 v11, v9;
	_ =	sdelay $0x1  }
0x145: {  	v9 =	vmax.f32 v9, $0.0e+00  }
0x146: {  	[tilespmem:s0+$0x10] =	vst v9;
	v9 =	vld [tilespmem:s0+$0x20]  }
0x147: {  	v10 =	vld [tilespmem:s12+$0x20]  }
0x148: {  	v11 =	vld [tilespmem:s22+$0x20];
	_ =	sdelay $0x3  }
0x149: {  	v9 =	vadd.f32 v10, v9;
	_ =	sdelay $0x1  }
0x14a: {  	v9 =	vadd.f32 v11, v9;
	_ =	sdelay $0x1  }
0x14b: {  	v9 =	vmax.f32 v9, $0.0e+00  }
0x14c: {  	[tilespmem:s0+$0x20] =	vst v9;
	v9 =	vld [tilespmem:s0+$0x30]  }
0x14d: {  	v10 =	vld [tilespmem:s12+$0x30]  }
0x14e: {  	v11 =	vld [tilespmem:s22+$0x30];
	_ =	sdelay $0x3  }
0x14f: {  	v9 =	vadd.f32 v10, v9;
	_ =	sdelay $0x1  }
0x150: {  	v9 =	vadd.f32 v11, v9;
	_ =	sdelay $0x1  }
0x151: {  	v9 =	vmax.f32 v9, $0.0e+00  }
0x152: {  	[tilespmem:s0+$0x30] =	vst v9;
	v9 =	vld [tilespmem:s0+$0x40]  }
0x153: {  	v10 =	vld [tilespmem:s12+$0x40]  }
0x154: {  	v11 =	vld [tilespmem:s22+$0x40];
	_ =	sdelay $0x3  }
0x155: {  	v9 =	vadd.f32 v10, v9;
	_ =	sdelay $0x1  }
0x156: {  	v9 =	vadd.f32 v11, v9;
	_ =	sdelay $0x1  }
0x157: {  	v9 =	vmax.f32 v9, $0.0e+00  }
0x158: {  	[tilespmem:s0+$0x40] =	vst v9;
	v9 =	vld [tilespmem:s0+$0x50]  }
0x159: {  	v10 =	vld [tilespmem:s12+$0x50]  }
0x15a: {  	v11 =	vld [tilespmem:s22+$0x50];
	_ =	sdelay $0x3  }
0x15b: {  	v9 =	vadd.f32 v10, v9;
	_ =	sdelay $0x1  }
0x15c: {  	v9 =	vadd.f32 v11, v9;
	_ =	sdelay $0x1  }
0x15d: {  	v9 =	vmax.f32 v9, $0.0e+00  }
0x15e: {  	[tilespmem:s0+$0x50] =	vst v9;
	v9 =	vld [tilespmem:s0+$0x60]  }
0x15f: {  	v10 =	vld [tilespmem:s12+$0x60]  }
0x160: {  	v11 =	vld [tilespmem:s22+$0x60];
	_ =	sdelay $0x3  }
0x161: {  	v9 =	vadd.f32 v10, v9;
	_ =	sdelay $0x1  }
0x162: {  	v9 =	vadd.f32 v11, v9;
	_ =	sdelay $0x1  }
0x163: {  	v9 =	vmax.f32 v9, $0.0e+00  }
0x164: {  	[tilespmem:s0+$0x60] =	vst v9;
	v9 =	vld [tilespmem:s0+$0x70]  }
0x165: {  	v10 =	vld [tilespmem:s12+$0x70]  }
0x166: {  	v11 =	vld [tilespmem:s22+$0x70];
	_ =	sdelay $0x3  }
.Ltmp6:
0x167: {  	v9 =	vadd.f32 v10, v9;
	(pc) =	sbr.rel @p0 .LBB2_13-.Ltmp6, $3  }
0x168: {  	_ = 	snop  }
0x169: {  	v9 =	vadd.f32 v11, v9;
	_ =	sdelay $0x1  }
0x16a: {  	s0 =	sadd.s32 $0x100, s0;
	v9 =	vmax.f32 v9, $0.0e+00  }
.Ltmp7:
0x16b: {  	(pc) =	sbr.rel .LBB2_15-.Ltmp7, $3  }
0x16c: {  	_ =	sdelay $0x1  }
0x16d: {  	[tilespmem:s14+$0x70] =	vst v9;
	s0 =	simm.s32 $0x2990  }
0x16e: {  	[spmem:s5] =	stream.indirect.scatter.add.f32 [tilespmem:s9], [sflag:$0x6], $0x40, s0, s30, $0xb8;
	[tilespmem:$0x1EDE0] =	vst v63  }
.LBB2_7:
0x16f: {  	p0 =	seq.s32 s7, $0x0  }
0x170: {  	p1 =	seq.s32 @!p0 s7, $0x270  }
0x171: {  	p1 =	por p0, !p1  }
.Ltmp8:
0x172: {  	_ = 	snop;
	(pc) =	sbr.rel @!p1 .LBB2_9-.Ltmp8, $4  }
0x173: {  	s0 =	simm.s32 @!p0 $0x6  }
0x174: {  	_ =	swait.ge @!p0 [sflag:s0], $0x1400  }
0x175: {  	[sflag:s0] =	ssyncset.done @!p0 $0x0  }
0x176: {  	[sflag:s0] =	ssyncadd.s32 @!p0 $0xFFFFEC00  }
0x177: {  	_ =	swait.ge [sflag:s21], $0x50  }
0x178: {  	[sflag:s21] =	ssyncset.done $0x0  }
0x179: {  	[sflag:s21] =	ssyncadd.s32 $0xFFFFFFB0  }
0x17a: {  	_ =	swait.ge [sflag:s21], $0x50  }
0x17b: {  	[sflag:s21] =	ssyncset.done $0x0  }
0x17c: {  	s0 =	sadd.s32 s7, s23;
	[sflag:s21] =	ssyncadd.s32 $0xFFFFFFB0  }
0x17d: {  	s0 =	sshll.u32 s0, $0x4;
	v9 =	vld [tilespmem:$0x2940]  }
0x17e: {  	s12 =	sadd.s32 s7, s24;
	s19 =	sadd.s32 s7, s25;
	s0 =	sand.u32 $0x70, s0;
	v10 =	vld [tilespmem:$0x2950]  }
0x17f: {  	s12 =	sshll.u32 s12, $0x4;
	v12 =	vadd.s32 s0, v2;
	s0 =	sshll.u32 s19, $0x4;
	v11 =	vld [tilespmem:$0x2960]  }
0x180: {  	s14 =	sand.u32 $0x60, s12;
	s0 =	sand.u32 $0x70, s0  }
0x181: {  	v13 =	vadd.s32 s14, v2;
	v61 =	vadd.s32 s0, v2  }
0x182: {  	v15 =	vld [tilespmem:$0x2970];
	vm0 =	vge.s32 v9, v0;
	vm1 =	vlt.s32 v9, v1;
	vm15 =	vgt.s32 v9, $0x61FF  }
0x183: {  	v14 =	vadd.s32 $0xFFFF9E00, v9;
	vm2 =	vge.s32 v10, v0;
	vm3 =	vlt.s32 v10, v1  }
0x184: {  	v16 =	vld [tilespmem:$0x2980];
	vm5 =	vge.s32 v11, v0;
	vm6 =	vlt.s32 v11, v1;
	vm0 =	vmand vm0, vm1  }
0x185: {  	vm7 =	vgt.s32 v10, $0x61FF;
	v62 =	vadd.s32 $0xFFFF9E00, v10;
	v12 =	vsel vm0, v9, v12  }
0x186: {  	s22 =	sxor.u32 $0x4, s7;
	vm8 =	vgt.s32 v11, $0x61FF;
	vm1 =	vmand vm5, vm6;
	v9 =	vsel vm15, v14, v9;
	[tilespmem:$0x2940] =	vst v12  }
0x187: {  	s0 =	sadd.s32 s15, s22;
	vm9 =	vge.s32 v15, v0;
	vm4 =	vmand vm2, vm3;
	v63 =	vsel vm1, v11, v61;
	[tilespmem:$0x2990] =	vst v9  }
0x188: {  	s0 =	sshll.u32 s0, $0x4;
	vm10 =	vlt.s32 v15, v1;
	vm11 =	vgt.s32 v15, $0x61FF;
	v9 =	vsel vm4, v10, v13;
	[tilespmem:$0x2960] =	vst v63  }
0x189: {  	s12 =	sadd.s32 s7, s26;
	s0 =	sand.u32 $0x60, s0;
	vm12 =	vge.s32 v16, v0;
	v10 =	vsel vm7, v62, v10;
	[tilespmem:$0x2950] =	vst v9;
	v9 =	vadd.s32 $0xFFFF9E00, v11  }
0x18a: {  	vm1 =	vmand vm9, vm10;
	[tilespmem:$0x29A0] =	vst v10;
	v10 =	vadd.s32 s0, v2;
	s0 =	sshll.u32 s12, $0x4;
	v9 =	vsel vm8, v9, v11  }
0x18b: {  	vm13 =	vlt.s32 v16, v1;
	v10 =	vsel vm1, v15, v10;
	s0 =	sand.u32 $0x70, s0;
	[tilespmem:$0x29B0] =	vst v9;
	v9 =	vadd.s32 $0xFFFF9E00, v15  }
0x18c: {  	vm14 =	vmand vm12, vm13;
	[tilespmem:$0x2970] =	vst v10;
	v10 =	vadd.s32 s0, v2;
	v9 =	vsel vm11, v9, v15  }
0x18d: {  	vm15 =	vgt.s32 v16, $0x61FF;
	[tilespmem:$0x29C0] =	vst v9;
	v9 =	vsel vm14, v16, v10;
	v10 =	vadd.s32 $0xFFFF9E00, v16  }
0x18e: {  	[tilespmem:$0x2980] =	vst v9;
	v9 =	vsel vm15, v10, v16  }
0x18f: {  	s14 =	simm.s32 $0x28F0;
	[tilespmem:$0x29D0] =	vst v9  }
0x190: {  	[tilespmem:s9], [sflag:$0x4] =	stream.indirect.gather [hbm4b:s1+s30], $0x40, s14, s30, $0xb8;
	[tilespmem:$0x1EDE0] =	vst v63  }
0x191: {  	s19 =	simm.s32 $0x2940;
	s22 =	simm.s32 $0x3DE0  }
0x192: {  	[tilespmem:s22], [sflag:$0x4] =	stream.indirect.gather [hbm4b:s8+s30], $0x40, s19, s30, $0xb8;
	[tilespmem:$0x1EDE0] =	vst v63  }
.LBB2_9:
0x193: {  	_ =	swait.ge [sflag:s17], $0x1400  }
0x194: {  	[sflag:s17] =	ssyncset.done $0x0  }
0x195: {  	[sflag:s17] =	ssyncadd.s32 $0xFFFFEC00  }
0x196: {  	p0 =	sgt.u32 s7, $0x26E;
	_ =	swait.ge [sflag:s10], $0x1400  }
0x197: {  	s0 =	smul.u32 @!p0 $0x50, s7;
	[sflag:s10] =	ssyncset.done $0x0  }
0x198: {  	[sflag:s10] =	ssyncadd.s32 $0xFFFFEC00  }
0x199: {  	s0 =	sadd.s32 @!p0 s0, s18;
	_ =	swait.ge [sflag:s10], $0x1400  }
0x19a: {  	s0 =	sshrl.u32 @!p0 s0, $0x3;
	[sflag:s10] =	ssyncset.done $0x0  }
0x19b: {  	s14 =	simm.s32 @!p0 $0x0;
	s12 =	sadd.s32 @!p0 s3, s0;
	[sflag:s10] =	ssyncadd.s32 $0xFFFFEC00  }
0x19c: {  	[tilespmem:s14], [sflag:$0x1] =	stream.linear.gather @!p0 [hbm4b:s12+s14], $0x50, $0x38;
	[tilespmem:$0x1EDE0] =	vst v63  }
0x19d: {  	s0 =	sadd.s32 @!p0 s4, s0;
	s12 =	simm.s32 @!p0 $0x50  }
0x19e: {  	[tilespmem:s12], [sflag:$0x1] =	stream.linear.gather @!p0 [hbm4b:s0+s14], $0x50, $0x38;
	[tilespmem:$0x1EDE0] =	vst v63  }
0x19f: {  	s14 =	simm.s32 $0x170  }
0x1a0: {  	s12 =	simm.s32 $0x1570;
	v9 =	vld [tilespmem:s14+$0xFFFFFF80]  }
0x1a1: {  	v10 =	vld [tilespmem:s12+$0xFFFFFF80]  }
0x1a2: {  	s22 =	simm.s32 $0x5260  }
0x1a3: {  	v11 =	vld [tilespmem:s22+$0xFFFFFF80];
	_ =	sdelay $0x2  }
0x1a4: {  	v9 =	vadd.f32 v10, v9;
	_ =	sdelay $0x1  }
0x1a5: {  	v9 =	vadd.f32 v11, v9;
	_ =	sdelay $0x1  }
0x1a6: {  	v9 =	vmax.f32 v9, $0.0e+00  }
0x1a7: {  	[tilespmem:s14+$0xFFFFFF80] =	vst v9;
	v9 =	vld [tilespmem:s14+$0xFFFFFF90]  }
0x1a8: {  	v10 =	vld [tilespmem:s12+$0xFFFFFF90];
	_ =	sdelay $0x1  }
0x1a9: {  	v11 =	vld [tilespmem:s22+$0xFFFFFF90];
	_ =	sdelay $0x2  }
0x1aa: {  	v9 =	vadd.f32 v10, v9;
	_ =	sdelay $0x1  }
0x1ab: {  	v9 =	vadd.f32 v11, v9;
	_ =	sdelay $0x1  }
0x1ac: {  	v9 =	vmax.f32 v9, $0.0e+00  }
0x1ad: {  	[tilespmem:s14+$0xFFFFFF90] =	vst v9;
	v9 =	vld [tilespmem:s14+$0xFFFFFFA0]  }
0x1ae: {  	v10 =	vld [tilespmem:s12+$0xFFFFFFA0];
	_ =	sdelay $0x1  }
0x1af: {  	v11 =	vld [tilespmem:s22+$0xFFFFFFA0];
	_ =	sdelay $0x2  }
0x1b0: {  	v9 =	vadd.f32 v10, v9;
	_ =	sdelay $0x1  }
0x1b1: {  	v9 =	vadd.f32 v11, v9;
	_ =	sdelay $0x1  }
0x1b2: {  	v9 =	vmax.f32 v9, $0.0e+00  }
0x1b3: {  	[tilespmem:s14+$0xFFFFFFA0] =	vst v9;
	v9 =	vld [tilespmem:s14+$0xFFFFFFB0]  }
0x1b4: {  	v10 =	vld [tilespmem:s12+$0xFFFFFFB0];
	_ =	sdelay $0x1  }
0x1b5: {  	v11 =	vld [tilespmem:s22+$0xFFFFFFB0];
	_ =	sdelay $0x2  }
0x1b6: {  	v9 =	vadd.f32 v10, v9;
	_ =	sdelay $0x1  }
0x1b7: {  	v9 =	vadd.f32 v11, v9;
	_ =	sdelay $0x1  }
0x1b8: {  	v9 =	vmax.f32 v9, $0.0e+00  }
0x1b9: {  	[tilespmem:s14+$0xFFFFFFB0] =	vst v9;
	v9 =	vld [tilespmem:s14+$0xFFFFFFC0]  }
0x1ba: {  	v10 =	vld [tilespmem:s12+$0xFFFFFFC0];
	_ =	sdelay $0x1  }
0x1bb: {  	v11 =	vld [tilespmem:s22+$0xFFFFFFC0];
	_ =	sdelay $0x2  }
0x1bc: {  	v9 =	vadd.f32 v10, v9;
	_ =	sdelay $0x1  }
0x1bd: {  	v9 =	vadd.f32 v11, v9;
	_ =	sdelay $0x1  }
0x1be: {  	v9 =	vmax.f32 v9, $0.0e+00  }
0x1bf: {  	[tilespmem:s14+$0xFFFFFFC0] =	vst v9;
	v9 =	vld [tilespmem:s14+$0xFFFFFFD0]  }
0x1c0: {  	v10 =	vld [tilespmem:s12+$0xFFFFFFD0];
	_ =	sdelay $0x1  }
0x1c1: {  	v11 =	vld [tilespmem:s22+$0xFFFFFFD0];
	_ =	sdelay $0x2  }
0x1c2: {  	v9 =	vadd.f32 v10, v9;
	_ =	sdelay $0x1  }
0x1c3: {  	v9 =	vadd.f32 v11, v9;
	_ =	sdelay $0x1  }
0x1c4: {  	v9 =	vmax.f32 v9, $0.0e+00  }
0x1c5: {  	[tilespmem:s14+$0xFFFFFFD0] =	vst v9;
	v9 =	vld [tilespmem:s14+$0xFFFFFFE0]  }
0x1c6: {  	v10 =	vld [tilespmem:s12+$0xFFFFFFE0];
	_ =	sdelay $0x1  }
0x1c7: {  	v11 =	vld [tilespmem:s22+$0xFFFFFFE0];
	_ =	sdelay $0x2  }
0x1c8: {  	v9 =	vadd.f32 v10, v9;
	_ =	sdelay $0x1  }
0x1c9: {  	v9 =	vadd.f32 v11, v9;
	_ =	sdelay $0x1  }
0x1ca: {  	v9 =	vmax.f32 v9, $0.0e+00  }
0x1cb: {  	[tilespmem:s14+$0xFFFFFFE0] =	vst v9;
	v9 =	vld [tilespmem:s14+$0xFFFFFFF0]  }
0x1cc: {  	v10 =	vld [tilespmem:s12+$0xFFFFFFF0];
	_ =	sdelay $0x1  }
0x1cd: {  	v11 =	vld [tilespmem:s22+$0xFFFFFFF0];
	_ =	sdelay $0x2  }
0x1ce: {  	v9 =	vadd.f32 v10, v9;
	_ =	sdelay $0x1  }
0x1cf: {  	v9 =	vadd.f32 v11, v9;
	_ =	sdelay $0x1  }
0x1d0: {  	v9 =	vmax.f32 v9, $0.0e+00  }
0x1d1: {  	[tilespmem:s14+$0xFFFFFFF0] =	vst v9;
	v9 =	vld [tilespmem:s14+$0x0]  }
0x1d2: {  	v10 =	vld [tilespmem:s12+$0x0];
	_ =	sdelay $0x1  }
0x1d3: {  	v11 =	vld [tilespmem:s22+$0x0];
	_ =	sdelay $0x2  }
0x1d4: {  	v9 =	vadd.f32 v10, v9;
	_ =	sdelay $0x1  }
0x1d5: {  	v9 =	vadd.f32 v11, v9;
	_ =	sdelay $0x1  }
0x1d6: {  	v9 =	vmax.f32 v9, $0.0e+00  }
0x1d7: {  	[tilespmem:s14+$0x0] =	vst v9;
	v9 =	vld [tilespmem:s14+$0x10]  }
0x1d8: {  	v10 =	vld [tilespmem:s12+$0x10];
	_ =	sdelay $0x1  }
0x1d9: {  	v11 =	vld [tilespmem:s22+$0x10];
	_ =	sdelay $0x2  }
0x1da: {  	v9 =	vadd.f32 v10, v9;
	_ =	sdelay $0x1  }
0x1db: {  	v9 =	vadd.f32 v11, v9;
	_ =	sdelay $0x1  }
0x1dc: {  	v9 =	vmax.f32 v9, $0.0e+00  }
0x1dd: {  	[tilespmem:s14+$0x10] =	vst v9;
	v9 =	vld [tilespmem:s14+$0x20]  }
0x1de: {  	v10 =	vld [tilespmem:s12+$0x20];
	_ =	sdelay $0x1  }
0x1df: {  	v11 =	vld [tilespmem:s22+$0x20];
	_ =	sdelay $0x2  }
0x1e0: {  	v9 =	vadd.f32 v10, v9;
	_ =	sdelay $0x1  }
0x1e1: {  	v9 =	vadd.f32 v11, v9;
	_ =	sdelay $0x1  }
0x1e2: {  	v9 =	vmax.f32 v9, $0.0e+00  }
0x1e3: {  	[tilespmem:s14+$0x20] =	vst v9;
	v9 =	vld [tilespmem:s14+$0x30]  }
0x1e4: {  	v10 =	vld [tilespmem:s12+$0x30];
	_ =	sdelay $0x1  }
0x1e5: {  	v11 =	vld [tilespmem:s22+$0x30];
	_ =	sdelay $0x2  }
0x1e6: {  	v9 =	vadd.f32 v10, v9;
	_ =	sdelay $0x1  }
0x1e7: {  	v9 =	vadd.f32 v11, v9;
	_ =	sdelay $0x1  }
0x1e8: {  	v9 =	vmax.f32 v9, $0.0e+00  }
0x1e9: {  	[tilespmem:s14+$0x30] =	vst v9;
	v9 =	vld [tilespmem:s14+$0x40]  }
0x1ea: {  	v10 =	vld [tilespmem:s12+$0x40];
	_ =	sdelay $0x1  }
0x1eb: {  	v11 =	vld [tilespmem:s22+$0x40];
	_ =	sdelay $0x2  }
0x1ec: {  	v9 =	vadd.f32 v10, v9;
	_ =	sdelay $0x1  }
0x1ed: {  	v9 =	vadd.f32 v11, v9;
	_ =	sdelay $0x1  }
0x1ee: {  	v9 =	vmax.f32 v9, $0.0e+00  }
0x1ef: {  	[tilespmem:s14+$0x40] =	vst v9;
	v9 =	vld [tilespmem:s14+$0x50]  }
0x1f0: {  	v10 =	vld [tilespmem:s12+$0x50];
	_ =	sdelay $0x1  }
0x1f1: {  	v11 =	vld [tilespmem:s22+$0x50];
	_ =	sdelay $0x2  }
0x1f2: {  	v9 =	vadd.f32 v10, v9;
	_ =	sdelay $0x1  }
0x1f3: {  	v9 =	vadd.f32 v11, v9;
	_ =	sdelay $0x1  }
0x1f4: {  	v9 =	vmax.f32 v9, $0.0e+00  }
0x1f5: {  	[tilespmem:s14+$0x50] =	vst v9;
	v9 =	vld [tilespmem:s14+$0x60]  }
0x1f6: {  	v10 =	vld [tilespmem:s12+$0x60];
	_ =	sdelay $0x1  }
0x1f7: {  	v11 =	vld [tilespmem:s22+$0x60];
	_ =	sdelay $0x2  }
0x1f8: {  	v9 =	vadd.f32 v10, v9;
	_ =	sdelay $0x1  }
0x1f9: {  	v9 =	vadd.f32 v11, v9;
	_ =	sdelay $0x1  }
0x1fa: {  	v9 =	vmax.f32 v9, $0.0e+00  }
0x1fb: {  	[tilespmem:s14+$0x60] =	vst v9;
	v9 =	vld [tilespmem:s14+$0x70]  }
0x1fc: {  	v10 =	vld [tilespmem:s12+$0x70];
	_ =	sdelay $0x1  }
0x1fd: {  	v11 =	vld [tilespmem:s22+$0x70];
	_ =	sdelay $0x2  }
0x1fe: {  	v9 =	vadd.f32 v10, v9;
	_ =	sdelay $0x1  }
0x1ff: {  	v9 =	vadd.f32 v11, v9;
	_ =	sdelay $0x1  }
0x200: {  	s19 =	simm.s32 $0x0;
	s0 =	simm.s32 $0x270;
	v9 =	vmax.f32 v9, $0.0e+00  }
.LBB2_10:
0x201: {  	v10 =	vld [tilespmem:s0+$0xFFFFFF80];
	s19 =	sadd.s32 $0x2, s19;
	[tilespmem:s14+$0x70] =	vst v9;
	s12 =	sadd.s32 $0x100, s12;
	s22 =	sadd.s32 $0x100, s22  }
0x202: {  	s14 =	smov.u32 s0;
	v9 =	vld [tilespmem:s12+$0xFFFFFF80];
	p0 =	slt.u32 s19, $0x26;
	_ =	sdelay $0x1  }
0x203: {  	v11 =	vld [tilespmem:s22+$0xFFFFFF80];
	_ =	sdelay $0x2  }
0x204: {  	v9 =	vadd.f32 v9, v10;
	_ =	sdelay $0x1  }
0x205: {  	v9 =	vadd.f32 v11, v9;
	_ =	sdelay $0x1  }
0x206: {  	v9 =	vmax.f32 v9, $0.0e+00  }
0x207: {  	[tilespmem:s0+$0xFFFFFF80] =	vst v9;
	v9 =	vld [tilespmem:s0+$0xFFFFFF90]  }
0x208: {  	v10 =	vld [tilespmem:s12+$0xFFFFFF90];
	_ =	sdelay $0x1  }
0x209: {  	v11 =	vld [tilespmem:s22+$0xFFFFFF90];
	_ =	sdelay $0x2  }
0x20a: {  	v9 =	vadd.f32 v10, v9;
	_ =	sdelay $0x1  }
0x20b: {  	v9 =	vadd.f32 v11, v9;
	_ =	sdelay $0x1  }
0x20c: {  	v9 =	vmax.f32 v9, $0.0e+00  }
0x20d: {  	[tilespmem:s0+$0xFFFFFF90] =	vst v9;
	v9 =	vld [tilespmem:s0+$0xFFFFFFA0]  }
0x20e: {  	v10 =	vld [tilespmem:s12+$0xFFFFFFA0];
	_ =	sdelay $0x1  }
0x20f: {  	v11 =	vld [tilespmem:s22+$0xFFFFFFA0];
	_ =	sdelay $0x2  }
0x210: {  	v9 =	vadd.f32 v10, v9;
	_ =	sdelay $0x1  }
0x211: {  	v9 =	vadd.f32 v11, v9;
	_ =	sdelay $0x1  }
0x212: {  	v9 =	vmax.f32 v9, $0.0e+00  }
0x213: {  	[tilespmem:s0+$0xFFFFFFA0] =	vst v9;
	v9 =	vld [tilespmem:s0+$0xFFFFFFB0]  }
0x214: {  	v10 =	vld [tilespmem:s12+$0xFFFFFFB0];
	_ =	sdelay $0x1  }
0x215: {  	v11 =	vld [tilespmem:s22+$0xFFFFFFB0];
	_ =	sdelay $0x2  }
0x216: {  	v9 =	vadd.f32 v10, v9;
	_ =	sdelay $0x1  }
0x217: {  	v9 =	vadd.f32 v11, v9;
	_ =	sdelay $0x1  }
0x218: {  	v9 =	vmax.f32 v9, $0.0e+00  }
0x219: {  	[tilespmem:s0+$0xFFFFFFB0] =	vst v9;
	v9 =	vld [tilespmem:s0+$0xFFFFFFC0]  }
0x21a: {  	v10 =	vld [tilespmem:s12+$0xFFFFFFC0];
	_ =	sdelay $0x1  }
0x21b: {  	v11 =	vld [tilespmem:s22+$0xFFFFFFC0];
	_ =	sdelay $0x2  }
0x21c: {  	v9 =	vadd.f32 v10, v9;
	_ =	sdelay $0x1  }
0x21d: {  	v9 =	vadd.f32 v11, v9;
	_ =	sdelay $0x1  }
0x21e: {  	v9 =	vmax.f32 v9, $0.0e+00  }
0x21f: {  	[tilespmem:s0+$0xFFFFFFC0] =	vst v9;
	v9 =	vld [tilespmem:s0+$0xFFFFFFD0]  }
0x220: {  	v10 =	vld [tilespmem:s12+$0xFFFFFFD0];
	_ =	sdelay $0x1  }
0x221: {  	v11 =	vld [tilespmem:s22+$0xFFFFFFD0];
	_ =	sdelay $0x2  }
0x222: {  	v9 =	vadd.f32 v10, v9;
	_ =	sdelay $0x1  }
0x223: {  	v9 =	vadd.f32 v11, v9;
	_ =	sdelay $0x1  }
0x224: {  	v9 =	vmax.f32 v9, $0.0e+00  }
0x225: {  	[tilespmem:s0+$0xFFFFFFD0] =	vst v9;
	v9 =	vld [tilespmem:s0+$0xFFFFFFE0]  }
0x226: {  	v10 =	vld [tilespmem:s12+$0xFFFFFFE0];
	_ =	sdelay $0x1  }
0x227: {  	v11 =	vld [tilespmem:s22+$0xFFFFFFE0];
	_ =	sdelay $0x2  }
0x228: {  	v9 =	vadd.f32 v10, v9;
	_ =	sdelay $0x1  }
0x229: {  	v9 =	vadd.f32 v11, v9;
	_ =	sdelay $0x1  }
0x22a: {  	v9 =	vmax.f32 v9, $0.0e+00  }
0x22b: {  	[tilespmem:s0+$0xFFFFFFE0] =	vst v9;
	v9 =	vld [tilespmem:s0+$0xFFFFFFF0]  }
0x22c: {  	v10 =	vld [tilespmem:s12+$0xFFFFFFF0];
	_ =	sdelay $0x1  }
0x22d: {  	v11 =	vld [tilespmem:s22+$0xFFFFFFF0];
	_ =	sdelay $0x2  }
0x22e: {  	v9 =	vadd.f32 v10, v9;
	_ =	sdelay $0x1  }
0x22f: {  	v9 =	vadd.f32 v11, v9;
	_ =	sdelay $0x1  }
0x230: {  	v9 =	vmax.f32 v9, $0.0e+00  }
0x231: {  	[tilespmem:s0+$0xFFFFFFF0] =	vst v9;
	v9 =	vld [tilespmem:s0+$0x0]  }
0x232: {  	v10 =	vld [tilespmem:s12+$0x0];
	_ =	sdelay $0x1  }
0x233: {  	v11 =	vld [tilespmem:s22+$0x0];
	_ =	sdelay $0x2  }
0x234: {  	v9 =	vadd.f32 v10, v9;
	_ =	sdelay $0x1  }
0x235: {  	v9 =	vadd.f32 v11, v9;
	_ =	sdelay $0x1  }
0x236: {  	v9 =	vmax.f32 v9, $0.0e+00  }
0x237: {  	[tilespmem:s0+$0x0] =	vst v9;
	v9 =	vld [tilespmem:s0+$0x10]  }
0x238: {  	v10 =	vld [tilespmem:s12+$0x10]  }
0x239: {  	v11 =	vld [tilespmem:s22+$0x10];
	_ =	sdelay $0x3  }
0x23a: {  	v9 =	vadd.f32 v10, v9;
	_ =	sdelay $0x1  }
0x23b: {  	v9 =	vadd.f32 v11, v9;
	_ =	sdelay $0x1  }
0x23c: {  	v9 =	vmax.f32 v9, $0.0e+00  }
0x23d: {  	[tilespmem:s0+$0x10] =	vst v9;
	v9 =	vld [tilespmem:s0+$0x20]  }
0x23e: {  	v10 =	vld [tilespmem:s12+$0x20]  }
0x23f: {  	v11 =	vld [tilespmem:s22+$0x20];
	_ =	sdelay $0x3  }
0x240: {  	v9 =	vadd.f32 v10, v9;
	_ =	sdelay $0x1  }
0x241: {  	v9 =	vadd.f32 v11, v9;
	_ =	sdelay $0x1  }
0x242: {  	v9 =	vmax.f32 v9, $0.0e+00  }
0x243: {  	[tilespmem:s0+$0x20] =	vst v9;
	v9 =	vld [tilespmem:s0+$0x30]  }
0x244: {  	v10 =	vld [tilespmem:s12+$0x30]  }
0x245: {  	v11 =	vld [tilespmem:s22+$0x30];
	_ =	sdelay $0x3  }
0x246: {  	v9 =	vadd.f32 v10, v9;
	_ =	sdelay $0x1  }
0x247: {  	v9 =	vadd.f32 v11, v9;
	_ =	sdelay $0x1  }
0x248: {  	v9 =	vmax.f32 v9, $0.0e+00  }
0x249: {  	[tilespmem:s0+$0x30] =	vst v9;
	v9 =	vld [tilespmem:s0+$0x40]  }
0x24a: {  	v10 =	vld [tilespmem:s12+$0x40]  }
0x24b: {  	v11 =	vld [tilespmem:s22+$0x40];
	_ =	sdelay $0x3  }
0x24c: {  	v9 =	vadd.f32 v10, v9;
	_ =	sdelay $0x1  }
0x24d: {  	v9 =	vadd.f32 v11, v9;
	_ =	sdelay $0x1  }
0x24e: {  	v9 =	vmax.f32 v9, $0.0e+00  }
0x24f: {  	[tilespmem:s0+$0x40] =	vst v9;
	v9 =	vld [tilespmem:s0+$0x50]  }
0x250: {  	v10 =	vld [tilespmem:s12+$0x50]  }
0x251: {  	v11 =	vld [tilespmem:s22+$0x50];
	_ =	sdelay $0x3  }
0x252: {  	v9 =	vadd.f32 v10, v9;
	_ =	sdelay $0x1  }
0x253: {  	v9 =	vadd.f32 v11, v9;
	_ =	sdelay $0x1  }
0x254: {  	v9 =	vmax.f32 v9, $0.0e+00  }
0x255: {  	[tilespmem:s0+$0x50] =	vst v9;
	v9 =	vld [tilespmem:s0+$0x60]  }
0x256: {  	v10 =	vld [tilespmem:s12+$0x60]  }
0x257: {  	v11 =	vld [tilespmem:s22+$0x60];
	_ =	sdelay $0x3  }
0x258: {  	v9 =	vadd.f32 v10, v9;
	_ =	sdelay $0x1  }
0x259: {  	v9 =	vadd.f32 v11, v9;
	_ =	sdelay $0x1  }
0x25a: {  	v9 =	vmax.f32 v9, $0.0e+00  }
0x25b: {  	[tilespmem:s0+$0x60] =	vst v9;
	v9 =	vld [tilespmem:s0+$0x70]  }
0x25c: {  	v10 =	vld [tilespmem:s12+$0x70]  }
0x25d: {  	v11 =	vld [tilespmem:s22+$0x70];
	_ =	sdelay $0x3  }
.Ltmp9:
0x25e: {  	v9 =	vadd.f32 v10, v9;
	(pc) =	sbr.rel @p0 .LBB2_10-.Ltmp9, $3  }
0x25f: {  	_ = 	snop  }
0x260: {  	v9 =	vadd.f32 v11, v9;
	_ =	sdelay $0x1  }
0x261: {  	s0 =	sadd.s32 $0x100, s0;
	v9 =	vmax.f32 v9, $0.0e+00  }
.Ltmp10:
0x262: {  	_ = 	snop;
	(pc) =	sbr.rel .LBB2_11-.Ltmp10, $1  }
0x263: {  	_ =	sdelay $0x3  }
.LBB2_16:
0x264: {  	_ =	swait.ge [sflag:s16], $0x1400  }
0x265: {  	[sflag:s16] =	ssyncset.done $0x0  }
0x266: {  	[sflag:s16] =	ssyncadd.s32 $0xFFFFEC00  }
0x267: {  	[bflag:$0x0] =	sbarrier.arrive $0xFFFF  }
0x268: {  	s0 =	rddreg [dreg:$0xb]  }
0x269: {  	s14 =	rddreg [dreg:$0x11]  }
0x26a: {  	s12 =	rddreg [dreg:$0x10];
	s0 =	sor.u32 $0x1C08, s0;
	s7 =	sshrl.u32 s14, $0x3  }
0x26b: {  	[hbm:s12], [sflag:s0] =	dma.local [spmem:s7], $0x400  }
0x26c: {  	s7 =	rddreg [dreg:$0xe]  }
0x26d: {  	p0 =	sne.s32 s7, $0x1  }
.Ltmp11:
0x26e: {  	_ = 	snop;
	(pc) =	sbr.rel @!p0 .LBB2_18-.Ltmp11, $3  }
0x26f: {  	_ =	sdelay $0x1  }
0x270: {  	s14 =	sadd.s32 $0x20000, s14;
	_ =	swait.ge [sflag:s29], $0x400  }
0x271: {  	s12 =	sadd.s32 $0x4000, s12;
	s7 =	sadd.s32 $0xFFFFFFFF, s7;
	[sflag:s29] =	ssyncset.done $0x0  }
.LBB2_17:
0x272: {  	s19 =	sshrl.u32 s14, $0x3;
	[sflag:s29] =	ssyncadd.s32 $0xFFFFFC00;
	p0 =	sne.s32 s7, $0x1  }
0x273: {  	[hbm:s12], [sflag:s0] =	dma.local [spmem:s19], $0x400  }
.Ltmp12:
0x274: {  	_ = 	snop;
	(pc) =	sbr.rel @p0 .LBB2_17-.Ltmp12, $4  }
0x275: {  	_ = 	snop  }
0x276: {  	s7 =	sadd.s32 $0xFFFFFFFF, s7  }
0x277: {  	_ =	swait.ge [sflag:s29], $0x400  }
0x278: {  	s14 =	sadd.s32 $0x20000, s14;
	s12 =	sadd.s32 $0x4000, s12;
	[sflag:s29] =	ssyncset.done $0x0  }
.LBB2_18:
0x279: {  	s7 =	rddreg [dreg:$0x12]  }
0x27a: {  	s0 =	rddreg [dreg:$0xf];
	s7 =	sadd.s32 $0x1, s7  }
0x27b: {  	p0 =	sne.s32 s7, s0  }
.Ltmp13:
0x27c: {  	_ = 	snop;
	(pc) =	sbr.rel @p0 .LBB2_1-.Ltmp13, $2  }
0x27d: {  	_ =	sdelay $0x2  }
0x27e: {  	[sflag:s29] =	ssyncadd.s32 $0xFFFFFC00  }
0x27f: {  	_ =	sfence.sel $0x180000  }
0x280: {  	[bflag:$0x0] =	sbarrier.arrive $0xFFFF  }
0x281: {  	_ =	strace $0x90000047  }
0x282: {  	s0 =	stileid.u32;
	[bflag:$0x2] =	sbarrier.arrive $0xFFFF  }
0x283: {  	p0 =	sne.s32 s0, $0x0;
	s0 =	rddreg [dreg:$0x6]  }
0x284: {  	s0 =	sadd.s32 @!p0 $0x100000, s0  }
0x285: {  	[sflag:s0] =	ssyncadd.tile.s32 @!p0 $0x1;
	_ =	shalt  }
.Lfunc_end2:
_tile_overlayer_lowered:
.L_overlay_start_2:
0x286: {  	(tag) =	ssettag $0x2  }
0x287: {  	s0 =	rddreg [dreg:$0x0];
	s2 =	stileid.u32  }
0x288: {  	s1 =	rddreg [dreg:$0x1];
	p0 =	sne.s32 s2, $0x0  }
0x289: {  	s3 =	rddreg [dreg:$0x2];
	[bflag:$0x3] =	sbarrier.arrive $0xFFFF;
	s2 =	simm.s32 @!p0 $0x1C08  }
0x28a: {  	[timem:s3], [sflag:s2] =	dma.local @!p0 [hbm:s0], s1  }
0x28b: {  	s0 =	simm.s32 @!p0 $0x8  }
0x28c: {  	_ =	swait.ge @!p0 [sflag:s0], s1  }
0x28d: {  	s1 =	ssub.s32 @!p0 $0x0, s1;
	[sflag:s0] =	ssyncset.done @!p0 $0x0  }
0x28e: {  	[sflag:s0] =	ssyncadd.s32 @!p0 s1  }
0x28f: {  	[bflag:$0x3] =	sbarrier.arrive $0xFFFF  }
0x290: {  	_ =	shalt  }

</sc_bundles>
